<compile_context>
chip_gen: v7x
topology: tpu7x:2x2x1
jax: 0.10.2.dev20260603
libtpu: 0.0.44.dev20260713+nightly
codegen_flags: <defaults>
</compile_context>

<pallas_src>
import functools

import jax
import jax.numpy as jnp
from jax import lax
from jax.experimental import pallas as pl
from jax.experimental.pallas import tpu as pltpu
from jax.experimental.pallas import tpu_sc as plsc

NC = 2
NS = 16
NW = NC * NS
L = 16
CN = 8
NSLOT = 2


def _sc_neighbor_sum(ne1, B, NB, D):
  nch = -(-B // (NW * CN))
  nch = -(-nch // NSLOT) * NSLOT
  npw = nch * CN

  mesh = plsc.VectorSubcoreMesh(
      core_axis_name="c", subcore_axis_name="s",
      num_cores=NC, num_subcores=NS)
  scratch = [
      [pltpu.VMEM((CN * NB * D,), jnp.float32)] * NSLOT,
      [pltpu.VMEM((CN * D,), jnp.float32)] * NSLOT,
      [pltpu.SemaphoreType.DMA] * NSLOT,
      [pltpu.SemaphoreType.DMA] * NSLOT,
  ]
  kd = D // L

  @functools.partial(
      pl.kernel,
      out_type=jax.ShapeDtypeStruct((B * D,), jnp.float32),
      mesh=mesh, scratch_types=scratch)
  def k(ne_h, ns_h, bne, one, sin, sout):
    wid = lax.axis_index("s") * NC + lax.axis_index("c")
    base = wid * npw

    def in_copy(ch, b):
      start = jnp.minimum(base + ch * CN, B - CN)
      return pltpu.make_async_copy(
          ne_h.at[pl.ds(start * NB * D, CN * NB * D)], bne[b], sin[b])

    def out_copy(ch, b):
      start = jnp.minimum(base + ch * CN, B - CN)
      return pltpu.make_async_copy(
          one[b], ns_h.at[pl.ds(start * D, CN * D)], sout[b])

    def compute(b):
      for i in range(CN):
        row0 = i * NB * D

        def nbody(n, accs):
          r = row0 + n * D
          return tuple(
              accs[d] + bne[b][pl.ds(r + d * L, L)] for d in range(kd))

        z = jnp.zeros((L,), jnp.float32)
        accs = lax.fori_loop(0, NB, nbody, (z,) * kd, unroll=2)
        for d in range(kd):
          one[b][pl.ds(i * D + d * L, L)] = accs[d]

    def slot(ch, b, t):
      in_copy(ch, b).wait()

      @pl.when(t > 0)
      def _():
        out_copy(ch - NSLOT, b).wait()

      compute(b)
      out_copy(ch, b).start()

      @pl.when(ch + NSLOT < nch)
      def _():
        in_copy(ch + NSLOT, b).start()

    for b in range(NSLOT):
      in_copy(b, b).start()

    def ring(t, carry):
      for b in range(NSLOT):
        slot(NSLOT * t + b, b, t)
      return carry

    lax.fori_loop(0, nch // NSLOT, ring, 0)
    for b in range(NSLOT):
      out_copy(nch - NSLOT + b, b).wait()

  return k(ne1)


def _tc_ef_partial(eft, W1c, B, NB, DE, D):
  nb_blk = 16

  def body(x_r, w_r, out_r):
    i = pl.program_id(0)
    s = jnp.sum(x_r[...], axis=0)
    part = lax.dot_general(s, w_r[...], (((0,), (0,)), ((), ())),
                           preferred_element_type=jnp.float32)

    @pl.when(i == 0)
    def _():
      out_r[...] = part

    @pl.when(i > 0)
    def _():
      out_r[...] = out_r[...] + part

  return pl.pallas_call(
      body,
      grid=(NB // nb_blk,),
      in_specs=[
          pl.BlockSpec((nb_blk, DE, B), lambda i: (i, 0, 0)),
          pl.BlockSpec((DE, D), lambda i: (0, 0)),
      ],
      out_specs=pl.BlockSpec((B, D), lambda i: (0, 0)),
      out_shape=jax.ShapeDtypeStruct((B, D), jnp.float32),
  )(eft, W1c)


def _tc_edge_partial(et2, P0, src, tm, W1b, b1, W2bc, b2, B, NB, DT, D, tb):

  def body(et_r, p0_r, src_r, tm_r, w1_r, b1_r, w2_r, b2_r, p_r, q_r):
    f32 = jnp.float32
    ts = jnp.sum(et_r[...].reshape(tb, NB, DT), axis=1)
    acc = jnp.dot(ts, w1_r[...], preferred_element_type=f32)
    p_r[...] = acc + p0_r[...] + f32(NB) * b1_r[0, :][None, :]
    q = jnp.dot(src_r[...], w2_r[0:D, :], preferred_element_type=f32)
    q = q + jnp.dot(tm_r[...], w2_r[D:2 * D, :], preferred_element_type=f32)
    q_r[...] = q + b2_r[0, :][None, :]

  return pl.pallas_call(
      body,
      grid=(B // tb,),
      in_specs=[
          pl.BlockSpec((tb * NB, DT), lambda i: (i, 0)),
          pl.BlockSpec((tb, D), lambda i: (i, 0)),
          pl.BlockSpec((tb, D), lambda i: (i, 0)),
          pl.BlockSpec((tb, DT), lambda i: (i, 0)),
          pl.BlockSpec((DT, D), lambda i: (0, 0)),
          pl.BlockSpec((1, D), lambda i: (0, 0)),
          pl.BlockSpec((2 * D, D), lambda i: (0, 0)),
          pl.BlockSpec((1, D), lambda i: (0, 0)),
      ],
      out_specs=[
          pl.BlockSpec((tb, D), lambda i: (i, 0)),
          pl.BlockSpec((tb, D), lambda i: (i, 0)),
      ],
      out_shape=[
          jax.ShapeDtypeStruct((B, D), jnp.float32),
          jax.ShapeDtypeStruct((B, D), jnp.float32),
      ],
  )(et2, P0, src, tm, W1b, b1, W2bc, b2)


def _tc_head(ns, P, Q, W1a, W2a, B, D, tb):

  def body(ns_r, p_r, q_r, w1_r, w2_r, out_r):
    f32 = jnp.float32
    h = jnp.maximum(
        jnp.dot(ns_r[...], w1_r[...], preferred_element_type=f32) + p_r[...],
        0.0)
    out_r[...] = jnp.dot(h, w2_r[...], preferred_element_type=f32) + q_r[...]

  return pl.pallas_call(
      body,
      grid=(B // tb,),
      in_specs=[
          pl.BlockSpec((tb, D), lambda i: (i, 0)),
          pl.BlockSpec((tb, D), lambda i: (i, 0)),
          pl.BlockSpec((tb, D), lambda i: (i, 0)),
          pl.BlockSpec((D, D), lambda i: (0, 0)),
          pl.BlockSpec((D, D), lambda i: (0, 0)),
      ],
      out_specs=pl.BlockSpec((tb, D), lambda i: (i, 0)),
      out_shape=jax.ShapeDtypeStruct((B, D), jnp.float32),
  )(ns, P, Q, W1a, W2a)


def kernel(n_layer, source_node_features, source_nodes_time_embedding,
           neighbor_embeddings, edge_time_embeddings, edge_features, mask,
           W1, b1, W2, b2):
  B, NB, D = neighbor_embeddings.shape
  DT = edge_time_embeddings.shape[2]
  DE = edge_features.shape[2]

  et2 = edge_time_embeddings.reshape(B * NB, DT)
  eft = jnp.transpose(edge_features, (1, 2, 0))

  ns = _sc_neighbor_sum(neighbor_embeddings.reshape(B * NB * D), B, NB,
                        D).reshape(B, D)

  src = source_node_features
  tm = jnp.squeeze(source_nodes_time_embedding, axis=1)
  P0 = _tc_ef_partial(eft, W1[D + DT:, :], B, NB, DE, D)
  P, Q = _tc_edge_partial(et2, P0, src, tm, W1[D:D + DT, :],
                          b1.reshape(1, D), W2[D:, :], b2.reshape(1, D),
                          B, NB, DT, D, tb=400)

  return _tc_head(ns, P, Q, W1[0:D, :], W2[0:D, :], B, D, tb=2000)

# --- scband reference (transcript-rebuilt; emitter-appended) ---
"""Pipeline reference for scband-graph-sum-embedding-20615843020930 (READ-ONLY COPY).

The authoritative reference and input builder live on the scoring server;
editing this copy changes nothing except your own understanding.
"""

import jax, jax.numpy as jnp
import numpy as np

B, NB = 10000, 32
D, DT, DE = 128, 128, 16

def setup_inputs(seed: int = 0) -> dict:
    key = jax.random.key(seed)
    ks = jax.random.split(key, 8)
    inp = {
        "n_layer": 1,
        "source_node_features": jax.random.normal(ks[0], (B, D), dtype=jnp.float32),
        "source_nodes_time_embedding": jax.random.normal(ks[1], (B, 1, DT), dtype=jnp.float32),
        "neighbor_embeddings": jax.random.normal(ks[2], (B, NB, D), dtype=jnp.float32),
        "edge_time_embeddings": jax.random.normal(ks[3], (B, NB, DT), dtype=jnp.float32),
        "edge_features": jax.random.normal(ks[4], (B, NB, DE), dtype=jnp.float32),
        "mask": jnp.zeros((B, NB), dtype=jnp.bool_),
        # learned parameters for linear_1[0] and linear_2[0]
        # linear_1: in = embedding_dimension + n_time_features + n_edge_features = 272, out = 128
        "W1": jax.random.normal(ks[5], (D + DT + DE, D), dtype=jnp.float32) * 0.05,
        "b1": jnp.zeros((D,), dtype=jnp.float32),
        # linear_2: in = embedding_dimension + n_node_features + n_time_features = 384, out = 128
        "W2": jax.random.normal(ks[6], (D + D + DT, D), dtype=jnp.float32) * 0.05,
        "b2": jnp.zeros((D,), dtype=jnp.float32),
    }
    return inp

def reference(n_layer, source_node_features, source_nodes_time_embedding, neighbor_embeddings, edge_time_embeddings, edge_features, mask, W1, b1, W2, b2):
    # neighbors_features = cat([neighbor_embeddings, edge_time_embeddings, edge_features], dim=2)
    neighbors_features = jnp.concatenate([neighbor_embeddings, edge_time_embeddings, edge_features], axis=2)
    # linear_1[n_layer - 1]
    neighbor_emb = neighbors_features @ W1 + b1
    # relu(sum over neighbor dim)
    neighbors_sum = jax.nn.relu(jnp.sum(neighbor_emb, axis=1))
    # source_features = cat([source_node_features, time_embedding.squeeze()], dim=1)
    source_features = jnp.concatenate([source_node_features, jnp.squeeze(source_nodes_time_embedding, axis=1)], axis=1)
    source_embedding = jnp.concatenate([neighbors_sum, source_features], axis=1)
    # linear_2[n_layer - 1]
    source_embedding = source_embedding @ W2 + b2
    return source_embedding

if __name__ == "__main__":
    import jax
    _d = setup_inputs()
    print(jax.jit(kernel)(*tuple(_d.values())))

</pallas_src>

<mosaic_0001>
#map = affine_map<(d0, d1) -> (0)>
module attributes {stable_mosaic.version = 14 : i64} {
  func.func @k(%arg0: i32, %arg1: i32, %arg2: memref<40960000xf32, #tpu.memory_space<hbm>>, %arg3: memref<1280000xf32, #tpu.memory_space<hbm>>, %arg4: memref<32768xf32, #tpu.memory_space<vmem>>, %arg5: memref<32768xf32, #tpu.memory_space<vmem>>, %arg6: memref<1024xf32, #tpu.memory_space<vmem>>, %arg7: memref<1024xf32, #tpu.memory_space<vmem>>, %arg8: memref<!tpu.dma_semaphore, #tpu.memory_space<semaphore_mem>>, %arg9: memref<!tpu.dma_semaphore, #tpu.memory_space<semaphore_mem>>, %arg10: memref<!tpu.dma_semaphore, #tpu.memory_space<semaphore_mem>>, %arg11: memref<!tpu.dma_semaphore, #tpu.memory_space<semaphore_mem>>) attributes {dimension_semantics = [#tpu.dimension_semantics<core_parallel>, #tpu.dimension_semantics<subcore_parallel>], iteration_bounds = array<i64: 2, 16>, scalar_prefetch = 0 : i64, scratch_operands = 8 : i64, tpu.core_type = #tpu.core_type<sc_vector_subcore>, window_params = [{transform_indices = #map}, {transform_indices = #map}]} {
    %mul3A = arith.constant 2 : i32
    %mul3A_0 = arith.muli %arg1, %mul3A : i32
    %add3A = arith.addi %mul3A_0, %arg0 : i32
    %mul3A_1 = arith.constant 320 : i32
    %mul3A_2 = arith.muli %add3A, %mul3A_1 : i32
    %add3A_3 = arith.constant 0 : i32
    %add3A_4 = arith.addi %mul3A_2, %add3A_3 : i32
    %min3A = arith.constant 9992 : i32
    %min3A_5 = arith.minsi %add3A_4, %min3A : i32
    %mul3A_6 = arith.constant 32 : i32
    %mul3A_7 = arith.muli %min3A_5, %mul3A_6 : i32
    %mul3A_8 = arith.constant 128 : i32
    %mul3A_9 = arith.muli %mul3A_7, %mul3A_8 : i32
    %dma_start3A = tpu.memref_slice %arg2[%mul3A_9] : memref<40960000xf32, #tpu.memory_space<hbm>> -> memref<32768xf32, #tpu.memory_space<hbm>>
    %dma_start3A_10 = tpu.memref_slice %arg2[%mul3A_9] : memref<40960000xf32, #tpu.memory_space<hbm>> -> memref<32768xf32, #tpu.memory_space<hbm>>
    tpu.enqueue_dma source(%dma_start3A_10 : memref<32768xf32, #tpu.memory_space<hbm>>) target(%arg4 : memref<32768xf32, #tpu.memory_space<vmem>>) target_semaphore(%arg8 : memref<!tpu.dma_semaphore, #tpu.memory_space<semaphore_mem>>)
    %add3A_11 = arith.constant 8 : i32
    %add3A_12 = arith.addi %mul3A_2, %add3A_11 : i32
    %min3A_13 = arith.constant 9992 : i32
    %min3A_14 = arith.minsi %add3A_12, %min3A_13 : i32
    %mul3A_15 = arith.constant 32 : i32
    %mul3A_16 = arith.muli %min3A_14, %mul3A_15 : i32
    %mul3A_17 = arith.constant 128 : i32
    %mul3A_18 = arith.muli %mul3A_16, %mul3A_17 : i32
    %dma_start3A_19 = tpu.memref_slice %arg2[%mul3A_18] : memref<40960000xf32, #tpu.memory_space<hbm>> -> memref<32768xf32, #tpu.memory_space<hbm>>
    %dma_start3A_20 = tpu.memref_slice %arg2[%mul3A_18] : memref<40960000xf32, #tpu.memory_space<hbm>> -> memref<32768xf32, #tpu.memory_space<hbm>>
    tpu.enqueue_dma source(%dma_start3A_20 : memref<32768xf32, #tpu.memory_space<hbm>>) target(%arg5 : memref<32768xf32, #tpu.memory_space<vmem>>) target_semaphore(%arg9 : memref<!tpu.dma_semaphore, #tpu.memory_space<semaphore_mem>>)
    %scan3A = arith.constant 0 : i32
    %scan3A_21 = arith.constant 0 : i32
    %scan3A_22 = arith.constant 20 : i32
    %scan3A_23 = arith.addi %scan3A_21, %scan3A_22 : i32
    %scan3A_24 = arith.constant 1 : i32
    scf.for %scan3A_41 = %scan3A_21 to %scan3A_23 step %scan3A_24  : i32 {
      %mul3A_42 = arith.constant 2 : i32
      %mul3A_43 = arith.muli %mul3A_42, %scan3A_41 : i32
      %add3A_44 = arith.constant 0 : i32
      %add3A_45 = arith.addi %mul3A_43, %add3A_44 : i32
      %mul3A_46 = arith.constant 8 : i32
      %mul3A_47 = arith.muli %add3A_45, %mul3A_46 : i32
      %add3A_48 = arith.addi %mul3A_2, %mul3A_47 : i32
      %min3A_49 = arith.constant 9992 : i32
      %min3A_50 = arith.minsi %add3A_48, %min3A_49 : i32
      %mul3A_51 = arith.constant 32 : i32
      %mul3A_52 = arith.muli %min3A_50, %mul3A_51 : i32
      %mul3A_53 = arith.constant 128 : i32
      %mul3A_54 = arith.muli %mul3A_52, %mul3A_53 : i32
      %dma_wait3A_55 = tpu.memref_slice %arg2[%mul3A_54] : memref<40960000xf32, #tpu.memory_space<hbm>> -> memref<32768xf32, #tpu.memory_space<hbm>>
      %dma_wait3A_56 = tpu.memref_slice %arg2[%mul3A_54] : memref<40960000xf32, #tpu.memory_space<hbm>> -> memref<32768xf32, #tpu.memory_space<hbm>>
      tpu.wait_dma2 semaphore(%arg8 : memref<!tpu.dma_semaphore, #tpu.memory_space<semaphore_mem>>) src(%dma_wait3A_56 : memref<32768xf32, #tpu.memory_space<hbm>>) dst(%arg4 : memref<32768xf32, #tpu.memory_space<vmem>>)
      %gt3A = arith.constant 0 : i32
      %gt3A_57 = arith.cmpi sgt, %scan3A_41, %gt3A : i32
      %convert_element_type3A = arith.extui %gt3A_57 : i1 to i32
      %cond3A = arith.constant 0 : i32
      %cond3A_58 = arith.cmpi ne, %convert_element_type3A, %cond3A : i32
      scf.if %cond3A_58 {
        %sub3A = arith.constant 2 : i32
        %sub3A_748 = arith.subi %add3A_45, %sub3A : i32
        %mul3A_749 = arith.constant 8 : i32
        %mul3A_750 = arith.muli %sub3A_748, %mul3A_749 : i32
        %add3A_751 = arith.addi %mul3A_2, %mul3A_750 : i32
        %min3A_752 = arith.constant 9992 : i32
        %min3A_753 = arith.minsi %add3A_751, %min3A_752 : i32
        %mul3A_754 = arith.constant 128 : i32
        %mul3A_755 = arith.muli %min3A_753, %mul3A_754 : i32
        %dma_wait3A_756 = tpu.memref_slice %arg3[%mul3A_755] : memref<1280000xf32, #tpu.memory_space<hbm>> -> memref<1024xf32, #tpu.memory_space<hbm>>
        %dma_wait3A_757 = tpu.memref_slice %arg3[%mul3A_755] : memref<1280000xf32, #tpu.memory_space<hbm>> -> memref<1024xf32, #tpu.memory_space<hbm>>
        tpu.wait_dma2 semaphore(%arg10 : memref<!tpu.dma_semaphore, #tpu.memory_space<semaphore_mem>>) src(%arg6 : memref<1024xf32, #tpu.memory_space<vmem>>) dst(%dma_wait3A_757 : memref<1024xf32, #tpu.memory_space<hbm>>)
      } else {
      }
      %broadcast_in_dim3A = arith.constant 0.000000e+00 : f32
      %broadcast_in_dim3A_59 = vector.broadcast %broadcast_in_dim3A : f32 to vector<16xf32>
      %scan3A_60 = arith.constant 0 : i32
      %scan3A_61 = arith.constant 32 : i32
      %scan3A_62 = arith.addi %scan3A_60, %scan3A_61 : i32
      %scan3A_63 = arith.constant 2 : i32
      %scan3A_64:8 = scf.for %scan3A_748 = %scan3A_60 to %scan3A_62 step %scan3A_63 iter_args(%scan3A_749 = %broadcast_in_dim3A_59, %scan3A_750 = %broadcast_in_dim3A_59, %scan3A_751 = %broadcast_in_dim3A_59, %scan3A_752 = %broadcast_in_dim3A_59, %scan3A_753 = %broadcast_in_dim3A_59, %scan3A_754 = %broadcast_in_dim3A_59, %scan3A_755 = %broadcast_in_dim3A_59, %scan3A_756 = %broadcast_in_dim3A_59) -> (vector<16xf32>, vector<16xf32>, vector<16xf32>, vector<16xf32>, vector<16xf32>, vector<16xf32>, vector<16xf32>, vector<16xf32>)  : i32 {
        %mul3A_757 = arith.constant 128 : i32
        %mul3A_758 = arith.muli %scan3A_748, %mul3A_757 : i32
        %add3A_759 = arith.constant 0 : i32
        %add3A_760 = arith.addi %add3A_759, %mul3A_758 : i32
        %add3A_761 = arith.constant 0 : i32
        %add3A_762 = arith.addi %add3A_760, %add3A_761 : i32
        %get3A = arith.index_cast %add3A_762 : i32 to index
        %get3A_763 = tpu.vector_load %arg4[%get3A] {strides = array<i32>} : memref<32768xf32, #tpu.memory_space<vmem>>, vector<16xf32>,
        %get3A_764 = vector.shape_cast %get3A_763 : vector<16xf32> to vector<16xf32>
        %add3A_765 = arith.addf %scan3A_749, %get3A_764 : vector<16xf32>
        %add3A_766 = arith.constant 16 : i32
        %add3A_767 = arith.addi %add3A_760, %add3A_766 : i32
        %get3A_768 = arith.index_cast %add3A_767 : i32 to index
        %get3A_769 = tpu.vector_load %arg4[%get3A_768] {strides = array<i32>} : memref<32768xf32, #tpu.memory_space<vmem>>, vector<16xf32>,
        %get3A_770 = vector.shape_cast %get3A_769 : vector<16xf32> to vector<16xf32>
        %add3A_771 = arith.addf %scan3A_750, %get3A_770 : vector<16xf32>
        %add3A_772 = arith.constant 32 : i32
        %add3A_773 = arith.addi %add3A_760, %add3A_772 : i32
        %get3A_774 = arith.index_cast %add3A_773 : i32 to index
        %get3A_775 = tpu.vector_load %arg4[%get3A_774] {strides = array<i32>} : memref<32768xf32, #tpu.memory_space<vmem>>, vector<16xf32>,
        %get3A_776 = vector.shape_cast %get3A_775 : vector<16xf32> to vector<16xf32>
        %add3A_777 = arith.addf %scan3A_751, %get3A_776 : vector<16xf32>
        %add3A_778 = arith.constant 48 : i32
        %add3A_779 = arith.addi %add3A_760, %add3A_778 : i32
        %get3A_780 = arith.index_cast %add3A_779 : i32 to index
        %get3A_781 = tpu.vector_load %arg4[%get3A_780] {strides = array<i32>} : memref<32768xf32, #tpu.memory_space<vmem>>, vector<16xf32>,
        %get3A_782 = vector.shape_cast %get3A_781 : vector<16xf32> to vector<16xf32>
        %add3A_783 = arith.addf %scan3A_752, %get3A_782 : vector<16xf32>
        %add3A_784 = arith.constant 64 : i32
        %add3A_785 = arith.addi %add3A_760, %add3A_784 : i32
        %get3A_786 = arith.index_cast %add3A_785 : i32 to index
        %get3A_787 = tpu.vector_load %arg4[%get3A_786] {strides = array<i32>} : memref<32768xf32, #tpu.memory_space<vmem>>, vector<16xf32>,
        %get3A_788 = vector.shape_cast %get3A_787 : vector<16xf32> to vector<16xf32>
        %add3A_789 = arith.addf %scan3A_753, %get3A_788 : vector<16xf32>
        %add3A_790 = arith.constant 80 : i32
        %add3A_791 = arith.addi %add3A_760, %add3A_790 : i32
        %get3A_792 = arith.index_cast %add3A_791 : i32 to index
        %get3A_793 = tpu.vector_load %arg4[%get3A_792] {strides = array<i32>} : memref<32768xf32, #tpu.memory_space<vmem>>, vector<16xf32>,
        %get3A_794 = vector.shape_cast %get3A_793 : vector<16xf32> to vector<16xf32>
        %add3A_795 = arith.addf %scan3A_754, %get3A_794 : vector<16xf32>
        %add3A_796 = arith.constant 96 : i32
        %add3A_797 = arith.addi %add3A_760, %add3A_796 : i32
        %get3A_798 = arith.index_cast %add3A_797 : i32 to index
        %get3A_799 = tpu.vector_load %arg4[%get3A_798] {strides = array<i32>} : memref<32768xf32, #tpu.memory_space<vmem>>, vector<16xf32>,
        %get3A_800 = vector.shape_cast %get3A_799 : vector<16xf32> to vector<16xf32>
        %add3A_801 = arith.addf %scan3A_755, %get3A_800 : vector<16xf32>
        %add3A_802 = arith.constant 112 : i32
        %add3A_803 = arith.addi %add3A_760, %add3A_802 : i32
        %get3A_804 = arith.index_cast %add3A_803 : i32 to index
        %get3A_805 = tpu.vector_load %arg4[%get3A_804] {strides = array<i32>} : memref<32768xf32, #tpu.memory_space<vmem>>, vector<16xf32>,
        %get3A_806 = vector.shape_cast %get3A_805 : vector<16xf32> to vector<16xf32>
        %add3A_807 = arith.addf %scan3A_756, %get3A_806 : vector<16xf32>
        %scan3A_808 = arith.constant 1 : i32
        %scan3A_809 = arith.addi %scan3A_748, %scan3A_808 : i32
        %mul3A_810 = arith.constant 128 : i32
        %mul3A_811 = arith.muli %scan3A_809, %mul3A_810 : i32
        %add3A_812 = arith.constant 0 : i32
        %add3A_813 = arith.addi %add3A_812, %mul3A_811 : i32
        %add3A_814 = arith.constant 0 : i32
        %add3A_815 = arith.addi %add3A_813, %add3A_814 : i32
        %get3A_816 = arith.index_cast %add3A_815 : i32 to index
        %get3A_817 = tpu.vector_load %arg4[%get3A_816] {strides = array<i32>} : memref<32768xf32, #tpu.memory_space<vmem>>, vector<16xf32>,
        %get3A_818 = vector.shape_cast %get3A_817 : vector<16xf32> to vector<16xf32>
        %add3A_819 = arith.addf %add3A_765, %get3A_818 : vector<16xf32>
        %add3A_820 = arith.constant 16 : i32
        %add3A_821 = arith.addi %add3A_813, %add3A_820 : i32
        %get3A_822 = arith.index_cast %add3A_821 : i32 to index
        %get3A_823 = tpu.vector_load %arg4[%get3A_822] {strides = array<i32>} : memref<32768xf32, #tpu.memory_space<vmem>>, vector<16xf32>,
        %get3A_824 = vector.shape_cast %get3A_823 : vector<16xf32> to vector<16xf32>
        %add3A_825 = arith.addf %add3A_771, %get3A_824 : vector<16xf32>
        %add3A_826 = arith.constant 32 : i32
        %add3A_827 = arith.addi %add3A_813, %add3A_826 : i32
        %get3A_828 = arith.index_cast %add3A_827 : i32 to index
        %get3A_829 = tpu.vector_load %arg4[%get3A_828] {strides = array<i32>} : memref<32768xf32, #tpu.memory_space<vmem>>, vector<16xf32>,
        %get3A_830 = vector.shape_cast %get3A_829 : vector<16xf32> to vector<16xf32>
        %add3A_831 = arith.addf %add3A_777, %get3A_830 : vector<16xf32>
        %add3A_832 = arith.constant 48 : i32
        %add3A_833 = arith.addi %add3A_813, %add3A_832 : i32
        %get3A_834 = arith.index_cast %add3A_833 : i32 to index
        %get3A_835 = tpu.vector_load %arg4[%get3A_834] {strides = array<i32>} : memref<32768xf32, #tpu.memory_space<vmem>>, vector<16xf32>,
        %get3A_836 = vector.shape_cast %get3A_835 : vector<16xf32> to vector<16xf32>
        %add3A_837 = arith.addf %add3A_783, %get3A_836 : vector<16xf32>
        %add3A_838 = arith.constant 64 : i32
        %add3A_839 = arith.addi %add3A_813, %add3A_838 : i32
        %get3A_840 = arith.index_cast %add3A_839 : i32 to index
        %get3A_841 = tpu.vector_load %arg4[%get3A_840] {strides = array<i32>} : memref<32768xf32, #tpu.memory_space<vmem>>, vector<16xf32>,
        %get3A_842 = vector.shape_cast %get3A_841 : vector<16xf32> to vector<16xf32>
        %add3A_843 = arith.addf %add3A_789, %get3A_842 : vector<16xf32>
        %add3A_844 = arith.constant 80 : i32
        %add3A_845 = arith.addi %add3A_813, %add3A_844 : i32
        %get3A_846 = arith.index_cast %add3A_845 : i32 to index
        %get3A_847 = tpu.vector_load %arg4[%get3A_846] {strides = array<i32>} : memref<32768xf32, #tpu.memory_space<vmem>>, vector<16xf32>,
        %get3A_848 = vector.shape_cast %get3A_847 : vector<16xf32> to vector<16xf32>
        %add3A_849 = arith.addf %add3A_795, %get3A_848 : vector<16xf32>
        %add3A_850 = arith.constant 96 : i32
        %add3A_851 = arith.addi %add3A_813, %add3A_850 : i32
        %get3A_852 = arith.index_cast %add3A_851 : i32 to index
        %get3A_853 = tpu.vector_load %arg4[%get3A_852] {strides = array<i32>} : memref<32768xf32, #tpu.memory_space<vmem>>, vector<16xf32>,
        %get3A_854 = vector.shape_cast %get3A_853 : vector<16xf32> to vector<16xf32>
        %add3A_855 = arith.addf %add3A_801, %get3A_854 : vector<16xf32>
        %add3A_856 = arith.constant 112 : i32
        %add3A_857 = arith.addi %add3A_813, %add3A_856 : i32
        %get3A_858 = arith.index_cast %add3A_857 : i32 to index
        %get3A_859 = tpu.vector_load %arg4[%get3A_858] {strides = array<i32>} : memref<32768xf32, #tpu.memory_space<vmem>>, vector<16xf32>,
        %get3A_860 = vector.shape_cast %get3A_859 : vector<16xf32> to vector<16xf32>
        %add3A_861 = arith.addf %add3A_807, %get3A_860 : vector<16xf32>
        scf.yield %add3A_819, %add3A_825, %add3A_831, %add3A_837, %add3A_843, %add3A_849, %add3A_855, %add3A_861 : vector<16xf32>, vector<16xf32>, vector<16xf32>, vector<16xf32>, vector<16xf32>, vector<16xf32>, vector<16xf32>, vector<16xf32>
      }
      %scan3A_65 = arith.constant 32 : i32
      %swap3A = arith.constant 0 : index
      %swap3A_66 = tpu.vector_load %arg6[%swap3A] {strides = array<i32>} : memref<1024xf32, #tpu.memory_space<vmem>>, vector<16xf32>,
      %swap3A_67 = vector.shape_cast %swap3A_66 : vector<16xf32> to vector<16xf32>
      %swap3A_68 = vector.shape_cast %scan3A_64#0 : vector<16xf32> to vector<16xf32>
      tpu.vector_store %arg6[%swap3A], %swap3A_68 {strides = array<i32>} : memref<1024xf32, #tpu.memory_space<vmem>>, vector<16xf32>,
      %swap3A_69 = arith.constant 16 : index
      %swap3A_70 = tpu.vector_load %arg6[%swap3A_69] {strides = array<i32>} : memref<1024xf32, #tpu.memory_space<vmem>>, vector<16xf32>,
      %swap3A_71 = vector.shape_cast %swap3A_70 : vector<16xf32> to vector<16xf32>
      %swap3A_72 = vector.shape_cast %scan3A_64#1 : vector<16xf32> to vector<16xf32>
      tpu.vector_store %arg6[%swap3A_69], %swap3A_72 {strides = array<i32>} : memref<1024xf32, #tpu.memory_space<vmem>>, vector<16xf32>,
      %swap3A_73 = arith.constant 32 : index
      %swap3A_74 = tpu.vector_load %arg6[%swap3A_73] {strides = array<i32>} : memref<1024xf32, #tpu.memory_space<vmem>>, vector<16xf32>,
      %swap3A_75 = vector.shape_cast %swap3A_74 : vector<16xf32> to vector<16xf32>
      %swap3A_76 = vector.shape_cast %scan3A_64#2 : vector<16xf32> to vector<16xf32>
      tpu.vector_store %arg6[%swap3A_73], %swap3A_76 {strides = array<i32>} : memref<1024xf32, #tpu.memory_space<vmem>>, vector<16xf32>,
      %swap3A_77 = arith.constant 48 : index
      %swap3A_78 = tpu.vector_load %arg6[%swap3A_77] {strides = array<i32>} : memref<1024xf32, #tpu.memory_space<vmem>>, vector<16xf32>,
      %swap3A_79 = vector.shape_cast %swap3A_78 : vector<16xf32> to vector<16xf32>
      %swap3A_80 = vector.shape_cast %scan3A_64#3 : vector<16xf32> to vector<16xf32>
      tpu.vector_store %arg6[%swap3A_77], %swap3A_80 {strides = array<i32>} : memref<1024xf32, #tpu.memory_space<vmem>>, vector<16xf32>,
      %swap3A_81 = arith.constant 64 : index
      %swap3A_82 = tpu.vector_load %arg6[%swap3A_81] {strides = array<i32>} : memref<1024xf32, #tpu.memory_space<vmem>>, vector<16xf32>,
      %swap3A_83 = vector.shape_cast %swap3A_82 : vector<16xf32> to vector<16xf32>
      %swap3A_84 = vector.shape_cast %scan3A_64#4 : vector<16xf32> to vector<16xf32>
      tpu.vector_store %arg6[%swap3A_81], %swap3A_84 {strides = array<i32>} : memref<1024xf32, #tpu.memory_space<vmem>>, vector<16xf32>,
      %swap3A_85 = arith.constant 80 : index
      %swap3A_86 = tpu.vector_load %arg6[%swap3A_85] {strides = array<i32>} : memref<1024xf32, #tpu.memory_space<vmem>>, vector<16xf32>,
      %swap3A_87 = vector.shape_cast %swap3A_86 : vector<16xf32> to vector<16xf32>
      %swap3A_88 = vector.shape_cast %scan3A_64#5 : vector<16xf32> to vector<16xf32>
      tpu.vector_store %arg6[%swap3A_85], %swap3A_88 {strides = array<i32>} : memref<1024xf32, #tpu.memory_space<vmem>>, vector<16xf32>,
      %swap3A_89 = arith.constant 96 : index
      %swap3A_90 = tpu.vector_load %arg6[%swap3A_89] {strides = array<i32>} : memref<1024xf32, #tpu.memory_space<vmem>>, vector<16xf32>,
      %swap3A_91 = vector.shape_cast %swap3A_90 : vector<16xf32> to vector<16xf32>
      %swap3A_92 = vector.shape_cast %scan3A_64#6 : vector<16xf32> to vector<16xf32>
      tpu.vector_store %arg6[%swap3A_89], %swap3A_92 {strides = array<i32>} : memref<1024xf32, #tpu.memory_space<vmem>>, vector<16xf32>,
      %swap3A_93 = arith.constant 112 : index
      %swap3A_94 = tpu.vector_load %arg6[%swap3A_93] {strides = array<i32>} : memref<1024xf32, #tpu.memory_space<vmem>>, vector<16xf32>,
      %swap3A_95 = vector.shape_cast %swap3A_94 : vector<16xf32> to vector<16xf32>
      %swap3A_96 = vector.shape_cast %scan3A_64#7 : vector<16xf32> to vector<16xf32>
      tpu.vector_store %arg6[%swap3A_93], %swap3A_96 {strides = array<i32>} : memref<1024xf32, #tpu.memory_space<vmem>>, vector<16xf32>,
      %broadcast_in_dim3A_97 = arith.constant 0.000000e+00 : f32
      %broadcast_in_dim3A_98 = vector.broadcast %broadcast_in_dim3A_97 : f32 to vector<16xf32>
      %scan3A_99 = arith.constant 0 : i32
      %scan3A_100 = arith.constant 32 : i32
      %scan3A_101 = arith.addi %scan3A_99, %scan3A_100 : i32
      %scan3A_102 = arith.constant 2 : i32
      %scan3A_103:8 = scf.for %scan3A_748 = %scan3A_99 to %scan3A_101 step %scan3A_102 iter_args(%scan3A_749 = %broadcast_in_dim3A_98, %scan3A_750 = %broadcast_in_dim3A_98, %scan3A_751 = %broadcast_in_dim3A_98, %scan3A_752 = %broadcast_in_dim3A_98, %scan3A_753 = %broadcast_in_dim3A_98, %scan3A_754 = %broadcast_in_dim3A_98, %scan3A_755 = %broadcast_in_dim3A_98, %scan3A_756 = %broadcast_in_dim3A_98) -> (vector<16xf32>, vector<16xf32>, vector<16xf32>, vector<16xf32>, vector<16xf32>, vector<16xf32>, vector<16xf32>, vector<16xf32>)  : i32 {
        %mul3A_757 = arith.constant 128 : i32
        %mul3A_758 = arith.muli %scan3A_748, %mul3A_757 : i32
        %add3A_759 = arith.constant 4096 : i32
        %add3A_760 = arith.addi %add3A_759, %mul3A_758 : i32
        %add3A_761 = arith.constant 0 : i32
        %add3A_762 = arith.addi %add3A_760, %add3A_761 : i32
        %get3A = arith.index_cast %add3A_762 : i32 to index
        %get3A_763 = tpu.vector_load %arg4[%get3A] {strides = array<i32>} : memref<32768xf32, #tpu.memory_space<vmem>>, vector<16xf32>,
        %get3A_764 = vector.shape_cast %get3A_763 : vector<16xf32> to vector<16xf32>
        %add3A_765 = arith.addf %scan3A_749, %get3A_764 : vector<16xf32>
        %add3A_766 = arith.constant 16 : i32
        %add3A_767 = arith.addi %add3A_760, %add3A_766 : i32
        %get3A_768 = arith.index_cast %add3A_767 : i32 to index
        %get3A_769 = tpu.vector_load %arg4[%get3A_768] {strides = array<i32>} : memref<32768xf32, #tpu.memory_space<vmem>>, vector<16xf32>,
        %get3A_770 = vector.shape_cast %get3A_769 : vector<16xf32> to vector<16xf32>
        %add3A_771 = arith.addf %scan3A_750, %get3A_770 : vector<16xf32>
        %add3A_772 = arith.constant 32 : i32
        %add3A_773 = arith.addi %add3A_760, %add3A_772 : i32
        %get3A_774 = arith.index_cast %add3A_773 : i32 to index
        %get3A_775 = tpu.vector_load %arg4[%get3A_774] {strides = array<i32>} : memref<32768xf32, #tpu.memory_space<vmem>>, vector<16xf32>,
        %get3A_776 = vector.shape_cast %get3A_775 : vector<16xf32> to vector<16xf32>
        %add3A_777 = arith.addf %scan3A_751, %get3A_776 : vector<16xf32>
        %add3A_778 = arith.constant 48 : i32
        %add3A_779 = arith.addi %add3A_760, %add3A_778 : i32
        %get3A_780 = arith.index_cast %add3A_779 : i32 to index
        %get3A_781 = tpu.vector_load %arg4[%get3A_780] {strides = array<i32>} : memref<32768xf32, #tpu.memory_space<vmem>>, vector<16xf32>,
        %get3A_782 = vector.shape_cast %get3A_781 : vector<16xf32> to vector<16xf32>
        %add3A_783 = arith.addf %scan3A_752, %get3A_782 : vector<16xf32>
        %add3A_784 = arith.constant 64 : i32
        %add3A_785 = arith.addi %add3A_760, %add3A_784 : i32
        %get3A_786 = arith.index_cast %add3A_785 : i32 to index
        %get3A_787 = tpu.vector_load %arg4[%get3A_786] {strides = array<i32>} : memref<32768xf32, #tpu.memory_space<vmem>>, vector<16xf32>,
        %get3A_788 = vector.shape_cast %get3A_787 : vector<16xf32> to vector<16xf32>
        %add3A_789 = arith.addf %scan3A_753, %get3A_788 : vector<16xf32>
        %add3A_790 = arith.constant 80 : i32
        %add3A_791 = arith.addi %add3A_760, %add3A_790 : i32
        %get3A_792 = arith.index_cast %add3A_791 : i32 to index
        %get3A_793 = tpu.vector_load %arg4[%get3A_792] {strides = array<i32>} : memref<32768xf32, #tpu.memory_space<vmem>>, vector<16xf32>,
        %get3A_794 = vector.shape_cast %get3A_793 : vector<16xf32> to vector<16xf32>
        %add3A_795 = arith.addf %scan3A_754, %get3A_794 : vector<16xf32>
        %add3A_796 = arith.constant 96 : i32
        %add3A_797 = arith.addi %add3A_760, %add3A_796 : i32
        %get3A_798 = arith.index_cast %add3A_797 : i32 to index
        %get3A_799 = tpu.vector_load %arg4[%get3A_798] {strides = array<i32>} : memref<32768xf32, #tpu.memory_space<vmem>>, vector<16xf32>,
        %get3A_800 = vector.shape_cast %get3A_799 : vector<16xf32> to vector<16xf32>
        %add3A_801 = arith.addf %scan3A_755, %get3A_800 : vector<16xf32>
        %add3A_802 = arith.constant 112 : i32
        %add3A_803 = arith.addi %add3A_760, %add3A_802 : i32
        %get3A_804 = arith.index_cast %add3A_803 : i32 to index
        %get3A_805 = tpu.vector_load %arg4[%get3A_804] {strides = array<i32>} : memref<32768xf32, #tpu.memory_space<vmem>>, vector<16xf32>,
        %get3A_806 = vector.shape_cast %get3A_805 : vector<16xf32> to vector<16xf32>
        %add3A_807 = arith.addf %scan3A_756, %get3A_806 : vector<16xf32>
        %scan3A_808 = arith.constant 1 : i32
        %scan3A_809 = arith.addi %scan3A_748, %scan3A_808 : i32
        %mul3A_810 = arith.constant 128 : i32
        %mul3A_811 = arith.muli %scan3A_809, %mul3A_810 : i32
        %add3A_812 = arith.constant 4096 : i32
        %add3A_813 = arith.addi %add3A_812, %mul3A_811 : i32
        %add3A_814 = arith.constant 0 : i32
        %add3A_815 = arith.addi %add3A_813, %add3A_814 : i32
        %get3A_816 = arith.index_cast %add3A_815 : i32 to index
        %get3A_817 = tpu.vector_load %arg4[%get3A_816] {strides = array<i32>} : memref<32768xf32, #tpu.memory_space<vmem>>, vector<16xf32>,
        %get3A_818 = vector.shape_cast %get3A_817 : vector<16xf32> to vector<16xf32>
        %add3A_819 = arith.addf %add3A_765, %get3A_818 : vector<16xf32>
        %add3A_820 = arith.constant 16 : i32
        %add3A_821 = arith.addi %add3A_813, %add3A_820 : i32
        %get3A_822 = arith.index_cast %add3A_821 : i32 to index
        %get3A_823 = tpu.vector_load %arg4[%get3A_822] {strides = array<i32>} : memref<32768xf32, #tpu.memory_space<vmem>>, vector<16xf32>,
        %get3A_824 = vector.shape_cast %get3A_823 : vector<16xf32> to vector<16xf32>
        %add3A_825 = arith.addf %add3A_771, %get3A_824 : vector<16xf32>
        %add3A_826 = arith.constant 32 : i32
        %add3A_827 = arith.addi %add3A_813, %add3A_826 : i32
        %get3A_828 = arith.index_cast %add3A_827 : i32 to index
        %get3A_829 = tpu.vector_load %arg4[%get3A_828] {strides = array<i32>} : memref<32768xf32, #tpu.memory_space<vmem>>, vector<16xf32>,
        %get3A_830 = vector.shape_cast %get3A_829 : vector<16xf32> to vector<16xf32>
        %add3A_831 = arith.addf %add3A_777, %get3A_830 : vector<16xf32>
        %add3A_832 = arith.constant 48 : i32
        %add3A_833 = arith.addi %add3A_813, %add3A_832 : i32
        %get3A_834 = arith.index_cast %add3A_833 : i32 to index
        %get3A_835 = tpu.vector_load %arg4[%get3A_834] {strides = array<i32>} : memref<32768xf32, #tpu.memory_space<vmem>>, vector<16xf32>,
        %get3A_836 = vector.shape_cast %get3A_835 : vector<16xf32> to vector<16xf32>
        %add3A_837 = arith.addf %add3A_783, %get3A_836 : vector<16xf32>
        %add3A_838 = arith.constant 64 : i32
        %add3A_839 = arith.addi %add3A_813, %add3A_838 : i32
        %get3A_840 = arith.index_cast %add3A_839 : i32 to index
        %get3A_841 = tpu.vector_load %arg4[%get3A_840] {strides = array<i32>} : memref<32768xf32, #tpu.memory_space<vmem>>, vector<16xf32>,
        %get3A_842 = vector.shape_cast %get3A_841 : vector<16xf32> to vector<16xf32>
        %add3A_843 = arith.addf %add3A_789, %get3A_842 : vector<16xf32>
        %add3A_844 = arith.constant 80 : i32
        %add3A_845 = arith.addi %add3A_813, %add3A_844 : i32
        %get3A_846 = arith.index_cast %add3A_845 : i32 to index
        %get3A_847 = tpu.vector_load %arg4[%get3A_846] {strides = array<i32>} : memref<32768xf32, #tpu.memory_space<vmem>>, vector<16xf32>,
        %get3A_848 = vector.shape_cast %get3A_847 : vector<16xf32> to vector<16xf32>
        %add3A_849 = arith.addf %add3A_795, %get3A_848 : vector<16xf32>
        %add3A_850 = arith.constant 96 : i32
        %add3A_851 = arith.addi %add3A_813, %add3A_850 : i32
        %get3A_852 = arith.index_cast %add3A_851 : i32 to index
        %get3A_853 = tpu.vector_load %arg4[%get3A_852] {strides = array<i32>} : memref<32768xf32, #tpu.memory_space<vmem>>, vector<16xf32>,
        %get3A_854 = vector.shape_cast %get3A_853 : vector<16xf32> to vector<16xf32>
        %add3A_855 = arith.addf %add3A_801, %get3A_854 : vector<16xf32>
        %add3A_856 = arith.constant 112 : i32
        %add3A_857 = arith.addi %add3A_813, %add3A_856 : i32
        %get3A_858 = arith.index_cast %add3A_857 : i32 to index
        %get3A_859 = tpu.vector_load %arg4[%get3A_858] {strides = array<i32>} : memref<32768xf32, #tpu.memory_space<vmem>>, vector<16xf32>,
        %get3A_860 = vector.shape_cast %get3A_859 : vector<16xf32> to vector<16xf32>
        %add3A_861 = arith.addf %add3A_807, %get3A_860 : vector<16xf32>
        scf.yield %add3A_819, %add3A_825, %add3A_831, %add3A_837, %add3A_843, %add3A_849, %add3A_855, %add3A_861 : vector<16xf32>, vector<16xf32>, vector<16xf32>, vector<16xf32>, vector<16xf32>, vector<16xf32>, vector<16xf32>, vector<16xf32>
      }
      %scan3A_104 = arith.constant 32 : i32
      %swap3A_105 = arith.constant 128 : index
      %swap3A_106 = tpu.vector_load %arg6[%swap3A_105] {strides = array<i32>} : memref<1024xf32, #tpu.memory_space<vmem>>, vector<16xf32>,
      %swap3A_107 = vector.shape_cast %swap3A_106 : vector<16xf32> to vector<16xf32>
      %swap3A_108 = vector.shape_cast %scan3A_103#0 : vector<16xf32> to vector<16xf32>
      tpu.vector_store %arg6[%swap3A_105], %swap3A_108 {strides = array<i32>} : memref<1024xf32, #tpu.memory_space<vmem>>, vector<16xf32>,
      %swap3A_109 = arith.constant 144 : index
      %swap3A_110 = tpu.vector_load %arg6[%swap3A_109] {strides = array<i32>} : memref<1024xf32, #tpu.memory_space<vmem>>, vector<16xf32>,
      %swap3A_111 = vector.shape_cast %swap3A_110 : vector<16xf32> to vector<16xf32>
      %swap3A_112 = vector.shape_cast %scan3A_103#1 : vector<16xf32> to vector<16xf32>
      tpu.vector_store %arg6[%swap3A_109], %swap3A_112 {strides = array<i32>} : memref<1024xf32, #tpu.memory_space<vmem>>, vector<16xf32>,
      %swap3A_113 = arith.constant 160 : index
      %swap3A_114 = tpu.vector_load %arg6[%swap3A_113] {strides = array<i32>} : memref<1024xf32, #tpu.memory_space<vmem>>, vector<16xf32>,
      %swap3A_115 = vector.shape_cast %swap3A_114 : vector<16xf32> to vector<16xf32>
      %swap3A_116 = vector.shape_cast %scan3A_103#2 : vector<16xf32> to vector<16xf32>
      tpu.vector_store %arg6[%swap3A_113], %swap3A_116 {strides = array<i32>} : memref<1024xf32, #tpu.memory_space<vmem>>, vector<16xf32>,
      %swap3A_117 = arith.constant 176 : index
      %swap3A_118 = tpu.vector_load %arg6[%swap3A_117] {strides = array<i32>} : memref<1024xf32, #tpu.memory_space<vmem>>, vector<16xf32>,
      %swap3A_119 = vector.shape_cast %swap3A_118 : vector<16xf32> to vector<16xf32>
      %swap3A_120 = vector.shape_cast %scan3A_103#3 : vector<16xf32> to vector<16xf32>
      tpu.vector_store %arg6[%swap3A_117], %swap3A_120 {strides = array<i32>} : memref<1024xf32, #tpu.memory_space<vmem>>, vector<16xf32>,
      %swap3A_121 = arith.constant 192 : index
      %swap3A_122 = tpu.vector_load %arg6[%swap3A_121] {strides = array<i32>} : memref<1024xf32, #tpu.memory_space<vmem>>, vector<16xf32>,
      %swap3A_123 = vector.shape_cast %swap3A_122 : vector<16xf32> to vector<16xf32>
      %swap3A_124 = vector.shape_cast %scan3A_103#4 : vector<16xf32> to vector<16xf32>
      tpu.vector_store %arg6[%swap3A_121], %swap3A_124 {strides = array<i32>} : memref<1024xf32, #tpu.memory_space<vmem>>, vector<16xf32>,
      %swap3A_125 = arith.constant 208 : index
      %swap3A_126 = tpu.vector_load %arg6[%swap3A_125] {strides = array<i32>} : memref<1024xf32, #tpu.memory_space<vmem>>, vector<16xf32>,
      %swap3A_127 = vector.shape_cast %swap3A_126 : vector<16xf32> to vector<16xf32>
      %swap3A_128 = vector.shape_cast %scan3A_103#5 : vector<16xf32> to vector<16xf32>
      tpu.vector_store %arg6[%swap3A_125], %swap3A_128 {strides = array<i32>} : memref<1024xf32, #tpu.memory_space<vmem>>, vector<16xf32>,
      %swap3A_129 = arith.constant 224 : index
      %swap3A_130 = tpu.vector_load %arg6[%swap3A_129] {strides = array<i32>} : memref<1024xf32, #tpu.memory_space<vmem>>, vector<16xf32>,
      %swap3A_131 = vector.shape_cast %swap3A_130 : vector<16xf32> to vector<16xf32>
      %swap3A_132 = vector.shape_cast %scan3A_103#6 : vector<16xf32> to vector<16xf32>
      tpu.vector_store %arg6[%swap3A_129], %swap3A_132 {strides = array<i32>} : memref<1024xf32, #tpu.memory_space<vmem>>, vector<16xf32>,
      %swap3A_133 = arith.constant 240 : index
      %swap3A_134 = tpu.vector_load %arg6[%swap3A_133] {strides = array<i32>} : memref<1024xf32, #tpu.memory_space<vmem>>, vector<16xf32>,
      %swap3A_135 = vector.shape_cast %swap3A_134 : vector<16xf32> to vector<16xf32>
      %swap3A_136 = vector.shape_cast %scan3A_103#7 : vector<16xf32> to vector<16xf32>
      tpu.vector_store %arg6[%swap3A_133], %swap3A_136 {strides = array<i32>} : memref<1024xf32, #tpu.memory_space<vmem>>, vector<16xf32>,
      %broadcast_in_dim3A_137 = arith.constant 0.000000e+00 : f32
      %broadcast_in_dim3A_138 = vector.broadcast %broadcast_in_dim3A_137 : f32 to vector<16xf32>
      %scan3A_139 = arith.constant 0 : i32
      %scan3A_140 = arith.constant 32 : i32
      %scan3A_141 = arith.addi %scan3A_139, %scan3A_140 : i32
      %scan3A_142 = arith.constant 2 : i32
      %scan3A_143:8 = scf.for %scan3A_748 = %scan3A_139 to %scan3A_141 step %scan3A_142 iter_args(%scan3A_749 = %broadcast_in_dim3A_138, %scan3A_750 = %broadcast_in_dim3A_138, %scan3A_751 = %broadcast_in_dim3A_138, %scan3A_752 = %broadcast_in_dim3A_138, %scan3A_753 = %broadcast_in_dim3A_138, %scan3A_754 = %broadcast_in_dim3A_138, %scan3A_755 = %broadcast_in_dim3A_138, %scan3A_756 = %broadcast_in_dim3A_138) -> (vector<16xf32>, vector<16xf32>, vector<16xf32>, vector<16xf32>, vector<16xf32>, vector<16xf32>, vector<16xf32>, vector<16xf32>)  : i32 {
        %mul3A_757 = arith.constant 128 : i32
        %mul3A_758 = arith.muli %scan3A_748, %mul3A_757 : i32
        %add3A_759 = arith.constant 8192 : i32
        %add3A_760 = arith.addi %add3A_759, %mul3A_758 : i32
        %add3A_761 = arith.constant 0 : i32
        %add3A_762 = arith.addi %add3A_760, %add3A_761 : i32
        %get3A = arith.index_cast %add3A_762 : i32 to index
        %get3A_763 = tpu.vector_load %arg4[%get3A] {strides = array<i32>} : memref<32768xf32, #tpu.memory_space<vmem>>, vector<16xf32>,
        %get3A_764 = vector.shape_cast %get3A_763 : vector<16xf32> to vector<16xf32>
        %add3A_765 = arith.addf %scan3A_749, %get3A_764 : vector<16xf32>
        %add3A_766 = arith.constant 16 : i32
        %add3A_767 = arith.addi %add3A_760, %add3A_766 : i32
        %get3A_768 = arith.index_cast %add3A_767 : i32 to index
        %get3A_769 = tpu.vector_load %arg4[%get3A_768] {strides = array<i32>} : memref<32768xf32, #tpu.memory_space<vmem>>, vector<16xf32>,
        %get3A_770 = vector.shape_cast %get3A_769 : vector<16xf32> to vector<16xf32>
        %add3A_771 = arith.addf %scan3A_750, %get3A_770 : vector<16xf32>
        %add3A_772 = arith.constant 32 : i32
        %add3A_773 = arith.addi %add3A_760, %add3A_772 : i32
        %get3A_774 = arith.index_cast %add3A_773 : i32 to index
        %get3A_775 = tpu.vector_load %arg4[%get3A_774] {strides = array<i32>} : memref<32768xf32, #tpu.memory_space<vmem>>, vector<16xf32>,
        %get3A_776 = vector.shape_cast %get3A_775 : vector<16xf32> to vector<16xf32>
        %add3A_777 = arith.addf %scan3A_751, %get3A_776 : vector<16xf32>
        %add3A_778 = arith.constant 48 : i32
        %add3A_779 = arith.addi %add3A_760, %add3A_778 : i32
        %get3A_780 = arith.index_cast %add3A_779 : i32 to index
        %get3A_781 = tpu.vector_load %arg4[%get3A_780] {strides = array<i32>} : memref<32768xf32, #tpu.memory_space<vmem>>, vector<16xf32>,
        %get3A_782 = vector.shape_cast %get3A_781 : vector<16xf32> to vector<16xf32>
        %add3A_783 = arith.addf %scan3A_752, %get3A_782 : vector<16xf32>
        %add3A_784 = arith.constant 64 : i32
        %add3A_785 = arith.addi %add3A_760, %add3A_784 : i32
        %get3A_786 = arith.index_cast %add3A_785 : i32 to index
        %get3A_787 = tpu.vector_load %arg4[%get3A_786] {strides = array<i32>} : memref<32768xf32, #tpu.memory_space<vmem>>, vector<16xf32>,
        %get3A_788 = vector.shape_cast %get3A_787 : vector<16xf32> to vector<16xf32>
        %add3A_789 = arith.addf %scan3A_753, %get3A_788 : vector<16xf32>
        %add3A_790 = arith.constant 80 : i32
        %add3A_791 = arith.addi %add3A_760, %add3A_790 : i32
        %get3A_792 = arith.index_cast %add3A_791 : i32 to index
        %get3A_793 = tpu.vector_load %arg4[%get3A_792] {strides = array<i32>} : memref<32768xf32, #tpu.memory_space<vmem>>, vector<16xf32>,
        %get3A_794 = vector.shape_cast %get3A_793 : vector<16xf32> to vector<16xf32>
        %add3A_795 = arith.addf %scan3A_754, %get3A_794 : vector<16xf32>
        %add3A_796 = arith.constant 96 : i32
        %add3A_797 = arith.addi %add3A_760, %add3A_796 : i32
        %get3A_798 = arith.index_cast %add3A_797 : i32 to index
        %get3A_799 = tpu.vector_load %arg4[%get3A_798] {strides = array<i32>} : memref<32768xf32, #tpu.memory_space<vmem>>, vector<16xf32>,
        %get3A_800 = vector.shape_cast %get3A_799 : vector<16xf32> to vector<16xf32>
        %add3A_801 = arith.addf %scan3A_755, %get3A_800 : vector<16xf32>
        %add3A_802 = arith.constant 112 : i32
        %add3A_803 = arith.addi %add3A_760, %add3A_802 : i32
        %get3A_804 = arith.index_cast %add3A_803 : i32 to index
        %get3A_805 = tpu.vector_load %arg4[%get3A_804] {strides = array<i32>} : memref<32768xf32, #tpu.memory_space<vmem>>, vector<16xf32>,
        %get3A_806 = vector.shape_cast %get3A_805 : vector<16xf32> to vector<16xf32>
        %add3A_807 = arith.addf %scan3A_756, %get3A_806 : vector<16xf32>
        %scan3A_808 = arith.constant 1 : i32
        %scan3A_809 = arith.addi %scan3A_748, %scan3A_808 : i32
        %mul3A_810 = arith.constant 128 : i32
        %mul3A_811 = arith.muli %scan3A_809, %mul3A_810 : i32
        %add3A_812 = arith.constant 8192 : i32
        %add3A_813 = arith.addi %add3A_812, %mul3A_811 : i32
        %add3A_814 = arith.constant 0 : i32
        %add3A_815 = arith.addi %add3A_813, %add3A_814 : i32
        %get3A_816 = arith.index_cast %add3A_815 : i32 to index
        %get3A_817 = tpu.vector_load %arg4[%get3A_816] {strides = array<i32>} : memref<32768xf32, #tpu.memory_space<vmem>>, vector<16xf32>,
        %get3A_818 = vector.shape_cast %get3A_817 : vector<16xf32> to vector<16xf32>
        %add3A_819 = arith.addf %add3A_765, %get3A_818 : vector<16xf32>
        %add3A_820 = arith.constant 16 : i32
        %add3A_821 = arith.addi %add3A_813, %add3A_820 : i32
        %get3A_822 = arith.index_cast %add3A_821 : i32 to index
        %get3A_823 = tpu.vector_load %arg4[%get3A_822] {strides = array<i32>} : memref<32768xf32, #tpu.memory_space<vmem>>, vector<16xf32>,
        %get3A_824 = vector.shape_cast %get3A_823 : vector<16xf32> to vector<16xf32>
        %add3A_825 = arith.addf %add3A_771, %get3A_824 : vector<16xf32>
        %add3A_826 = arith.constant 32 : i32
        %add3A_827 = arith.addi %add3A_813, %add3A_826 : i32
        %get3A_828 = arith.index_cast %add3A_827 : i32 to index
        %get3A_829 = tpu.vector_load %arg4[%get3A_828] {strides = array<i32>} : memref<32768xf32, #tpu.memory_space<vmem>>, vector<16xf32>,
        %get3A_830 = vector.shape_cast %get3A_829 : vector<16xf32> to vector<16xf32>
        %add3A_831 = arith.addf %add3A_777, %get3A_830 : vector<16xf32>
        %add3A_832 = arith.constant 48 : i32
        %add3A_833 = arith.addi %add3A_813, %add3A_832 : i32
        %get3A_834 = arith.index_cast %add3A_833 : i32 to index
        %get3A_835 = tpu.vector_load %arg4[%get3A_834] {strides = array<i32>} : memref<32768xf32, #tpu.memory_space<vmem>>, vector<16xf32>,
        %get3A_836 = vector.shape_cast %get3A_835 : vector<16xf32> to vector<16xf32>
        %add3A_837 = arith.addf %add3A_783, %get3A_836 : vector<16xf32>
        %add3A_838 = arith.constant 64 : i32
        %add3A_839 = arith.addi %add3A_813, %add3A_838 : i32
        %get3A_840 = arith.index_cast %add3A_839 : i32 to index
        %get3A_841 = tpu.vector_load %arg4[%get3A_840] {strides = array<i32>} : memref<32768xf32, #tpu.memory_space<vmem>>, vector<16xf32>,
        %get3A_842 = vector.shape_cast %get3A_841 : vector<16xf32> to vector<16xf32>
        %add3A_843 = arith.addf %add3A_789, %get3A_842 : vector<16xf32>
        %add3A_844 = arith.constant 80 : i32
        %add3A_845 = arith.addi %add3A_813, %add3A_844 : i32
        %get3A_846 = arith.index_cast %add3A_845 : i32 to index
        %get3A_847 = tpu.vector_load %arg4[%get3A_846] {strides = array<i32>} : memref<32768xf32, #tpu.memory_space<vmem>>, vector<16xf32>,
        %get3A_848 = vector.shape_cast %get3A_847 : vector<16xf32> to vector<16xf32>
        %add3A_849 = arith.addf %add3A_795, %get3A_848 : vector<16xf32>
        %add3A_850 = arith.constant 96 : i32
        %add3A_851 = arith.addi %add3A_813, %add3A_850 : i32
        %get3A_852 = arith.index_cast %add3A_851 : i32 to index
        %get3A_853 = tpu.vector_load %arg4[%get3A_852] {strides = array<i32>} : memref<32768xf32, #tpu.memory_space<vmem>>, vector<16xf32>,
        %get3A_854 = vector.shape_cast %get3A_853 : vector<16xf32> to vector<16xf32>
        %add3A_855 = arith.addf %add3A_801, %get3A_854 : vector<16xf32>
        %add3A_856 = arith.constant 112 : i32
        %add3A_857 = arith.addi %add3A_813, %add3A_856 : i32
        %get3A_858 = arith.index_cast %add3A_857 : i32 to index
        %get3A_859 = tpu.vector_load %arg4[%get3A_858] {strides = array<i32>} : memref<32768xf32, #tpu.memory_space<vmem>>, vector<16xf32>,
        %get3A_860 = vector.shape_cast %get3A_859 : vector<16xf32> to vector<16xf32>
        %add3A_861 = arith.addf %add3A_807, %get3A_860 : vector<16xf32>
        scf.yield %add3A_819, %add3A_825, %add3A_831, %add3A_837, %add3A_843, %add3A_849, %add3A_855, %add3A_861 : vector<16xf32>, vector<16xf32>, vector<16xf32>, vector<16xf32>, vector<16xf32>, vector<16xf32>, vector<16xf32>, vector<16xf32>
      }
      %scan3A_144 = arith.constant 32 : i32
      %swap3A_145 = arith.constant 256 : index
      %swap3A_146 = tpu.vector_load %arg6[%swap3A_145] {strides = array<i32>} : memref<1024xf32, #tpu.memory_space<vmem>>, vector<16xf32>,
      %swap3A_147 = vector.shape_cast %swap3A_146 : vector<16xf32> to vector<16xf32>
      %swap3A_148 = vector.shape_cast %scan3A_143#0 : vector<16xf32> to vector<16xf32>
      tpu.vector_store %arg6[%swap3A_145], %swap3A_148 {strides = array<i32>} : memref<1024xf32, #tpu.memory_space<vmem>>, vector<16xf32>,
      %swap3A_149 = arith.constant 272 : index
      %swap3A_150 = tpu.vector_load %arg6[%swap3A_149] {strides = array<i32>} : memref<1024xf32, #tpu.memory_space<vmem>>, vector<16xf32>,
      %swap3A_151 = vector.shape_cast %swap3A_150 : vector<16xf32> to vector<16xf32>
      %swap3A_152 = vector.shape_cast %scan3A_143#1 : vector<16xf32> to vector<16xf32>
      tpu.vector_store %arg6[%swap3A_149], %swap3A_152 {strides = array<i32>} : memref<1024xf32, #tpu.memory_space<vmem>>, vector<16xf32>,
      %swap3A_153 = arith.constant 288 : index
      %swap3A_154 = tpu.vector_load %arg6[%swap3A_153] {strides = array<i32>} : memref<1024xf32, #tpu.memory_space<vmem>>, vector<16xf32>,
      %swap3A_155 = vector.shape_cast %swap3A_154 : vector<16xf32> to vector<16xf32>
      %swap3A_156 = vector.shape_cast %scan3A_143#2 : vector<16xf32> to vector<16xf32>
      tpu.vector_store %arg6[%swap3A_153], %swap3A_156 {strides = array<i32>} : memref<1024xf32, #tpu.memory_space<vmem>>, vector<16xf32>,
      %swap3A_157 = arith.constant 304 : index
      %swap3A_158 = tpu.vector_load %arg6[%swap3A_157] {strides = array<i32>} : memref<1024xf32, #tpu.memory_space<vmem>>, vector<16xf32>,
      %swap3A_159 = vector.shape_cast %swap3A_158 : vector<16xf32> to vector<16xf32>
      %swap3A_160 = vector.shape_cast %scan3A_143#3 : vector<16xf32> to vector<16xf32>
      tpu.vector_store %arg6[%swap3A_157], %swap3A_160 {strides = array<i32>} : memref<1024xf32, #tpu.memory_space<vmem>>, vector<16xf32>,
      %swap3A_161 = arith.constant 320 : index
      %swap3A_162 = tpu.vector_load %arg6[%swap3A_161] {strides = array<i32>} : memref<1024xf32, #tpu.memory_space<vmem>>, vector<16xf32>,
      %swap3A_163 = vector.shape_cast %swap3A_162 : vector<16xf32> to vector<16xf32>
      %swap3A_164 = vector.shape_cast %scan3A_143#4 : vector<16xf32> to vector<16xf32>
      tpu.vector_store %arg6[%swap3A_161], %swap3A_164 {strides = array<i32>} : memref<1024xf32, #tpu.memory_space<vmem>>, vector<16xf32>,
      %swap3A_165 = arith.constant 336 : index
      %swap3A_166 = tpu.vector_load %arg6[%swap3A_165] {strides = array<i32>} : memref<1024xf32, #tpu.memory_space<vmem>>, vector<16xf32>,
      %swap3A_167 = vector.shape_cast %swap3A_166 : vector<16xf32> to vector<16xf32>
      %swap3A_168 = vector.shape_cast %scan3A_143#5 : vector<16xf32> to vector<16xf32>
      tpu.vector_store %arg6[%swap3A_165], %swap3A_168 {strides = array<i32>} : memref<1024xf32, #tpu.memory_space<vmem>>, vector<16xf32>,
      %swap3A_169 = arith.constant 352 : index
      %swap3A_170 = tpu.vector_load %arg6[%swap3A_169] {strides = array<i32>} : memref<1024xf32, #tpu.memory_space<vmem>>, vector<16xf32>,
      %swap3A_171 = vector.shape_cast %swap3A_170 : vector<16xf32> to vector<16xf32>
      %swap3A_172 = vector.shape_cast %scan3A_143#6 : vector<16xf32> to vector<16xf32>
      tpu.vector_store %arg6[%swap3A_169], %swap3A_172 {strides = array<i32>} : memref<1024xf32, #tpu.memory_space<vmem>>, vector<16xf32>,
      %swap3A_173 = arith.constant 368 : index
      %swap3A_174 = tpu.vector_load %arg6[%swap3A_173] {strides = array<i32>} : memref<1024xf32, #tpu.memory_space<vmem>>, vector<16xf32>,
      %swap3A_175 = vector.shape_cast %swap3A_174 : vector<16xf32> to vector<16xf32>
      %swap3A_176 = vector.shape_cast %scan3A_143#7 : vector<16xf32> to vector<16xf32>
      tpu.vector_store %arg6[%swap3A_173], %swap3A_176 {strides = array<i32>} : memref<1024xf32, #tpu.memory_space<vmem>>, vector<16xf32>,
      %broadcast_in_dim3A_177 = arith.constant 0.000000e+00 : f32
      %broadcast_in_dim3A_178 = vector.broadcast %broadcast_in_dim3A_177 : f32 to vector<16xf32>
      %scan3A_179 = arith.constant 0 : i32
      %scan3A_180 = arith.constant 32 : i32
      %scan3A_181 = arith.addi %scan3A_179, %scan3A_180 : i32
      %scan3A_182 = arith.constant 2 : i32
      %scan3A_183:8 = scf.for %scan3A_748 = %scan3A_179 to %scan3A_181 step %scan3A_182 iter_args(%scan3A_749 = %broadcast_in_dim3A_178, %scan3A_750 = %broadcast_in_dim3A_178, %scan3A_751 = %broadcast_in_dim3A_178, %scan3A_752 = %broadcast_in_dim3A_178, %scan3A_753 = %broadcast_in_dim3A_178, %scan3A_754 = %broadcast_in_dim3A_178, %scan3A_755 = %broadcast_in_dim3A_178, %scan3A_756 = %broadcast_in_dim3A_178) -> (vector<16xf32>, vector<16xf32>, vector<16xf32>, vector<16xf32>, vector<16xf32>, vector<16xf32>, vector<16xf32>, vector<16xf32>)  : i32 {
        %mul3A_757 = arith.constant 128 : i32
        %mul3A_758 = arith.muli %scan3A_748, %mul3A_757 : i32
        %add3A_759 = arith.constant 12288 : i32
        %add3A_760 = arith.addi %add3A_759, %mul3A_758 : i32
        %add3A_761 = arith.constant 0 : i32
        %add3A_762 = arith.addi %add3A_760, %add3A_761 : i32
        %get3A = arith.index_cast %add3A_762 : i32 to index
        %get3A_763 = tpu.vector_load %arg4[%get3A] {strides = array<i32>} : memref<32768xf32, #tpu.memory_space<vmem>>, vector<16xf32>,
        %get3A_764 = vector.shape_cast %get3A_763 : vector<16xf32> to vector<16xf32>
        %add3A_765 = arith.addf %scan3A_749, %get3A_764 : vector<16xf32>
        %add3A_766 = arith.constant 16 : i32
        %add3A_767 = arith.addi %add3A_760, %add3A_766 : i32
        %get3A_768 = arith.index_cast %add3A_767 : i32 to index
        %get3A_769 = tpu.vector_load %arg4[%get3A_768] {strides = array<i32>} : memref<32768xf32, #tpu.memory_space<vmem>>, vector<16xf32>,
        %get3A_770 = vector.shape_cast %get3A_769 : vector<16xf32> to vector<16xf32>
        %add3A_771 = arith.addf %scan3A_750, %get3A_770 : vector<16xf32>
        %add3A_772 = arith.constant 32 : i32
        %add3A_773 = arith.addi %add3A_760, %add3A_772 : i32
        %get3A_774 = arith.index_cast %add3A_773 : i32 to index
        %get3A_775 = tpu.vector_load %arg4[%get3A_774] {strides = array<i32>} : memref<32768xf32, #tpu.memory_space<vmem>>, vector<16xf32>,
        %get3A_776 = vector.shape_cast %get3A_775 : vector<16xf32> to vector<16xf32>
        %add3A_777 = arith.addf %scan3A_751, %get3A_776 : vector<16xf32>
        %add3A_778 = arith.constant 48 : i32
        %add3A_779 = arith.addi %add3A_760, %add3A_778 : i32
        %get3A_780 = arith.index_cast %add3A_779 : i32 to index
        %get3A_781 = tpu.vector_load %arg4[%get3A_780] {strides = array<i32>} : memref<32768xf32, #tpu.memory_space<vmem>>, vector<16xf32>,
        %get3A_782 = vector.shape_cast %get3A_781 : vector<16xf32> to vector<16xf32>
        %add3A_783 = arith.addf %scan3A_752, %get3A_782 : vector<16xf32>
        %add3A_784 = arith.constant 64 : i32
        %add3A_785 = arith.addi %add3A_760, %add3A_784 : i32
        %get3A_786 = arith.index_cast %add3A_785 : i32 to index
        %get3A_787 = tpu.vector_load %arg4[%get3A_786] {strides = array<i32>} : memref<32768xf32, #tpu.memory_space<vmem>>, vector<16xf32>,
        %get3A_788 = vector.shape_cast %get3A_787 : vector<16xf32> to vector<16xf32>
        %add3A_789 = arith.addf %scan3A_753, %get3A_788 : vector<16xf32>
        %add3A_790 = arith.constant 80 : i32
        %add3A_791 = arith.addi %add3A_760, %add3A_790 : i32
        %get3A_792 = arith.index_cast %add3A_791 : i32 to index
        %get3A_793 = tpu.vector_load %arg4[%get3A_792] {strides = array<i32>} : memref<32768xf32, #tpu.memory_space<vmem>>, vector<16xf32>,
        %get3A_794 = vector.shape_cast %get3A_793 : vector<16xf32> to vector<16xf32>
        %add3A_795 = arith.addf %scan3A_754, %get3A_794 : vector<16xf32>
        %add3A_796 = arith.constant 96 : i32
        %add3A_797 = arith.addi %add3A_760, %add3A_796 : i32
        %get3A_798 = arith.index_cast %add3A_797 : i32 to index
        %get3A_799 = tpu.vector_load %arg4[%get3A_798] {strides = array<i32>} : memref<32768xf32, #tpu.memory_space<vmem>>, vector<16xf32>,
        %get3A_800 = vector.shape_cast %get3A_799 : vector<16xf32> to vector<16xf32>
        %add3A_801 = arith.addf %scan3A_755, %get3A_800 : vector<16xf32>
        %add3A_802 = arith.constant 112 : i32
        %add3A_803 = arith.addi %add3A_760, %add3A_802 : i32
        %get3A_804 = arith.index_cast %add3A_803 : i32 to index
        %get3A_805 = tpu.vector_load %arg4[%get3A_804] {strides = array<i32>} : memref<32768xf32, #tpu.memory_space<vmem>>, vector<16xf32>,
        %get3A_806 = vector.shape_cast %get3A_805 : vector<16xf32> to vector<16xf32>
        %add3A_807 = arith.addf %scan3A_756, %get3A_806 : vector<16xf32>
        %scan3A_808 = arith.constant 1 : i32
        %scan3A_809 = arith.addi %scan3A_748, %scan3A_808 : i32
        %mul3A_810 = arith.constant 128 : i32
        %mul3A_811 = arith.muli %scan3A_809, %mul3A_810 : i32
        %add3A_812 = arith.constant 12288 : i32
        %add3A_813 = arith.addi %add3A_812, %mul3A_811 : i32
        %add3A_814 = arith.constant 0 : i32
        %add3A_815 = arith.addi %add3A_813, %add3A_814 : i32
        %get3A_816 = arith.index_cast %add3A_815 : i32 to index
        %get3A_817 = tpu.vector_load %arg4[%get3A_816] {strides = array<i32>} : memref<32768xf32, #tpu.memory_space<vmem>>, vector<16xf32>,
        %get3A_818 = vector.shape_cast %get3A_817 : vector<16xf32> to vector<16xf32>
        %add3A_819 = arith.addf %add3A_765, %get3A_818 : vector<16xf32>
        %add3A_820 = arith.constant 16 : i32
        %add3A_821 = arith.addi %add3A_813, %add3A_820 : i32
        %get3A_822 = arith.index_cast %add3A_821 : i32 to index
        %get3A_823 = tpu.vector_load %arg4[%get3A_822] {strides = array<i32>} : memref<32768xf32, #tpu.memory_space<vmem>>, vector<16xf32>,
        %get3A_824 = vector.shape_cast %get3A_823 : vector<16xf32> to vector<16xf32>
        %add3A_825 = arith.addf %add3A_771, %get3A_824 : vector<16xf32>
        %add3A_826 = arith.constant 32 : i32
        %add3A_827 = arith.addi %add3A_813, %add3A_826 : i32
        %get3A_828 = arith.index_cast %add3A_827 : i32 to index
        %get3A_829 = tpu.vector_load %arg4[%get3A_828] {strides = array<i32>} : memref<32768xf32, #tpu.memory_space<vmem>>, vector<16xf32>,
        %get3A_830 = vector.shape_cast %get3A_829 : vector<16xf32> to vector<16xf32>
        %add3A_831 = arith.addf %add3A_777, %get3A_830 : vector<16xf32>
        %add3A_832 = arith.constant 48 : i32
        %add3A_833 = arith.addi %add3A_813, %add3A_832 : i32
        %get3A_834 = arith.index_cast %add3A_833 : i32 to index
        %get3A_835 = tpu.vector_load %arg4[%get3A_834] {strides = array<i32>} : memref<32768xf32, #tpu.memory_space<vmem>>, vector<16xf32>,
        %get3A_836 = vector.shape_cast %get3A_835 : vector<16xf32> to vector<16xf32>
        %add3A_837 = arith.addf %add3A_783, %get3A_836 : vector<16xf32>
        %add3A_838 = arith.constant 64 : i32
        %add3A_839 = arith.addi %add3A_813, %add3A_838 : i32
        %get3A_840 = arith.index_cast %add3A_839 : i32 to index
        %get3A_841 = tpu.vector_load %arg4[%get3A_840] {strides = array<i32>} : memref<32768xf32, #tpu.memory_space<vmem>>, vector<16xf32>,
        %get3A_842 = vector.shape_cast %get3A_841 : vector<16xf32> to vector<16xf32>
        %add3A_843 = arith.addf %add3A_789, %get3A_842 : vector<16xf32>
        %add3A_844 = arith.constant 80 : i32
        %add3A_845 = arith.addi %add3A_813, %add3A_844 : i32
        %get3A_846 = arith.index_cast %add3A_845 : i32 to index
        %get3A_847 = tpu.vector_load %arg4[%get3A_846] {strides = array<i32>} : memref<32768xf32, #tpu.memory_space<vmem>>, vector<16xf32>,
        %get3A_848 = vector.shape_cast %get3A_847 : vector<16xf32> to vector<16xf32>
        %add3A_849 = arith.addf %add3A_795, %get3A_848 : vector<16xf32>
        %add3A_850 = arith.constant 96 : i32
        %add3A_851 = arith.addi %add3A_813, %add3A_850 : i32
        %get3A_852 = arith.index_cast %add3A_851 : i32 to index
        %get3A_853 = tpu.vector_load %arg4[%get3A_852] {strides = array<i32>} : memref<32768xf32, #tpu.memory_space<vmem>>, vector<16xf32>,
        %get3A_854 = vector.shape_cast %get3A_853 : vector<16xf32> to vector<16xf32>
        %add3A_855 = arith.addf %add3A_801, %get3A_854 : vector<16xf32>
        %add3A_856 = arith.constant 112 : i32
        %add3A_857 = arith.addi %add3A_813, %add3A_856 : i32
        %get3A_858 = arith.index_cast %add3A_857 : i32 to index
        %get3A_859 = tpu.vector_load %arg4[%get3A_858] {strides = array<i32>} : memref<32768xf32, #tpu.memory_space<vmem>>, vector<16xf32>,
        %get3A_860 = vector.shape_cast %get3A_859 : vector<16xf32> to vector<16xf32>
        %add3A_861 = arith.addf %add3A_807, %get3A_860 : vector<16xf32>
        scf.yield %add3A_819, %add3A_825, %add3A_831, %add3A_837, %add3A_843, %add3A_849, %add3A_855, %add3A_861 : vector<16xf32>, vector<16xf32>, vector<16xf32>, vector<16xf32>, vector<16xf32>, vector<16xf32>, vector<16xf32>, vector<16xf32>
      }
      %scan3A_184 = arith.constant 32 : i32
      %swap3A_185 = arith.constant 384 : index
      %swap3A_186 = tpu.vector_load %arg6[%swap3A_185] {strides = array<i32>} : memref<1024xf32, #tpu.memory_space<vmem>>, vector<16xf32>,
      %swap3A_187 = vector.shape_cast %swap3A_186 : vector<16xf32> to vector<16xf32>
      %swap3A_188 = vector.shape_cast %scan3A_183#0 : vector<16xf32> to vector<16xf32>
      tpu.vector_store %arg6[%swap3A_185], %swap3A_188 {strides = array<i32>} : memref<1024xf32, #tpu.memory_space<vmem>>, vector<16xf32>,
      %swap3A_189 = arith.constant 400 : index
      %swap3A_190 = tpu.vector_load %arg6[%swap3A_189] {strides = array<i32>} : memref<1024xf32, #tpu.memory_space<vmem>>, vector<16xf32>,
      %swap3A_191 = vector.shape_cast %swap3A_190 : vector<16xf32> to vector<16xf32>
      %swap3A_192 = vector.shape_cast %scan3A_183#1 : vector<16xf32> to vector<16xf32>
      tpu.vector_store %arg6[%swap3A_189], %swap3A_192 {strides = array<i32>} : memref<1024xf32, #tpu.memory_space<vmem>>, vector<16xf32>,
      %swap3A_193 = arith.constant 416 : index
      %swap3A_194 = tpu.vector_load %arg6[%swap3A_193] {strides = array<i32>} : memref<1024xf32, #tpu.memory_space<vmem>>, vector<16xf32>,
      %swap3A_195 = vector.shape_cast %swap3A_194 : vector<16xf32> to vector<16xf32>
      %swap3A_196 = vector.shape_cast %scan3A_183#2 : vector<16xf32> to vector<16xf32>
      tpu.vector_store %arg6[%swap3A_193], %swap3A_196 {strides = array<i32>} : memref<1024xf32, #tpu.memory_space<vmem>>, vector<16xf32>,
      %swap3A_197 = arith.constant 432 : index
      %swap3A_198 = tpu.vector_load %arg6[%swap3A_197] {strides = array<i32>} : memref<1024xf32, #tpu.memory_space<vmem>>, vector<16xf32>,
      %swap3A_199 = vector.shape_cast %swap3A_198 : vector<16xf32> to vector<16xf32>
      %swap3A_200 = vector.shape_cast %scan3A_183#3 : vector<16xf32> to vector<16xf32>
      tpu.vector_store %arg6[%swap3A_197], %swap3A_200 {strides = array<i32>} : memref<1024xf32, #tpu.memory_space<vmem>>, vector<16xf32>,
      %swap3A_201 = arith.constant 448 : index
      %swap3A_202 = tpu.vector_load %arg6[%swap3A_201] {strides = array<i32>} : memref<1024xf32, #tpu.memory_space<vmem>>, vector<16xf32>,
      %swap3A_203 = vector.shape_cast %swap3A_202 : vector<16xf32> to vector<16xf32>
      %swap3A_204 = vector.shape_cast %scan3A_183#4 : vector<16xf32> to vector<16xf32>
      tpu.vector_store %arg6[%swap3A_201], %swap3A_204 {strides = array<i32>} : memref<1024xf32, #tpu.memory_space<vmem>>, vector<16xf32>,
      %swap3A_205 = arith.constant 464 : index
      %swap3A_206 = tpu.vector_load %arg6[%swap3A_205] {strides = array<i32>} : memref<1024xf32, #tpu.memory_space<vmem>>, vector<16xf32>,
      %swap3A_207 = vector.shape_cast %swap3A_206 : vector<16xf32> to vector<16xf32>
      %swap3A_208 = vector.shape_cast %scan3A_183#5 : vector<16xf32> to vector<16xf32>
      tpu.vector_store %arg6[%swap3A_205], %swap3A_208 {strides = array<i32>} : memref<1024xf32, #tpu.memory_space<vmem>>, vector<16xf32>,
      %swap3A_209 = arith.constant 480 : index
      %swap3A_210 = tpu.vector_load %arg6[%swap3A_209] {strides = array<i32>} : memref<1024xf32, #tpu.memory_space<vmem>>, vector<16xf32>,
      %swap3A_211 = vector.shape_cast %swap3A_210 : vector<16xf32> to vector<16xf32>
      %swap3A_212 = vector.shape_cast %scan3A_183#6 : vector<16xf32> to vector<16xf32>
      tpu.vector_store %arg6[%swap3A_209], %swap3A_212 {strides = array<i32>} : memref<1024xf32, #tpu.memory_space<vmem>>, vector<16xf32>,
      %swap3A_213 = arith.constant 496 : index
      %swap3A_214 = tpu.vector_load %arg6[%swap3A_213] {strides = array<i32>} : memref<1024xf32, #tpu.memory_space<vmem>>, vector<16xf32>,
      %swap3A_215 = vector.shape_cast %swap3A_214 : vector<16xf32> to vector<16xf32>
      %swap3A_216 = vector.shape_cast %scan3A_183#7 : vector<16xf32> to vector<16xf32>
      tpu.vector_store %arg6[%swap3A_213], %swap3A_216 {strides = array<i32>} : memref<1024xf32, #tpu.memory_space<vmem>>, vector<16xf32>,
      %broadcast_in_dim3A_217 = arith.constant 0.000000e+00 : f32
      %broadcast_in_dim3A_218 = vector.broadcast %broadcast_in_dim3A_217 : f32 to vector<16xf32>
      %scan3A_219 = arith.constant 0 : i32
      %scan3A_220 = arith.constant 32 : i32
      %scan3A_221 = arith.addi %scan3A_219, %scan3A_220 : i32
      %scan3A_222 = arith.constant 2 : i32
      %scan3A_223:8 = scf.for %scan3A_748 = %scan3A_219 to %scan3A_221 step %scan3A_222 iter_args(%scan3A_749 = %broadcast_in_dim3A_218, %scan3A_750 = %broadcast_in_dim3A_218, %scan3A_751 = %broadcast_in_dim3A_218, %scan3A_752 = %broadcast_in_dim3A_218, %scan3A_753 = %broadcast_in_dim3A_218, %scan3A_754 = %broadcast_in_dim3A_218, %scan3A_755 = %broadcast_in_dim3A_218, %scan3A_756 = %broadcast_in_dim3A_218) -> (vector<16xf32>, vector<16xf32>, vector<16xf32>, vector<16xf32>, vector<16xf32>, vector<16xf32>, vector<16xf32>, vector<16xf32>)  : i32 {
        %mul3A_757 = arith.constant 128 : i32
        %mul3A_758 = arith.muli %scan3A_748, %mul3A_757 : i32
        %add3A_759 = arith.constant 16384 : i32
        %add3A_760 = arith.addi %add3A_759, %mul3A_758 : i32
        %add3A_761 = arith.constant 0 : i32
        %add3A_762 = arith.addi %add3A_760, %add3A_761 : i32
        %get3A = arith.index_cast %add3A_762 : i32 to index
        %get3A_763 = tpu.vector_load %arg4[%get3A] {strides = array<i32>} : memref<32768xf32, #tpu.memory_space<vmem>>, vector<16xf32>,
        %get3A_764 = vector.shape_cast %get3A_763 : vector<16xf32> to vector<16xf32>
        %add3A_765 = arith.addf %scan3A_749, %get3A_764 : vector<16xf32>
        %add3A_766 = arith.constant 16 : i32
        %add3A_767 = arith.addi %add3A_760, %add3A_766 : i32
        %get3A_768 = arith.index_cast %add3A_767 : i32 to index
        %get3A_769 = tpu.vector_load %arg4[%get3A_768] {strides = array<i32>} : memref<32768xf32, #tpu.memory_space<vmem>>, vector<16xf32>,
        %get3A_770 = vector.shape_cast %get3A_769 : vector<16xf32> to vector<16xf32>
        %add3A_771 = arith.addf %scan3A_750, %get3A_770 : vector<16xf32>
        %add3A_772 = arith.constant 32 : i32
        %add3A_773 = arith.addi %add3A_760, %add3A_772 : i32
        %get3A_774 = arith.index_cast %add3A_773 : i32 to index
        %get3A_775 = tpu.vector_load %arg4[%get3A_774] {strides = array<i32>} : memref<32768xf32, #tpu.memory_space<vmem>>, vector<16xf32>,
        %get3A_776 = vector.shape_cast %get3A_775 : vector<16xf32> to vector<16xf32>
        %add3A_777 = arith.addf %scan3A_751, %get3A_776 : vector<16xf32>
        %add3A_778 = arith.constant 48 : i32
        %add3A_779 = arith.addi %add3A_760, %add3A_778 : i32
        %get3A_780 = arith.index_cast %add3A_779 : i32 to index
        %get3A_781 = tpu.vector_load %arg4[%get3A_780] {strides = array<i32>} : memref<32768xf32, #tpu.memory_space<vmem>>, vector<16xf32>,
        %get3A_782 = vector.shape_cast %get3A_781 : vector<16xf32> to vector<16xf32>
        %add3A_783 = arith.addf %scan3A_752, %get3A_782 : vector<16xf32>
        %add3A_784 = arith.constant 64 : i32
        %add3A_785 = arith.addi %add3A_760, %add3A_784 : i32
        %get3A_786 = arith.index_cast %add3A_785 : i32 to index
        %get3A_787 = tpu.vector_load %arg4[%get3A_786] {strides = array<i32>} : memref<32768xf32, #tpu.memory_space<vmem>>, vector<16xf32>,
        %get3A_788 = vector.shape_cast %get3A_787 : vector<16xf32> to vector<16xf32>
        %add3A_789 = arith.addf %scan3A_753, %get3A_788 : vector<16xf32>
        %add3A_790 = arith.constant 80 : i32
        %add3A_791 = arith.addi %add3A_760, %add3A_790 : i32
        %get3A_792 = arith.index_cast %add3A_791 : i32 to index
        %get3A_793 = tpu.vector_load %arg4[%get3A_792] {strides = array<i32>} : memref<32768xf32, #tpu.memory_space<vmem>>, vector<16xf32>,
        %get3A_794 = vector.shape_cast %get3A_793 : vector<16xf32> to vector<16xf32>
        %add3A_795 = arith.addf %scan3A_754, %get3A_794 : vector<16xf32>
        %add3A_796 = arith.constant 96 : i32
        %add3A_797 = arith.addi %add3A_760, %add3A_796 : i32
        %get3A_798 = arith.index_cast %add3A_797 : i32 to index
        %get3A_799 = tpu.vector_load %arg4[%get3A_798] {strides = array<i32>} : memref<32768xf32, #tpu.memory_space<vmem>>, vector<16xf32>,
        %get3A_800 = vector.shape_cast %get3A_799 : vector<16xf32> to vector<16xf32>
        %add3A_801 = arith.addf %scan3A_755, %get3A_800 : vector<16xf32>
        %add3A_802 = arith.constant 112 : i32
        %add3A_803 = arith.addi %add3A_760, %add3A_802 : i32
        %get3A_804 = arith.index_cast %add3A_803 : i32 to index
        %get3A_805 = tpu.vector_load %arg4[%get3A_804] {strides = array<i32>} : memref<32768xf32, #tpu.memory_space<vmem>>, vector<16xf32>,
        %get3A_806 = vector.shape_cast %get3A_805 : vector<16xf32> to vector<16xf32>
        %add3A_807 = arith.addf %scan3A_756, %get3A_806 : vector<16xf32>
        %scan3A_808 = arith.constant 1 : i32
        %scan3A_809 = arith.addi %scan3A_748, %scan3A_808 : i32
        %mul3A_810 = arith.constant 128 : i32
        %mul3A_811 = arith.muli %scan3A_809, %mul3A_810 : i32
        %add3A_812 = arith.constant 16384 : i32
        %add3A_813 = arith.addi %add3A_812, %mul3A_811 : i32
        %add3A_814 = arith.constant 0 : i32
        %add3A_815 = arith.addi %add3A_813, %add3A_814 : i32
        %get3A_816 = arith.index_cast %add3A_815 : i32 to index
        %get3A_817 = tpu.vector_load %arg4[%get3A_816] {strides = array<i32>} : memref<32768xf32, #tpu.memory_space<vmem>>, vector<16xf32>,
        %get3A_818 = vector.shape_cast %get3A_817 : vector<16xf32> to vector<16xf32>
        %add3A_819 = arith.addf %add3A_765, %get3A_818 : vector<16xf32>
        %add3A_820 = arith.constant 16 : i32
        %add3A_821 = arith.addi %add3A_813, %add3A_820 : i32
        %get3A_822 = arith.index_cast %add3A_821 : i32 to index
        %get3A_823 = tpu.vector_load %arg4[%get3A_822] {strides = array<i32>} : memref<32768xf32, #tpu.memory_space<vmem>>, vector<16xf32>,
        %get3A_824 = vector.shape_cast %get3A_823 : vector<16xf32> to vector<16xf32>
        %add3A_825 = arith.addf %add3A_771, %get3A_824 : vector<16xf32>
        %add3A_826 = arith.constant 32 : i32
        %add3A_827 = arith.addi %add3A_813, %add3A_826 : i32
        %get3A_828 = arith.index_cast %add3A_827 : i32 to index
        %get3A_829 = tpu.vector_load %arg4[%get3A_828] {strides = array<i32>} : memref<32768xf32, #tpu.memory_space<vmem>>, vector<16xf32>,
        %get3A_830 = vector.shape_cast %get3A_829 : vector<16xf32> to vector<16xf32>
        %add3A_831 = arith.addf %add3A_777, %get3A_830 : vector<16xf32>
        %add3A_832 = arith.constant 48 : i32
        %add3A_833 = arith.addi %add3A_813, %add3A_832 : i32
        %get3A_834 = arith.index_cast %add3A_833 : i32 to index
        %get3A_835 = tpu.vector_load %arg4[%get3A_834] {strides = array<i32>} : memref<32768xf32, #tpu.memory_space<vmem>>, vector<16xf32>,
        %get3A_836 = vector.shape_cast %get3A_835 : vector<16xf32> to vector<16xf32>
        %add3A_837 = arith.addf %add3A_783, %get3A_836 : vector<16xf32>
        %add3A_838 = arith.constant 64 : i32
        %add3A_839 = arith.addi %add3A_813, %add3A_838 : i32
        %get3A_840 = arith.index_cast %add3A_839 : i32 to index
        %get3A_841 = tpu.vector_load %arg4[%get3A_840] {strides = array<i32>} : memref<32768xf32, #tpu.memory_space<vmem>>, vector<16xf32>,
        %get3A_842 = vector.shape_cast %get3A_841 : vector<16xf32> to vector<16xf32>
        %add3A_843 = arith.addf %add3A_789, %get3A_842 : vector<16xf32>
        %add3A_844 = arith.constant 80 : i32
        %add3A_845 = arith.addi %add3A_813, %add3A_844 : i32
        %get3A_846 = arith.index_cast %add3A_845 : i32 to index
        %get3A_847 = tpu.vector_load %arg4[%get3A_846] {strides = array<i32>} : memref<32768xf32, #tpu.memory_space<vmem>>, vector<16xf32>,
        %get3A_848 = vector.shape_cast %get3A_847 : vector<16xf32> to vector<16xf32>
        %add3A_849 = arith.addf %add3A_795, %get3A_848 : vector<16xf32>
        %add3A_850 = arith.constant 96 : i32
        %add3A_851 = arith.addi %add3A_813, %add3A_850 : i32
        %get3A_852 = arith.index_cast %add3A_851 : i32 to index
        %get3A_853 = tpu.vector_load %arg4[%get3A_852] {strides = array<i32>} : memref<32768xf32, #tpu.memory_space<vmem>>, vector<16xf32>,
        %get3A_854 = vector.shape_cast %get3A_853 : vector<16xf32> to vector<16xf32>
        %add3A_855 = arith.addf %add3A_801, %get3A_854 : vector<16xf32>
        %add3A_856 = arith.constant 112 : i32
        %add3A_857 = arith.addi %add3A_813, %add3A_856 : i32
        %get3A_858 = arith.index_cast %add3A_857 : i32 to index
        %get3A_859 = tpu.vector_load %arg4[%get3A_858] {strides = array<i32>} : memref<32768xf32, #tpu.memory_space<vmem>>, vector<16xf32>,
        %get3A_860 = vector.shape_cast %get3A_859 : vector<16xf32> to vector<16xf32>
        %add3A_861 = arith.addf %add3A_807, %get3A_860 : vector<16xf32>
        scf.yield %add3A_819, %add3A_825, %add3A_831, %add3A_837, %add3A_843, %add3A_849, %add3A_855, %add3A_861 : vector<16xf32>, vector<16xf32>, vector<16xf32>, vector<16xf32>, vector<16xf32>, vector<16xf32>, vector<16xf32>, vector<16xf32>
      }
      %scan3A_224 = arith.constant 32 : i32
      %swap3A_225 = arith.constant 512 : index
      %swap3A_226 = tpu.vector_load %arg6[%swap3A_225] {strides = array<i32>} : memref<1024xf32, #tpu.memory_space<vmem>>, vector<16xf32>,
      %swap3A_227 = vector.shape_cast %swap3A_226 : vector<16xf32> to vector<16xf32>
      %swap3A_228 = vector.shape_cast %scan3A_223#0 : vector<16xf32> to vector<16xf32>
      tpu.vector_store %arg6[%swap3A_225], %swap3A_228 {strides = array<i32>} : memref<1024xf32, #tpu.memory_space<vmem>>, vector<16xf32>,
      %swap3A_229 = arith.constant 528 : index
      %swap3A_230 = tpu.vector_load %arg6[%swap3A_229] {strides = array<i32>} : memref<1024xf32, #tpu.memory_space<vmem>>, vector<16xf32>,
      %swap3A_231 = vector.shape_cast %swap3A_230 : vector<16xf32> to vector<16xf32>
      %swap3A_232 = vector.shape_cast %scan3A_223#1 : vector<16xf32> to vector<16xf32>
      tpu.vector_store %arg6[%swap3A_229], %swap3A_232 {strides = array<i32>} : memref<1024xf32, #tpu.memory_space<vmem>>, vector<16xf32>,
      %swap3A_233 = arith.constant 544 : index
      %swap3A_234 = tpu.vector_load %arg6[%swap3A_233] {strides = array<i32>} : memref<1024xf32, #tpu.memory_space<vmem>>, vector<16xf32>,
      %swap3A_235 = vector.shape_cast %swap3A_234 : vector<16xf32> to vector<16xf32>
      %swap3A_236 = vector.shape_cast %scan3A_223#2 : vector<16xf32> to vector<16xf32>
      tpu.vector_store %arg6[%swap3A_233], %swap3A_236 {strides = array<i32>} : memref<1024xf32, #tpu.memory_space<vmem>>, vector<16xf32>,
      %swap3A_237 = arith.constant 560 : index
      %swap3A_238 = tpu.vector_load %arg6[%swap3A_237] {strides = array<i32>} : memref<1024xf32, #tpu.memory_space<vmem>>, vector<16xf32>,
      %swap3A_239 = vector.shape_cast %swap3A_238 : vector<16xf32> to vector<16xf32>
      %swap3A_240 = vector.shape_cast %scan3A_223#3 : vector<16xf32> to vector<16xf32>
      tpu.vector_store %arg6[%swap3A_237], %swap3A_240 {strides = array<i32>} : memref<1024xf32, #tpu.memory_space<vmem>>, vector<16xf32>,
      %swap3A_241 = arith.constant 576 : index
      %swap3A_242 = tpu.vector_load %arg6[%swap3A_241] {strides = array<i32>} : memref<1024xf32, #tpu.memory_space<vmem>>, vector<16xf32>,
      %swap3A_243 = vector.shape_cast %swap3A_242 : vector<16xf32> to vector<16xf32>
      %swap3A_244 = vector.shape_cast %scan3A_223#4 : vector<16xf32> to vector<16xf32>
      tpu.vector_store %arg6[%swap3A_241], %swap3A_244 {strides = array<i32>} : memref<1024xf32, #tpu.memory_space<vmem>>, vector<16xf32>,
      %swap3A_245 = arith.constant 592 : index
      %swap3A_246 = tpu.vector_load %arg6[%swap3A_245] {strides = array<i32>} : memref<1024xf32, #tpu.memory_space<vmem>>, vector<16xf32>,
      %swap3A_247 = vector.shape_cast %swap3A_246 : vector<16xf32> to vector<16xf32>
      %swap3A_248 = vector.shape_cast %scan3A_223#5 : vector<16xf32> to vector<16xf32>
      tpu.vector_store %arg6[%swap3A_245], %swap3A_248 {strides = array<i32>} : memref<1024xf32, #tpu.memory_space<vmem>>, vector<16xf32>,
      %swap3A_249 = arith.constant 608 : index
      %swap3A_250 = tpu.vector_load %arg6[%swap3A_249] {strides = array<i32>} : memref<1024xf32, #tpu.memory_space<vmem>>, vector<16xf32>,
      %swap3A_251 = vector.shape_cast %swap3A_250 : vector<16xf32> to vector<16xf32>
      %swap3A_252 = vector.shape_cast %scan3A_223#6 : vector<16xf32> to vector<16xf32>
      tpu.vector_store %arg6[%swap3A_249], %swap3A_252 {strides = array<i32>} : memref<1024xf32, #tpu.memory_space<vmem>>, vector<16xf32>,
      %swap3A_253 = arith.constant 624 : index
      %swap3A_254 = tpu.vector_load %arg6[%swap3A_253] {strides = array<i32>} : memref<1024xf32, #tpu.memory_space<vmem>>, vector<16xf32>,
      %swap3A_255 = vector.shape_cast %swap3A_254 : vector<16xf32> to vector<16xf32>
      %swap3A_256 = vector.shape_cast %scan3A_223#7 : vector<16xf32> to vector<16xf32>
      tpu.vector_store %arg6[%swap3A_253], %swap3A_256 {strides = array<i32>} : memref<1024xf32, #tpu.memory_space<vmem>>, vector<16xf32>,
      %broadcast_in_dim3A_257 = arith.constant 0.000000e+00 : f32
      %broadcast_in_dim3A_258 = vector.broadcast %broadcast_in_dim3A_257 : f32 to vector<16xf32>
      %scan3A_259 = arith.constant 0 : i32
      %scan3A_260 = arith.constant 32 : i32
      %scan3A_261 = arith.addi %scan3A_259, %scan3A_260 : i32
      %scan3A_262 = arith.constant 2 : i32
      %scan3A_263:8 = scf.for %scan3A_748 = %scan3A_259 to %scan3A_261 step %scan3A_262 iter_args(%scan3A_749 = %broadcast_in_dim3A_258, %scan3A_750 = %broadcast_in_dim3A_258, %scan3A_751 = %broadcast_in_dim3A_258, %scan3A_752 = %broadcast_in_dim3A_258, %scan3A_753 = %broadcast_in_dim3A_258, %scan3A_754 = %broadcast_in_dim3A_258, %scan3A_755 = %broadcast_in_dim3A_258, %scan3A_756 = %broadcast_in_dim3A_258) -> (vector<16xf32>, vector<16xf32>, vector<16xf32>, vector<16xf32>, vector<16xf32>, vector<16xf32>, vector<16xf32>, vector<16xf32>)  : i32 {
        %mul3A_757 = arith.constant 128 : i32
        %mul3A_758 = arith.muli %scan3A_748, %mul3A_757 : i32
        %add3A_759 = arith.constant 20480 : i32
        %add3A_760 = arith.addi %add3A_759, %mul3A_758 : i32
        %add3A_761 = arith.constant 0 : i32
        %add3A_762 = arith.addi %add3A_760, %add3A_761 : i32
        %get3A = arith.index_cast %add3A_762 : i32 to index
        %get3A_763 = tpu.vector_load %arg4[%get3A] {strides = array<i32>} : memref<32768xf32, #tpu.memory_space<vmem>>, vector<16xf32>,
        %get3A_764 = vector.shape_cast %get3A_763 : vector<16xf32> to vector<16xf32>
        %add3A_765 = arith.addf %scan3A_749, %get3A_764 : vector<16xf32>
        %add3A_766 = arith.constant 16 : i32
        %add3A_767 = arith.addi %add3A_760, %add3A_766 : i32
        %get3A_768 = arith.index_cast %add3A_767 : i32 to index
        %get3A_769 = tpu.vector_load %arg4[%get3A_768] {strides = array<i32>} : memref<32768xf32, #tpu.memory_space<vmem>>, vector<16xf32>,
        %get3A_770 = vector.shape_cast %get3A_769 : vector<16xf32> to vector<16xf32>
        %add3A_771 = arith.addf %scan3A_750, %get3A_770 : vector<16xf32>
        %add3A_772 = arith.constant 32 : i32
        %add3A_773 = arith.addi %add3A_760, %add3A_772 : i32
        %get3A_774 = arith.index_cast %add3A_773 : i32 to index
        %get3A_775 = tpu.vector_load %arg4[%get3A_774] {strides = array<i32>} : memref<32768xf32, #tpu.memory_space<vmem>>, vector<16xf32>,
        %get3A_776 = vector.shape_cast %get3A_775 : vector<16xf32> to vector<16xf32>
        %add3A_777 = arith.addf %scan3A_751, %get3A_776 : vector<16xf32>
        %add3A_778 = arith.constant 48 : i32
        %add3A_779 = arith.addi %add3A_760, %add3A_778 : i32
        %get3A_780 = arith.index_cast %add3A_779 : i32 to index
        %get3A_781 = tpu.vector_load %arg4[%get3A_780] {strides = array<i32>} : memref<32768xf32, #tpu.memory_space<vmem>>, vector<16xf32>,
        %get3A_782 = vector.shape_cast %get3A_781 : vector<16xf32> to vector<16xf32>
        %add3A_783 = arith.addf %scan3A_752, %get3A_782 : vector<16xf32>
        %add3A_784 = arith.constant 64 : i32
        %add3A_785 = arith.addi %add3A_760, %add3A_784 : i32
        %get3A_786 = arith.index_cast %add3A_785 : i32 to index
        %get3A_787 = tpu.vector_load %arg4[%get3A_786] {strides = array<i32>} : memref<32768xf32, #tpu.memory_space<vmem>>, vector<16xf32>,
        %get3A_788 = vector.shape_cast %get3A_787 : vector<16xf32> to vector<16xf32>
        %add3A_789 = arith.addf %scan3A_753, %get3A_788 : vector<16xf32>
        %add3A_790 = arith.constant 80 : i32
        %add3A_791 = arith.addi %add3A_760, %add3A_790 : i32
        %get3A_792 = arith.index_cast %add3A_791 : i32 to index
        %get3A_793 = tpu.vector_load %arg4[%get3A_792] {strides = array<i32>} : memref<32768xf32, #tpu.memory_space<vmem>>, vector<16xf32>,
        %get3A_794 = vector.shape_cast %get3A_793 : vector<16xf32> to vector<16xf32>
        %add3A_795 = arith.addf %scan3A_754, %get3A_794 : vector<16xf32>
        %add3A_796 = arith.constant 96 : i32
        %add3A_797 = arith.addi %add3A_760, %add3A_796 : i32
        %get3A_798 = arith.index_cast %add3A_797 : i32 to index
        %get3A_799 = tpu.vector_load %arg4[%get3A_798] {strides = array<i32>} : memref<32768xf32, #tpu.memory_space<vmem>>, vector<16xf32>,
        %get3A_800 = vector.shape_cast %get3A_799 : vector<16xf32> to vector<16xf32>
        %add3A_801 = arith.addf %scan3A_755, %get3A_800 : vector<16xf32>
        %add3A_802 = arith.constant 112 : i32
        %add3A_803 = arith.addi %add3A_760, %add3A_802 : i32
        %get3A_804 = arith.index_cast %add3A_803 : i32 to index
        %get3A_805 = tpu.vector_load %arg4[%get3A_804] {strides = array<i32>} : memref<32768xf32, #tpu.memory_space<vmem>>, vector<16xf32>,
        %get3A_806 = vector.shape_cast %get3A_805 : vector<16xf32> to vector<16xf32>
        %add3A_807 = arith.addf %scan3A_756, %get3A_806 : vector<16xf32>
        %scan3A_808 = arith.constant 1 : i32
        %scan3A_809 = arith.addi %scan3A_748, %scan3A_808 : i32
        %mul3A_810 = arith.constant 128 : i32
        %mul3A_811 = arith.muli %scan3A_809, %mul3A_810 : i32
        %add3A_812 = arith.constant 20480 : i32
        %add3A_813 = arith.addi %add3A_812, %mul3A_811 : i32
        %add3A_814 = arith.constant 0 : i32
        %add3A_815 = arith.addi %add3A_813, %add3A_814 : i32
        %get3A_816 = arith.index_cast %add3A_815 : i32 to index
        %get3A_817 = tpu.vector_load %arg4[%get3A_816] {strides = array<i32>} : memref<32768xf32, #tpu.memory_space<vmem>>, vector<16xf32>,
        %get3A_818 = vector.shape_cast %get3A_817 : vector<16xf32> to vector<16xf32>
        %add3A_819 = arith.addf %add3A_765, %get3A_818 : vector<16xf32>
        %add3A_820 = arith.constant 16 : i32
        %add3A_821 = arith.addi %add3A_813, %add3A_820 : i32
        %get3A_822 = arith.index_cast %add3A_821 : i32 to index
        %get3A_823 = tpu.vector_load %arg4[%get3A_822] {strides = array<i32>} : memref<32768xf32, #tpu.memory_space<vmem>>, vector<16xf32>,
        %get3A_824 = vector.shape_cast %get3A_823 : vector<16xf32> to vector<16xf32>
        %add3A_825 = arith.addf %add3A_771, %get3A_824 : vector<16xf32>
        %add3A_826 = arith.constant 32 : i32
        %add3A_827 = arith.addi %add3A_813, %add3A_826 : i32
        %get3A_828 = arith.index_cast %add3A_827 : i32 to index
        %get3A_829 = tpu.vector_load %arg4[%get3A_828] {strides = array<i32>} : memref<32768xf32, #tpu.memory_space<vmem>>, vector<16xf32>,
        %get3A_830 = vector.shape_cast %get3A_829 : vector<16xf32> to vector<16xf32>
        %add3A_831 = arith.addf %add3A_777, %get3A_830 : vector<16xf32>
        %add3A_832 = arith.constant 48 : i32
        %add3A_833 = arith.addi %add3A_813, %add3A_832 : i32
        %get3A_834 = arith.index_cast %add3A_833 : i32 to index
        %get3A_835 = tpu.vector_load %arg4[%get3A_834] {strides = array<i32>} : memref<32768xf32, #tpu.memory_space<vmem>>, vector<16xf32>,
        %get3A_836 = vector.shape_cast %get3A_835 : vector<16xf32> to vector<16xf32>
        %add3A_837 = arith.addf %add3A_783, %get3A_836 : vector<16xf32>
        %add3A_838 = arith.constant 64 : i32
        %add3A_839 = arith.addi %add3A_813, %add3A_838 : i32
        %get3A_840 = arith.index_cast %add3A_839 : i32 to index
        %get3A_841 = tpu.vector_load %arg4[%get3A_840] {strides = array<i32>} : memref<32768xf32, #tpu.memory_space<vmem>>, vector<16xf32>,
        %get3A_842 = vector.shape_cast %get3A_841 : vector<16xf32> to vector<16xf32>
        %add3A_843 = arith.addf %add3A_789, %get3A_842 : vector<16xf32>
        %add3A_844 = arith.constant 80 : i32
        %add3A_845 = arith.addi %add3A_813, %add3A_844 : i32
        %get3A_846 = arith.index_cast %add3A_845 : i32 to index
        %get3A_847 = tpu.vector_load %arg4[%get3A_846] {strides = array<i32>} : memref<32768xf32, #tpu.memory_space<vmem>>, vector<16xf32>,
        %get3A_848 = vector.shape_cast %get3A_847 : vector<16xf32> to vector<16xf32>
        %add3A_849 = arith.addf %add3A_795, %get3A_848 : vector<16xf32>
        %add3A_850 = arith.constant 96 : i32
        %add3A_851 = arith.addi %add3A_813, %add3A_850 : i32
        %get3A_852 = arith.index_cast %add3A_851 : i32 to index
        %get3A_853 = tpu.vector_load %arg4[%get3A_852] {strides = array<i32>} : memref<32768xf32, #tpu.memory_space<vmem>>, vector<16xf32>,
        %get3A_854 = vector.shape_cast %get3A_853 : vector<16xf32> to vector<16xf32>
        %add3A_855 = arith.addf %add3A_801, %get3A_854 : vector<16xf32>
        %add3A_856 = arith.constant 112 : i32
        %add3A_857 = arith.addi %add3A_813, %add3A_856 : i32
        %get3A_858 = arith.index_cast %add3A_857 : i32 to index
        %get3A_859 = tpu.vector_load %arg4[%get3A_858] {strides = array<i32>} : memref<32768xf32, #tpu.memory_space<vmem>>, vector<16xf32>,
        %get3A_860 = vector.shape_cast %get3A_859 : vector<16xf32> to vector<16xf32>
        %add3A_861 = arith.addf %add3A_807, %get3A_860 : vector<16xf32>
        scf.yield %add3A_819, %add3A_825, %add3A_831, %add3A_837, %add3A_843, %add3A_849, %add3A_855, %add3A_861 : vector<16xf32>, vector<16xf32>, vector<16xf32>, vector<16xf32>, vector<16xf32>, vector<16xf32>, vector<16xf32>, vector<16xf32>
      }
      %scan3A_264 = arith.constant 32 : i32
      %swap3A_265 = arith.constant 640 : index
      %swap3A_266 = tpu.vector_load %arg6[%swap3A_265] {strides = array<i32>} : memref<1024xf32, #tpu.memory_space<vmem>>, vector<16xf32>,
      %swap3A_267 = vector.shape_cast %swap3A_266 : vector<16xf32> to vector<16xf32>
      %swap3A_268 = vector.shape_cast %scan3A_263#0 : vector<16xf32> to vector<16xf32>
      tpu.vector_store %arg6[%swap3A_265], %swap3A_268 {strides = array<i32>} : memref<1024xf32, #tpu.memory_space<vmem>>, vector<16xf32>,
      %swap3A_269 = arith.constant 656 : index
      %swap3A_270 = tpu.vector_load %arg6[%swap3A_269] {strides = array<i32>} : memref<1024xf32, #tpu.memory_space<vmem>>, vector<16xf32>,
      %swap3A_271 = vector.shape_cast %swap3A_270 : vector<16xf32> to vector<16xf32>
      %swap3A_272 = vector.shape_cast %scan3A_263#1 : vector<16xf32> to vector<16xf32>
      tpu.vector_store %arg6[%swap3A_269], %swap3A_272 {strides = array<i32>} : memref<1024xf32, #tpu.memory_space<vmem>>, vector<16xf32>,
      %swap3A_273 = arith.constant 672 : index
      %swap3A_274 = tpu.vector_load %arg6[%swap3A_273] {strides = array<i32>} : memref<1024xf32, #tpu.memory_space<vmem>>, vector<16xf32>,
      %swap3A_275 = vector.shape_cast %swap3A_274 : vector<16xf32> to vector<16xf32>
      %swap3A_276 = vector.shape_cast %scan3A_263#2 : vector<16xf32> to vector<16xf32>
      tpu.vector_store %arg6[%swap3A_273], %swap3A_276 {strides = array<i32>} : memref<1024xf32, #tpu.memory_space<vmem>>, vector<16xf32>,
      %swap3A_277 = arith.constant 688 : index
      %swap3A_278 = tpu.vector_load %arg6[%swap3A_277] {strides = array<i32>} : memref<1024xf32, #tpu.memory_space<vmem>>, vector<16xf32>,
      %swap3A_279 = vector.shape_cast %swap3A_278 : vector<16xf32> to vector<16xf32>
      %swap3A_280 = vector.shape_cast %scan3A_263#3 : vector<16xf32> to vector<16xf32>
      tpu.vector_store %arg6[%swap3A_277], %swap3A_280 {strides = array<i32>} : memref<1024xf32, #tpu.memory_space<vmem>>, vector<16xf32>,
      %swap3A_281 = arith.constant 704 : index
      %swap3A_282 = tpu.vector_load %arg6[%swap3A_281] {strides = array<i32>} : memref<1024xf32, #tpu.memory_space<vmem>>, vector<16xf32>,
      %swap3A_283 = vector.shape_cast %swap3A_282 : vector<16xf32> to vector<16xf32>
      %swap3A_284 = vector.shape_cast %scan3A_263#4 : vector<16xf32> to vector<16xf32>
      tpu.vector_store %arg6[%swap3A_281], %swap3A_284 {strides = array<i32>} : memref<1024xf32, #tpu.memory_space<vmem>>, vector<16xf32>,
      %swap3A_285 = arith.constant 720 : index
      %swap3A_286 = tpu.vector_load %arg6[%swap3A_285] {strides = array<i32>} : memref<1024xf32, #tpu.memory_space<vmem>>, vector<16xf32>,
      %swap3A_287 = vector.shape_cast %swap3A_286 : vector<16xf32> to vector<16xf32>
      %swap3A_288 = vector.shape_cast %scan3A_263#5 : vector<16xf32> to vector<16xf32>
      tpu.vector_store %arg6[%swap3A_285], %swap3A_288 {strides = array<i32>} : memref<1024xf32, #tpu.memory_space<vmem>>, vector<16xf32>,
      %swap3A_289 = arith.constant 736 : index
      %swap3A_290 = tpu.vector_load %arg6[%swap3A_289] {strides = array<i32>} : memref<1024xf32, #tpu.memory_space<vmem>>, vector<16xf32>,
      %swap3A_291 = vector.shape_cast %swap3A_290 : vector<16xf32> to vector<16xf32>
      %swap3A_292 = vector.shape_cast %scan3A_263#6 : vector<16xf32> to vector<16xf32>
      tpu.vector_store %arg6[%swap3A_289], %swap3A_292 {strides = array<i32>} : memref<1024xf32, #tpu.memory_space<vmem>>, vector<16xf32>,
      %swap3A_293 = arith.constant 752 : index
      %swap3A_294 = tpu.vector_load %arg6[%swap3A_293] {strides = array<i32>} : memref<1024xf32, #tpu.memory_space<vmem>>, vector<16xf32>,
      %swap3A_295 = vector.shape_cast %swap3A_294 : vector<16xf32> to vector<16xf32>
      %swap3A_296 = vector.shape_cast %scan3A_263#7 : vector<16xf32> to vector<16xf32>
      tpu.vector_store %arg6[%swap3A_293], %swap3A_296 {strides = array<i32>} : memref<1024xf32, #tpu.memory_space<vmem>>, vector<16xf32>,
      %broadcast_in_dim3A_297 = arith.constant 0.000000e+00 : f32
      %broadcast_in_dim3A_298 = vector.broadcast %broadcast_in_dim3A_297 : f32 to vector<16xf32>
      %scan3A_299 = arith.constant 0 : i32
      %scan3A_300 = arith.constant 32 : i32
      %scan3A_301 = arith.addi %scan3A_299, %scan3A_300 : i32
      %scan3A_302 = arith.constant 2 : i32
      %scan3A_303:8 = scf.for %scan3A_748 = %scan3A_299 to %scan3A_301 step %scan3A_302 iter_args(%scan3A_749 = %broadcast_in_dim3A_298, %scan3A_750 = %broadcast_in_dim3A_298, %scan3A_751 = %broadcast_in_dim3A_298, %scan3A_752 = %broadcast_in_dim3A_298, %scan3A_753 = %broadcast_in_dim3A_298, %scan3A_754 = %broadcast_in_dim3A_298, %scan3A_755 = %broadcast_in_dim3A_298, %scan3A_756 = %broadcast_in_dim3A_298) -> (vector<16xf32>, vector<16xf32>, vector<16xf32>, vector<16xf32>, vector<16xf32>, vector<16xf32>, vector<16xf32>, vector<16xf32>)  : i32 {
        %mul3A_757 = arith.constant 128 : i32
        %mul3A_758 = arith.muli %scan3A_748, %mul3A_757 : i32
        %add3A_759 = arith.constant 24576 : i32
        %add3A_760 = arith.addi %add3A_759, %mul3A_758 : i32
        %add3A_761 = arith.constant 0 : i32
        %add3A_762 = arith.addi %add3A_760, %add3A_761 : i32
        %get3A = arith.index_cast %add3A_762 : i32 to index
        %get3A_763 = tpu.vector_load %arg4[%get3A] {strides = array<i32>} : memref<32768xf32, #tpu.memory_space<vmem>>, vector<16xf32>,
        %get3A_764 = vector.shape_cast %get3A_763 : vector<16xf32> to vector<16xf32>
        %add3A_765 = arith.addf %scan3A_749, %get3A_764 : vector<16xf32>
        %add3A_766 = arith.constant 16 : i32
        %add3A_767 = arith.addi %add3A_760, %add3A_766 : i32
        %get3A_768 = arith.index_cast %add3A_767 : i32 to index
        %get3A_769 = tpu.vector_load %arg4[%get3A_768] {strides = array<i32>} : memref<32768xf32, #tpu.memory_space<vmem>>, vector<16xf32>,
        %get3A_770 = vector.shape_cast %get3A_769 : vector<16xf32> to vector<16xf32>
        %add3A_771 = arith.addf %scan3A_750, %get3A_770 : vector<16xf32>
        %add3A_772 = arith.constant 32 : i32
        %add3A_773 = arith.addi %add3A_760, %add3A_772 : i32
        %get3A_774 = arith.index_cast %add3A_773 : i32 to index
        %get3A_775 = tpu.vector_load %arg4[%get3A_774] {strides = array<i32>} : memref<32768xf32, #tpu.memory_space<vmem>>, vector<16xf32>,
        %get3A_776 = vector.shape_cast %get3A_775 : vector<16xf32> to vector<16xf32>
        %add3A_777 = arith.addf %scan3A_751, %get3A_776 : vector<16xf32>
        %add3A_778 = arith.constant 48 : i32
        %add3A_779 = arith.addi %add3A_760, %add3A_778 : i32
        %get3A_780 = arith.index_cast %add3A_779 : i32 to index
        %get3A_781 = tpu.vector_load %arg4[%get3A_780] {strides = array<i32>} : memref<32768xf32, #tpu.memory_space<vmem>>, vector<16xf32>,
        %get3A_782 = vector.shape_cast %get3A_781 : vector<16xf32> to vector<16xf32>
        %add3A_783 = arith.addf %scan3A_752, %get3A_782 : vector<16xf32>
        %add3A_784 = arith.constant 64 : i32
        %add3A_785 = arith.addi %add3A_760, %add3A_784 : i32
        %get3A_786 = arith.index_cast %add3A_785 : i32 to index
        %get3A_787 = tpu.vector_load %arg4[%get3A_786] {strides = array<i32>} : memref<32768xf32, #tpu.memory_space<vmem>>, vector<16xf32>,
        %get3A_788 = vector.shape_cast %get3A_787 : vector<16xf32> to vector<16xf32>
        %add3A_789 = arith.addf %scan3A_753, %get3A_788 : vector<16xf32>
        %add3A_790 = arith.constant 80 : i32
        %add3A_791 = arith.addi %add3A_760, %add3A_790 : i32
        %get3A_792 = arith.index_cast %add3A_791 : i32 to index
        %get3A_793 = tpu.vector_load %arg4[%get3A_792] {strides = array<i32>} : memref<32768xf32, #tpu.memory_space<vmem>>, vector<16xf32>,
        %get3A_794 = vector.shape_cast %get3A_793 : vector<16xf32> to vector<16xf32>
        %add3A_795 = arith.addf %scan3A_754, %get3A_794 : vector<16xf32>
        %add3A_796 = arith.constant 96 : i32
        %add3A_797 = arith.addi %add3A_760, %add3A_796 : i32
        %get3A_798 = arith.index_cast %add3A_797 : i32 to index
        %get3A_799 = tpu.vector_load %arg4[%get3A_798] {strides = array<i32>} : memref<32768xf32, #tpu.memory_space<vmem>>, vector<16xf32>,
        %get3A_800 = vector.shape_cast %get3A_799 : vector<16xf32> to vector<16xf32>
        %add3A_801 = arith.addf %scan3A_755, %get3A_800 : vector<16xf32>
        %add3A_802 = arith.constant 112 : i32
        %add3A_803 = arith.addi %add3A_760, %add3A_802 : i32
        %get3A_804 = arith.index_cast %add3A_803 : i32 to index
        %get3A_805 = tpu.vector_load %arg4[%get3A_804] {strides = array<i32>} : memref<32768xf32, #tpu.memory_space<vmem>>, vector<16xf32>,
        %get3A_806 = vector.shape_cast %get3A_805 : vector<16xf32> to vector<16xf32>
        %add3A_807 = arith.addf %scan3A_756, %get3A_806 : vector<16xf32>
        %scan3A_808 = arith.constant 1 : i32
        %scan3A_809 = arith.addi %scan3A_748, %scan3A_808 : i32
        %mul3A_810 = arith.constant 128 : i32
        %mul3A_811 = arith.muli %scan3A_809, %mul3A_810 : i32
        %add3A_812 = arith.constant 24576 : i32
        %add3A_813 = arith.addi %add3A_812, %mul3A_811 : i32
        %add3A_814 = arith.constant 0 : i32
        %add3A_815 = arith.addi %add3A_813, %add3A_814 : i32
        %get3A_816 = arith.index_cast %add3A_815 : i32 to index
        %get3A_817 = tpu.vector_load %arg4[%get3A_816] {strides = array<i32>} : memref<32768xf32, #tpu.memory_space<vmem>>, vector<16xf32>,
        %get3A_818 = vector.shape_cast %get3A_817 : vector<16xf32> to vector<16xf32>
        %add3A_819 = arith.addf %add3A_765, %get3A_818 : vector<16xf32>
        %add3A_820 = arith.constant 16 : i32
        %add3A_821 = arith.addi %add3A_813, %add3A_820 : i32
        %get3A_822 = arith.index_cast %add3A_821 : i32 to index
        %get3A_823 = tpu.vector_load %arg4[%get3A_822] {strides = array<i32>} : memref<32768xf32, #tpu.memory_space<vmem>>, vector<16xf32>,
        %get3A_824 = vector.shape_cast %get3A_823 : vector<16xf32> to vector<16xf32>
        %add3A_825 = arith.addf %add3A_771, %get3A_824 : vector<16xf32>
        %add3A_826 = arith.constant 32 : i32
        %add3A_827 = arith.addi %add3A_813, %add3A_826 : i32
        %get3A_828 = arith.index_cast %add3A_827 : i32 to index
        %get3A_829 = tpu.vector_load %arg4[%get3A_828] {strides = array<i32>} : memref<32768xf32, #tpu.memory_space<vmem>>, vector<16xf32>,
        %get3A_830 = vector.shape_cast %get3A_829 : vector<16xf32> to vector<16xf32>
        %add3A_831 = arith.addf %add3A_777, %get3A_830 : vector<16xf32>
        %add3A_832 = arith.constant 48 : i32
        %add3A_833 = arith.addi %add3A_813, %add3A_832 : i32
        %get3A_834 = arith.index_cast %add3A_833 : i32 to index
        %get3A_835 = tpu.vector_load %arg4[%get3A_834] {strides = array<i32>} : memref<32768xf32, #tpu.memory_space<vmem>>, vector<16xf32>,
        %get3A_836 = vector.shape_cast %get3A_835 : vector<16xf32> to vector<16xf32>
        %add3A_837 = arith.addf %add3A_783, %get3A_836 : vector<16xf32>
        %add3A_838 = arith.constant 64 : i32
        %add3A_839 = arith.addi %add3A_813, %add3A_838 : i32
        %get3A_840 = arith.index_cast %add3A_839 : i32 to index
        %get3A_841 = tpu.vector_load %arg4[%get3A_840] {strides = array<i32>} : memref<32768xf32, #tpu.memory_space<vmem>>, vector<16xf32>,
        %get3A_842 = vector.shape_cast %get3A_841 : vector<16xf32> to vector<16xf32>
        %add3A_843 = arith.addf %add3A_789, %get3A_842 : vector<16xf32>
        %add3A_844 = arith.constant 80 : i32
        %add3A_845 = arith.addi %add3A_813, %add3A_844 : i32
        %get3A_846 = arith.index_cast %add3A_845 : i32 to index
        %get3A_847 = tpu.vector_load %arg4[%get3A_846] {strides = array<i32>} : memref<32768xf32, #tpu.memory_space<vmem>>, vector<16xf32>,
        %get3A_848 = vector.shape_cast %get3A_847 : vector<16xf32> to vector<16xf32>
        %add3A_849 = arith.addf %add3A_795, %get3A_848 : vector<16xf32>
        %add3A_850 = arith.constant 96 : i32
        %add3A_851 = arith.addi %add3A_813, %add3A_850 : i32
        %get3A_852 = arith.index_cast %add3A_851 : i32 to index
        %get3A_853 = tpu.vector_load %arg4[%get3A_852] {strides = array<i32>} : memref<32768xf32, #tpu.memory_space<vmem>>, vector<16xf32>,
        %get3A_854 = vector.shape_cast %get3A_853 : vector<16xf32> to vector<16xf32>
        %add3A_855 = arith.addf %add3A_801, %get3A_854 : vector<16xf32>
        %add3A_856 = arith.constant 112 : i32
        %add3A_857 = arith.addi %add3A_813, %add3A_856 : i32
        %get3A_858 = arith.index_cast %add3A_857 : i32 to index
        %get3A_859 = tpu.vector_load %arg4[%get3A_858] {strides = array<i32>} : memref<32768xf32, #tpu.memory_space<vmem>>, vector<16xf32>,
        %get3A_860 = vector.shape_cast %get3A_859 : vector<16xf32> to vector<16xf32>
        %add3A_861 = arith.addf %add3A_807, %get3A_860 : vector<16xf32>
        scf.yield %add3A_819, %add3A_825, %add3A_831, %add3A_837, %add3A_843, %add3A_849, %add3A_855, %add3A_861 : vector<16xf32>, vector<16xf32>, vector<16xf32>, vector<16xf32>, vector<16xf32>, vector<16xf32>, vector<16xf32>, vector<16xf32>
      }
      %scan3A_304 = arith.constant 32 : i32
      %swap3A_305 = arith.constant 768 : index
      %swap3A_306 = tpu.vector_load %arg6[%swap3A_305] {strides = array<i32>} : memref<1024xf32, #tpu.memory_space<vmem>>, vector<16xf32>,
      %swap3A_307 = vector.shape_cast %swap3A_306 : vector<16xf32> to vector<16xf32>
      %swap3A_308 = vector.shape_cast %scan3A_303#0 : vector<16xf32> to vector<16xf32>
      tpu.vector_store %arg6[%swap3A_305], %swap3A_308 {strides = array<i32>} : memref<1024xf32, #tpu.memory_space<vmem>>, vector<16xf32>,
      %swap3A_309 = arith.constant 784 : index
      %swap3A_310 = tpu.vector_load %arg6[%swap3A_309] {strides = array<i32>} : memref<1024xf32, #tpu.memory_space<vmem>>, vector<16xf32>,
      %swap3A_311 = vector.shape_cast %swap3A_310 : vector<16xf32> to vector<16xf32>
      %swap3A_312 = vector.shape_cast %scan3A_303#1 : vector<16xf32> to vector<16xf32>
      tpu.vector_store %arg6[%swap3A_309], %swap3A_312 {strides = array<i32>} : memref<1024xf32, #tpu.memory_space<vmem>>, vector<16xf32>,
      %swap3A_313 = arith.constant 800 : index
      %swap3A_314 = tpu.vector_load %arg6[%swap3A_313] {strides = array<i32>} : memref<1024xf32, #tpu.memory_space<vmem>>, vector<16xf32>,
      %swap3A_315 = vector.shape_cast %swap3A_314 : vector<16xf32> to vector<16xf32>
      %swap3A_316 = vector.shape_cast %scan3A_303#2 : vector<16xf32> to vector<16xf32>
      tpu.vector_store %arg6[%swap3A_313], %swap3A_316 {strides = array<i32>} : memref<1024xf32, #tpu.memory_space<vmem>>, vector<16xf32>,
      %swap3A_317 = arith.constant 816 : index
      %swap3A_318 = tpu.vector_load %arg6[%swap3A_317] {strides = array<i32>} : memref<1024xf32, #tpu.memory_space<vmem>>, vector<16xf32>,
      %swap3A_319 = vector.shape_cast %swap3A_318 : vector<16xf32> to vector<16xf32>
      %swap3A_320 = vector.shape_cast %scan3A_303#3 : vector<16xf32> to vector<16xf32>
      tpu.vector_store %arg6[%swap3A_317], %swap3A_320 {strides = array<i32>} : memref<1024xf32, #tpu.memory_space<vmem>>, vector<16xf32>,
      %swap3A_321 = arith.constant 832 : index
      %swap3A_322 = tpu.vector_load %arg6[%swap3A_321] {strides = array<i32>} : memref<1024xf32, #tpu.memory_space<vmem>>, vector<16xf32>,
      %swap3A_323 = vector.shape_cast %swap3A_322 : vector<16xf32> to vector<16xf32>
      %swap3A_324 = vector.shape_cast %scan3A_303#4 : vector<16xf32> to vector<16xf32>
      tpu.vector_store %arg6[%swap3A_321], %swap3A_324 {strides = array<i32>} : memref<1024xf32, #tpu.memory_space<vmem>>, vector<16xf32>,
      %swap3A_325 = arith.constant 848 : index
      %swap3A_326 = tpu.vector_load %arg6[%swap3A_325] {strides = array<i32>} : memref<1024xf32, #tpu.memory_space<vmem>>, vector<16xf32>,
      %swap3A_327 = vector.shape_cast %swap3A_326 : vector<16xf32> to vector<16xf32>
      %swap3A_328 = vector.shape_cast %scan3A_303#5 : vector<16xf32> to vector<16xf32>
      tpu.vector_store %arg6[%swap3A_325], %swap3A_328 {strides = array<i32>} : memref<1024xf32, #tpu.memory_space<vmem>>, vector<16xf32>,
      %swap3A_329 = arith.constant 864 : index
      %swap3A_330 = tpu.vector_load %arg6[%swap3A_329] {strides = array<i32>} : memref<1024xf32, #tpu.memory_space<vmem>>, vector<16xf32>,
      %swap3A_331 = vector.shape_cast %swap3A_330 : vector<16xf32> to vector<16xf32>
      %swap3A_332 = vector.shape_cast %scan3A_303#6 : vector<16xf32> to vector<16xf32>
      tpu.vector_store %arg6[%swap3A_329], %swap3A_332 {strides = array<i32>} : memref<1024xf32, #tpu.memory_space<vmem>>, vector<16xf32>,
      %swap3A_333 = arith.constant 880 : index
      %swap3A_334 = tpu.vector_load %arg6[%swap3A_333] {strides = array<i32>} : memref<1024xf32, #tpu.memory_space<vmem>>, vector<16xf32>,
      %swap3A_335 = vector.shape_cast %swap3A_334 : vector<16xf32> to vector<16xf32>
      %swap3A_336 = vector.shape_cast %scan3A_303#7 : vector<16xf32> to vector<16xf32>
      tpu.vector_store %arg6[%swap3A_333], %swap3A_336 {strides = array<i32>} : memref<1024xf32, #tpu.memory_space<vmem>>, vector<16xf32>,
      %broadcast_in_dim3A_337 = arith.constant 0.000000e+00 : f32
      %broadcast_in_dim3A_338 = vector.broadcast %broadcast_in_dim3A_337 : f32 to vector<16xf32>
      %scan3A_339 = arith.constant 0 : i32
      %scan3A_340 = arith.constant 32 : i32
      %scan3A_341 = arith.addi %scan3A_339, %scan3A_340 : i32
      %scan3A_342 = arith.constant 2 : i32
      %scan3A_343:8 = scf.for %scan3A_748 = %scan3A_339 to %scan3A_341 step %scan3A_342 iter_args(%scan3A_749 = %broadcast_in_dim3A_338, %scan3A_750 = %broadcast_in_dim3A_338, %scan3A_751 = %broadcast_in_dim3A_338, %scan3A_752 = %broadcast_in_dim3A_338, %scan3A_753 = %broadcast_in_dim3A_338, %scan3A_754 = %broadcast_in_dim3A_338, %scan3A_755 = %broadcast_in_dim3A_338, %scan3A_756 = %broadcast_in_dim3A_338) -> (vector<16xf32>, vector<16xf32>, vector<16xf32>, vector<16xf32>, vector<16xf32>, vector<16xf32>, vector<16xf32>, vector<16xf32>)  : i32 {
        %mul3A_757 = arith.constant 128 : i32
        %mul3A_758 = arith.muli %scan3A_748, %mul3A_757 : i32
        %add3A_759 = arith.constant 28672 : i32
        %add3A_760 = arith.addi %add3A_759, %mul3A_758 : i32
        %add3A_761 = arith.constant 0 : i32
        %add3A_762 = arith.addi %add3A_760, %add3A_761 : i32
        %get3A = arith.index_cast %add3A_762 : i32 to index
        %get3A_763 = tpu.vector_load %arg4[%get3A] {strides = array<i32>} : memref<32768xf32, #tpu.memory_space<vmem>>, vector<16xf32>,
        %get3A_764 = vector.shape_cast %get3A_763 : vector<16xf32> to vector<16xf32>
        %add3A_765 = arith.addf %scan3A_749, %get3A_764 : vector<16xf32>
        %add3A_766 = arith.constant 16 : i32
        %add3A_767 = arith.addi %add3A_760, %add3A_766 : i32
        %get3A_768 = arith.index_cast %add3A_767 : i32 to index
        %get3A_769 = tpu.vector_load %arg4[%get3A_768] {strides = array<i32>} : memref<32768xf32, #tpu.memory_space<vmem>>, vector<16xf32>,
        %get3A_770 = vector.shape_cast %get3A_769 : vector<16xf32> to vector<16xf32>
        %add3A_771 = arith.addf %scan3A_750, %get3A_770 : vector<16xf32>
        %add3A_772 = arith.constant 32 : i32
        %add3A_773 = arith.addi %add3A_760, %add3A_772 : i32
        %get3A_774 = arith.index_cast %add3A_773 : i32 to index
        %get3A_775 = tpu.vector_load %arg4[%get3A_774] {strides = array<i32>} : memref<32768xf32, #tpu.memory_space<vmem>>, vector<16xf32>,
        %get3A_776 = vector.shape_cast %get3A_775 : vector<16xf32> to vector<16xf32>
        %add3A_777 = arith.addf %scan3A_751, %get3A_776 : vector<16xf32>
        %add3A_778 = arith.constant 48 : i32
        %add3A_779 = arith.addi %add3A_760, %add3A_778 : i32
        %get3A_780 = arith.index_cast %add3A_779 : i32 to index
        %get3A_781 = tpu.vector_load %arg4[%get3A_780] {strides = array<i32>} : memref<32768xf32, #tpu.memory_space<vmem>>, vector<16xf32>,
        %get3A_782 = vector.shape_cast %get3A_781 : vector<16xf32> to vector<16xf32>
        %add3A_783 = arith.addf %scan3A_752, %get3A_782 : vector<16xf32>
        %add3A_784 = arith.constant 64 : i32
        %add3A_785 = arith.addi %add3A_760, %add3A_784 : i32
        %get3A_786 = arith.index_cast %add3A_785 : i32 to index
        %get3A_787 = tpu.vector_load %arg4[%get3A_786] {strides = array<i32>} : memref<32768xf32, #tpu.memory_space<vmem>>, vector<16xf32>,
        %get3A_788 = vector.shape_cast %get3A_787 : vector<16xf32> to vector<16xf32>
        %add3A_789 = arith.addf %scan3A_753, %get3A_788 : vector<16xf32>
        %add3A_790 = arith.constant 80 : i32
        %add3A_791 = arith.addi %add3A_760, %add3A_790 : i32
        %get3A_792 = arith.index_cast %add3A_791 : i32 to index
        %get3A_793 = tpu.vector_load %arg4[%get3A_792] {strides = array<i32>} : memref<32768xf32, #tpu.memory_space<vmem>>, vector<16xf32>,
        %get3A_794 = vector.shape_cast %get3A_793 : vector<16xf32> to vector<16xf32>
        %add3A_795 = arith.addf %scan3A_754, %get3A_794 : vector<16xf32>
        %add3A_796 = arith.constant 96 : i32
        %add3A_797 = arith.addi %add3A_760, %add3A_796 : i32
        %get3A_798 = arith.index_cast %add3A_797 : i32 to index
        %get3A_799 = tpu.vector_load %arg4[%get3A_798] {strides = array<i32>} : memref<32768xf32, #tpu.memory_space<vmem>>, vector<16xf32>,
        %get3A_800 = vector.shape_cast %get3A_799 : vector<16xf32> to vector<16xf32>
        %add3A_801 = arith.addf %scan3A_755, %get3A_800 : vector<16xf32>
        %add3A_802 = arith.constant 112 : i32
        %add3A_803 = arith.addi %add3A_760, %add3A_802 : i32
        %get3A_804 = arith.index_cast %add3A_803 : i32 to index
        %get3A_805 = tpu.vector_load %arg4[%get3A_804] {strides = array<i32>} : memref<32768xf32, #tpu.memory_space<vmem>>, vector<16xf32>,
        %get3A_806 = vector.shape_cast %get3A_805 : vector<16xf32> to vector<16xf32>
        %add3A_807 = arith.addf %scan3A_756, %get3A_806 : vector<16xf32>
        %scan3A_808 = arith.constant 1 : i32
        %scan3A_809 = arith.addi %scan3A_748, %scan3A_808 : i32
        %mul3A_810 = arith.constant 128 : i32
        %mul3A_811 = arith.muli %scan3A_809, %mul3A_810 : i32
        %add3A_812 = arith.constant 28672 : i32
        %add3A_813 = arith.addi %add3A_812, %mul3A_811 : i32
        %add3A_814 = arith.constant 0 : i32
        %add3A_815 = arith.addi %add3A_813, %add3A_814 : i32
        %get3A_816 = arith.index_cast %add3A_815 : i32 to index
        %get3A_817 = tpu.vector_load %arg4[%get3A_816] {strides = array<i32>} : memref<32768xf32, #tpu.memory_space<vmem>>, vector<16xf32>,
        %get3A_818 = vector.shape_cast %get3A_817 : vector<16xf32> to vector<16xf32>
        %add3A_819 = arith.addf %add3A_765, %get3A_818 : vector<16xf32>
        %add3A_820 = arith.constant 16 : i32
        %add3A_821 = arith.addi %add3A_813, %add3A_820 : i32
        %get3A_822 = arith.index_cast %add3A_821 : i32 to index
        %get3A_823 = tpu.vector_load %arg4[%get3A_822] {strides = array<i32>} : memref<32768xf32, #tpu.memory_space<vmem>>, vector<16xf32>,
        %get3A_824 = vector.shape_cast %get3A_823 : vector<16xf32> to vector<16xf32>
        %add3A_825 = arith.addf %add3A_771, %get3A_824 : vector<16xf32>
        %add3A_826 = arith.constant 32 : i32
        %add3A_827 = arith.addi %add3A_813, %add3A_826 : i32
        %get3A_828 = arith.index_cast %add3A_827 : i32 to index
        %get3A_829 = tpu.vector_load %arg4[%get3A_828] {strides = array<i32>} : memref<32768xf32, #tpu.memory_space<vmem>>, vector<16xf32>,
        %get3A_830 = vector.shape_cast %get3A_829 : vector<16xf32> to vector<16xf32>
        %add3A_831 = arith.addf %add3A_777, %get3A_830 : vector<16xf32>
        %add3A_832 = arith.constant 48 : i32
        %add3A_833 = arith.addi %add3A_813, %add3A_832 : i32
        %get3A_834 = arith.index_cast %add3A_833 : i32 to index
        %get3A_835 = tpu.vector_load %arg4[%get3A_834] {strides = array<i32>} : memref<32768xf32, #tpu.memory_space<vmem>>, vector<16xf32>,
        %get3A_836 = vector.shape_cast %get3A_835 : vector<16xf32> to vector<16xf32>
        %add3A_837 = arith.addf %add3A_783, %get3A_836 : vector<16xf32>
        %add3A_838 = arith.constant 64 : i32
        %add3A_839 = arith.addi %add3A_813, %add3A_838 : i32
        %get3A_840 = arith.index_cast %add3A_839 : i32 to index
        %get3A_841 = tpu.vector_load %arg4[%get3A_840] {strides = array<i32>} : memref<32768xf32, #tpu.memory_space<vmem>>, vector<16xf32>,
        %get3A_842 = vector.shape_cast %get3A_841 : vector<16xf32> to vector<16xf32>
        %add3A_843 = arith.addf %add3A_789, %get3A_842 : vector<16xf32>
        %add3A_844 = arith.constant 80 : i32
        %add3A_845 = arith.addi %add3A_813, %add3A_844 : i32
        %get3A_846 = arith.index_cast %add3A_845 : i32 to index
        %get3A_847 = tpu.vector_load %arg4[%get3A_846] {strides = array<i32>} : memref<32768xf32, #tpu.memory_space<vmem>>, vector<16xf32>,
        %get3A_848 = vector.shape_cast %get3A_847 : vector<16xf32> to vector<16xf32>
        %add3A_849 = arith.addf %add3A_795, %get3A_848 : vector<16xf32>
        %add3A_850 = arith.constant 96 : i32
        %add3A_851 = arith.addi %add3A_813, %add3A_850 : i32
        %get3A_852 = arith.index_cast %add3A_851 : i32 to index
        %get3A_853 = tpu.vector_load %arg4[%get3A_852] {strides = array<i32>} : memref<32768xf32, #tpu.memory_space<vmem>>, vector<16xf32>,
        %get3A_854 = vector.shape_cast %get3A_853 : vector<16xf32> to vector<16xf32>
        %add3A_855 = arith.addf %add3A_801, %get3A_854 : vector<16xf32>
        %add3A_856 = arith.constant 112 : i32
        %add3A_857 = arith.addi %add3A_813, %add3A_856 : i32
        %get3A_858 = arith.index_cast %add3A_857 : i32 to index
        %get3A_859 = tpu.vector_load %arg4[%get3A_858] {strides = array<i32>} : memref<32768xf32, #tpu.memory_space<vmem>>, vector<16xf32>,
        %get3A_860 = vector.shape_cast %get3A_859 : vector<16xf32> to vector<16xf32>
        %add3A_861 = arith.addf %add3A_807, %get3A_860 : vector<16xf32>
        scf.yield %add3A_819, %add3A_825, %add3A_831, %add3A_837, %add3A_843, %add3A_849, %add3A_855, %add3A_861 : vector<16xf32>, vector<16xf32>, vector<16xf32>, vector<16xf32>, vector<16xf32>, vector<16xf32>, vector<16xf32>, vector<16xf32>
      }
      %scan3A_344 = arith.constant 32 : i32
      %swap3A_345 = arith.constant 896 : index
      %swap3A_346 = tpu.vector_load %arg6[%swap3A_345] {strides = array<i32>} : memref<1024xf32, #tpu.memory_space<vmem>>, vector<16xf32>,
      %swap3A_347 = vector.shape_cast %swap3A_346 : vector<16xf32> to vector<16xf32>
      %swap3A_348 = vector.shape_cast %scan3A_343#0 : vector<16xf32> to vector<16xf32>
      tpu.vector_store %arg6[%swap3A_345], %swap3A_348 {strides = array<i32>} : memref<1024xf32, #tpu.memory_space<vmem>>, vector<16xf32>,
      %swap3A_349 = arith.constant 912 : index
      %swap3A_350 = tpu.vector_load %arg6[%swap3A_349] {strides = array<i32>} : memref<1024xf32, #tpu.memory_space<vmem>>, vector<16xf32>,
      %swap3A_351 = vector.shape_cast %swap3A_350 : vector<16xf32> to vector<16xf32>
      %swap3A_352 = vector.shape_cast %scan3A_343#1 : vector<16xf32> to vector<16xf32>
      tpu.vector_store %arg6[%swap3A_349], %swap3A_352 {strides = array<i32>} : memref<1024xf32, #tpu.memory_space<vmem>>, vector<16xf32>,
      %swap3A_353 = arith.constant 928 : index
      %swap3A_354 = tpu.vector_load %arg6[%swap3A_353] {strides = array<i32>} : memref<1024xf32, #tpu.memory_space<vmem>>, vector<16xf32>,
      %swap3A_355 = vector.shape_cast %swap3A_354 : vector<16xf32> to vector<16xf32>
      %swap3A_356 = vector.shape_cast %scan3A_343#2 : vector<16xf32> to vector<16xf32>
      tpu.vector_store %arg6[%swap3A_353], %swap3A_356 {strides = array<i32>} : memref<1024xf32, #tpu.memory_space<vmem>>, vector<16xf32>,
      %swap3A_357 = arith.constant 944 : index
      %swap3A_358 = tpu.vector_load %arg6[%swap3A_357] {strides = array<i32>} : memref<1024xf32, #tpu.memory_space<vmem>>, vector<16xf32>,
      %swap3A_359 = vector.shape_cast %swap3A_358 : vector<16xf32> to vector<16xf32>
      %swap3A_360 = vector.shape_cast %scan3A_343#3 : vector<16xf32> to vector<16xf32>
      tpu.vector_store %arg6[%swap3A_357], %swap3A_360 {strides = array<i32>} : memref<1024xf32, #tpu.memory_space<vmem>>, vector<16xf32>,
      %swap3A_361 = arith.constant 960 : index
      %swap3A_362 = tpu.vector_load %arg6[%swap3A_361] {strides = array<i32>} : memref<1024xf32, #tpu.memory_space<vmem>>, vector<16xf32>,
      %swap3A_363 = vector.shape_cast %swap3A_362 : vector<16xf32> to vector<16xf32>
      %swap3A_364 = vector.shape_cast %scan3A_343#4 : vector<16xf32> to vector<16xf32>
      tpu.vector_store %arg6[%swap3A_361], %swap3A_364 {strides = array<i32>} : memref<1024xf32, #tpu.memory_space<vmem>>, vector<16xf32>,
      %swap3A_365 = arith.constant 976 : index
      %swap3A_366 = tpu.vector_load %arg6[%swap3A_365] {strides = array<i32>} : memref<1024xf32, #tpu.memory_space<vmem>>, vector<16xf32>,
      %swap3A_367 = vector.shape_cast %swap3A_366 : vector<16xf32> to vector<16xf32>
      %swap3A_368 = vector.shape_cast %scan3A_343#5 : vector<16xf32> to vector<16xf32>
      tpu.vector_store %arg6[%swap3A_365], %swap3A_368 {strides = array<i32>} : memref<1024xf32, #tpu.memory_space<vmem>>, vector<16xf32>,
      %swap3A_369 = arith.constant 992 : index
      %swap3A_370 = tpu.vector_load %arg6[%swap3A_369] {strides = array<i32>} : memref<1024xf32, #tpu.memory_space<vmem>>, vector<16xf32>,
      %swap3A_371 = vector.shape_cast %swap3A_370 : vector<16xf32> to vector<16xf32>
      %swap3A_372 = vector.shape_cast %scan3A_343#6 : vector<16xf32> to vector<16xf32>
      tpu.vector_store %arg6[%swap3A_369], %swap3A_372 {strides = array<i32>} : memref<1024xf32, #tpu.memory_space<vmem>>, vector<16xf32>,
      %swap3A_373 = arith.constant 1008 : index
      %swap3A_374 = tpu.vector_load %arg6[%swap3A_373] {strides = array<i32>} : memref<1024xf32, #tpu.memory_space<vmem>>, vector<16xf32>,
      %swap3A_375 = vector.shape_cast %swap3A_374 : vector<16xf32> to vector<16xf32>
      %swap3A_376 = vector.shape_cast %scan3A_343#7 : vector<16xf32> to vector<16xf32>
      tpu.vector_store %arg6[%swap3A_373], %swap3A_376 {strides = array<i32>} : memref<1024xf32, #tpu.memory_space<vmem>>, vector<16xf32>,
      %mul3A_377 = arith.constant 8 : i32
      %mul3A_378 = arith.muli %add3A_45, %mul3A_377 : i32
      %add3A_379 = arith.addi %mul3A_2, %mul3A_378 : i32
      %min3A_380 = arith.constant 9992 : i32
      %min3A_381 = arith.minsi %add3A_379, %min3A_380 : i32
      %mul3A_382 = arith.constant 128 : i32
      %mul3A_383 = arith.muli %min3A_381, %mul3A_382 : i32
      %dma_start3A_384 = tpu.memref_slice %arg3[%mul3A_383] : memref<1280000xf32, #tpu.memory_space<hbm>> -> memref<1024xf32, #tpu.memory_space<hbm>>
      %dma_start3A_385 = tpu.memref_slice %arg3[%mul3A_383] : memref<1280000xf32, #tpu.memory_space<hbm>> -> memref<1024xf32, #tpu.memory_space<hbm>>
      tpu.enqueue_dma source(%arg6 : memref<1024xf32, #tpu.memory_space<vmem>>) target(%dma_start3A_385 : memref<1024xf32, #tpu.memory_space<hbm>>) target_semaphore(%arg10 : memref<!tpu.dma_semaphore, #tpu.memory_space<semaphore_mem>>)
      %add3A_386 = arith.constant 2 : i32
      %add3A_387 = arith.addi %add3A_45, %add3A_386 : i32
      %lt3A = arith.constant 40 : i32
      %lt3A_388 = arith.cmpi slt, %add3A_387, %lt3A : i32
      %convert_element_type3A_389 = arith.extui %lt3A_388 : i1 to i32
      %cond3A_390 = arith.constant 0 : i32
      %cond3A_391 = arith.cmpi ne, %convert_element_type3A_389, %cond3A_390 : i32
      scf.if %cond3A_391 {
        %add3A_748 = arith.constant 2 : i32
        %add3A_749 = arith.addi %add3A_45, %add3A_748 : i32
        %mul3A_750 = arith.constant 8 : i32
        %mul3A_751 = arith.muli %add3A_749, %mul3A_750 : i32
        %add3A_752 = arith.addi %mul3A_2, %mul3A_751 : i32
        %min3A_753 = arith.constant 9992 : i32
        %min3A_754 = arith.minsi %add3A_752, %min3A_753 : i32
        %mul3A_755 = arith.constant 32 : i32
        %mul3A_756 = arith.muli %min3A_754, %mul3A_755 : i32
        %mul3A_757 = arith.constant 128 : i32
        %mul3A_758 = arith.muli %mul3A_756, %mul3A_757 : i32
        %dma_start3A_759 = tpu.memref_slice %arg2[%mul3A_758] : memref<40960000xf32, #tpu.memory_space<hbm>> -> memref<32768xf32, #tpu.memory_space<hbm>>
        %dma_start3A_760 = tpu.memref_slice %arg2[%mul3A_758] : memref<40960000xf32, #tpu.memory_space<hbm>> -> memref<32768xf32, #tpu.memory_space<hbm>>
        tpu.enqueue_dma source(%dma_start3A_760 : memref<32768xf32, #tpu.memory_space<hbm>>) target(%arg4 : memref<32768xf32, #tpu.memory_space<vmem>>) target_semaphore(%arg8 : memref<!tpu.dma_semaphore, #tpu.memory_space<semaphore_mem>>)
      } else {
      }
      %mul3A_392 = arith.constant 2 : i32
      %mul3A_393 = arith.muli %mul3A_392, %scan3A_41 : i32
      %add3A_394 = arith.constant 1 : i32
      %add3A_395 = arith.addi %mul3A_393, %add3A_394 : i32
      %mul3A_396 = arith.constant 8 : i32
      %mul3A_397 = arith.muli %add3A_395, %mul3A_396 : i32
      %add3A_398 = arith.addi %mul3A_2, %mul3A_397 : i32
      %min3A_399 = arith.constant 9992 : i32
      %min3A_400 = arith.minsi %add3A_398, %min3A_399 : i32
      %mul3A_401 = arith.constant 32 : i32
      %mul3A_402 = arith.muli %min3A_400, %mul3A_401 : i32
      %mul3A_403 = arith.constant 128 : i32
      %mul3A_404 = arith.muli %mul3A_402, %mul3A_403 : i32
      %dma_wait3A_405 = tpu.memref_slice %arg2[%mul3A_404] : memref<40960000xf32, #tpu.memory_space<hbm>> -> memref<32768xf32, #tpu.memory_space<hbm>>
      %dma_wait3A_406 = tpu.memref_slice %arg2[%mul3A_404] : memref<40960000xf32, #tpu.memory_space<hbm>> -> memref<32768xf32, #tpu.memory_space<hbm>>
      tpu.wait_dma2 semaphore(%arg9 : memref<!tpu.dma_semaphore, #tpu.memory_space<semaphore_mem>>) src(%dma_wait3A_406 : memref<32768xf32, #tpu.memory_space<hbm>>) dst(%arg5 : memref<32768xf32, #tpu.memory_space<vmem>>)
      %gt3A_407 = arith.constant 0 : i32
      %gt3A_408 = arith.cmpi sgt, %scan3A_41, %gt3A_407 : i32
      %convert_element_type3A_409 = arith.extui %gt3A_408 : i1 to i32
      %cond3A_410 = arith.constant 0 : i32
      %cond3A_411 = arith.cmpi ne, %convert_element_type3A_409, %cond3A_410 : i32
      scf.if %cond3A_411 {
        %sub3A = arith.constant 2 : i32
        %sub3A_748 = arith.subi %add3A_395, %sub3A : i32
        %mul3A_749 = arith.constant 8 : i32
        %mul3A_750 = arith.muli %sub3A_748, %mul3A_749 : i32
        %add3A_751 = arith.addi %mul3A_2, %mul3A_750 : i32
        %min3A_752 = arith.constant 9992 : i32
        %min3A_753 = arith.minsi %add3A_751, %min3A_752 : i32
        %mul3A_754 = arith.constant 128 : i32
        %mul3A_755 = arith.muli %min3A_753, %mul3A_754 : i32
        %dma_wait3A_756 = tpu.memref_slice %arg3[%mul3A_755] : memref<1280000xf32, #tpu.memory_space<hbm>> -> memref<1024xf32, #tpu.memory_space<hbm>>
        %dma_wait3A_757 = tpu.memref_slice %arg3[%mul3A_755] : memref<1280000xf32, #tpu.memory_space<hbm>> -> memref<1024xf32, #tpu.memory_space<hbm>>
        tpu.wait_dma2 semaphore(%arg11 : memref<!tpu.dma_semaphore, #tpu.memory_space<semaphore_mem>>) src(%arg7 : memref<1024xf32, #tpu.memory_space<vmem>>) dst(%dma_wait3A_757 : memref<1024xf32, #tpu.memory_space<hbm>>)
      } else {
      }
      %broadcast_in_dim3A_412 = arith.constant 0.000000e+00 : f32
      %broadcast_in_dim3A_413 = vector.broadcast %broadcast_in_dim3A_412 : f32 to vector<16xf32>
      %scan3A_414 = arith.constant 0 : i32
      %scan3A_415 = arith.constant 32 : i32
      %scan3A_416 = arith.addi %scan3A_414, %scan3A_415 : i32
      %scan3A_417 = arith.constant 2 : i32
      %scan3A_418:8 = scf.for %scan3A_748 = %scan3A_414 to %scan3A_416 step %scan3A_417 iter_args(%scan3A_749 = %broadcast_in_dim3A_413, %scan3A_750 = %broadcast_in_dim3A_413, %scan3A_751 = %broadcast_in_dim3A_413, %scan3A_752 = %broadcast_in_dim3A_413, %scan3A_753 = %broadcast_in_dim3A_413, %scan3A_754 = %broadcast_in_dim3A_413, %scan3A_755 = %broadcast_in_dim3A_413, %scan3A_756 = %broadcast_in_dim3A_413) -> (vector<16xf32>, vector<16xf32>, vector<16xf32>, vector<16xf32>, vector<16xf32>, vector<16xf32>, vector<16xf32>, vector<16xf32>)  : i32 {
        %mul3A_757 = arith.constant 128 : i32
        %mul3A_758 = arith.muli %scan3A_748, %mul3A_757 : i32
        %add3A_759 = arith.constant 0 : i32
        %add3A_760 = arith.addi %add3A_759, %mul3A_758 : i32
        %add3A_761 = arith.constant 0 : i32
        %add3A_762 = arith.addi %add3A_760, %add3A_761 : i32
        %get3A = arith.index_cast %add3A_762 : i32 to index
        %get3A_763 = tpu.vector_load %arg5[%get3A] {strides = array<i32>} : memref<32768xf32, #tpu.memory_space<vmem>>, vector<16xf32>,
        %get3A_764 = vector.shape_cast %get3A_763 : vector<16xf32> to vector<16xf32>
        %add3A_765 = arith.addf %scan3A_749, %get3A_764 : vector<16xf32>
        %add3A_766 = arith.constant 16 : i32
        %add3A_767 = arith.addi %add3A_760, %add3A_766 : i32
        %get3A_768 = arith.index_cast %add3A_767 : i32 to index
        %get3A_769 = tpu.vector_load %arg5[%get3A_768] {strides = array<i32>} : memref<32768xf32, #tpu.memory_space<vmem>>, vector<16xf32>,
        %get3A_770 = vector.shape_cast %get3A_769 : vector<16xf32> to vector<16xf32>
        %add3A_771 = arith.addf %scan3A_750, %get3A_770 : vector<16xf32>
        %add3A_772 = arith.constant 32 : i32
        %add3A_773 = arith.addi %add3A_760, %add3A_772 : i32
        %get3A_774 = arith.index_cast %add3A_773 : i32 to index
        %get3A_775 = tpu.vector_load %arg5[%get3A_774] {strides = array<i32>} : memref<32768xf32, #tpu.memory_space<vmem>>, vector<16xf32>,
        %get3A_776 = vector.shape_cast %get3A_775 : vector<16xf32> to vector<16xf32>
        %add3A_777 = arith.addf %scan3A_751, %get3A_776 : vector<16xf32>
        %add3A_778 = arith.constant 48 : i32
        %add3A_779 = arith.addi %add3A_760, %add3A_778 : i32
        %get3A_780 = arith.index_cast %add3A_779 : i32 to index
        %get3A_781 = tpu.vector_load %arg5[%get3A_780] {strides = array<i32>} : memref<32768xf32, #tpu.memory_space<vmem>>, vector<16xf32>,
        %get3A_782 = vector.shape_cast %get3A_781 : vector<16xf32> to vector<16xf32>
        %add3A_783 = arith.addf %scan3A_752, %get3A_782 : vector<16xf32>
        %add3A_784 = arith.constant 64 : i32
        %add3A_785 = arith.addi %add3A_760, %add3A_784 : i32
        %get3A_786 = arith.index_cast %add3A_785 : i32 to index
        %get3A_787 = tpu.vector_load %arg5[%get3A_786] {strides = array<i32>} : memref<32768xf32, #tpu.memory_space<vmem>>, vector<16xf32>,
        %get3A_788 = vector.shape_cast %get3A_787 : vector<16xf32> to vector<16xf32>
        %add3A_789 = arith.addf %scan3A_753, %get3A_788 : vector<16xf32>
        %add3A_790 = arith.constant 80 : i32
        %add3A_791 = arith.addi %add3A_760, %add3A_790 : i32
        %get3A_792 = arith.index_cast %add3A_791 : i32 to index
        %get3A_793 = tpu.vector_load %arg5[%get3A_792] {strides = array<i32>} : memref<32768xf32, #tpu.memory_space<vmem>>, vector<16xf32>,
        %get3A_794 = vector.shape_cast %get3A_793 : vector<16xf32> to vector<16xf32>
        %add3A_795 = arith.addf %scan3A_754, %get3A_794 : vector<16xf32>
        %add3A_796 = arith.constant 96 : i32
        %add3A_797 = arith.addi %add3A_760, %add3A_796 : i32
        %get3A_798 = arith.index_cast %add3A_797 : i32 to index
        %get3A_799 = tpu.vector_load %arg5[%get3A_798] {strides = array<i32>} : memref<32768xf32, #tpu.memory_space<vmem>>, vector<16xf32>,
        %get3A_800 = vector.shape_cast %get3A_799 : vector<16xf32> to vector<16xf32>
        %add3A_801 = arith.addf %scan3A_755, %get3A_800 : vector<16xf32>
        %add3A_802 = arith.constant 112 : i32
        %add3A_803 = arith.addi %add3A_760, %add3A_802 : i32
        %get3A_804 = arith.index_cast %add3A_803 : i32 to index
        %get3A_805 = tpu.vector_load %arg5[%get3A_804] {strides = array<i32>} : memref<32768xf32, #tpu.memory_space<vmem>>, vector<16xf32>,
        %get3A_806 = vector.shape_cast %get3A_805 : vector<16xf32> to vector<16xf32>
        %add3A_807 = arith.addf %scan3A_756, %get3A_806 : vector<16xf32>
        %scan3A_808 = arith.constant 1 : i32
        %scan3A_809 = arith.addi %scan3A_748, %scan3A_808 : i32
        %mul3A_810 = arith.constant 128 : i32
        %mul3A_811 = arith.muli %scan3A_809, %mul3A_810 : i32
        %add3A_812 = arith.constant 0 : i32
        %add3A_813 = arith.addi %add3A_812, %mul3A_811 : i32
        %add3A_814 = arith.constant 0 : i32
        %add3A_815 = arith.addi %add3A_813, %add3A_814 : i32
        %get3A_816 = arith.index_cast %add3A_815 : i32 to index
        %get3A_817 = tpu.vector_load %arg5[%get3A_816] {strides = array<i32>} : memref<32768xf32, #tpu.memory_space<vmem>>, vector<16xf32>,
        %get3A_818 = vector.shape_cast %get3A_817 : vector<16xf32> to vector<16xf32>
        %add3A_819 = arith.addf %add3A_765, %get3A_818 : vector<16xf32>
        %add3A_820 = arith.constant 16 : i32
        %add3A_821 = arith.addi %add3A_813, %add3A_820 : i32
        %get3A_822 = arith.index_cast %add3A_821 : i32 to index
        %get3A_823 = tpu.vector_load %arg5[%get3A_822] {strides = array<i32>} : memref<32768xf32, #tpu.memory_space<vmem>>, vector<16xf32>,
        %get3A_824 = vector.shape_cast %get3A_823 : vector<16xf32> to vector<16xf32>
        %add3A_825 = arith.addf %add3A_771, %get3A_824 : vector<16xf32>
        %add3A_826 = arith.constant 32 : i32
        %add3A_827 = arith.addi %add3A_813, %add3A_826 : i32
        %get3A_828 = arith.index_cast %add3A_827 : i32 to index
        %get3A_829 = tpu.vector_load %arg5[%get3A_828] {strides = array<i32>} : memref<32768xf32, #tpu.memory_space<vmem>>, vector<16xf32>,
        %get3A_830 = vector.shape_cast %get3A_829 : vector<16xf32> to vector<16xf32>
        %add3A_831 = arith.addf %add3A_777, %get3A_830 : vector<16xf32>
        %add3A_832 = arith.constant 48 : i32
        %add3A_833 = arith.addi %add3A_813, %add3A_832 : i32
        %get3A_834 = arith.index_cast %add3A_833 : i32 to index
        %get3A_835 = tpu.vector_load %arg5[%get3A_834] {strides = array<i32>} : memref<32768xf32, #tpu.memory_space<vmem>>, vector<16xf32>,
        %get3A_836 = vector.shape_cast %get3A_835 : vector<16xf32> to vector<16xf32>
        %add3A_837 = arith.addf %add3A_783, %get3A_836 : vector<16xf32>
        %add3A_838 = arith.constant 64 : i32
        %add3A_839 = arith.addi %add3A_813, %add3A_838 : i32
        %get3A_840 = arith.index_cast %add3A_839 : i32 to index
        %get3A_841 = tpu.vector_load %arg5[%get3A_840] {strides = array<i32>} : memref<32768xf32, #tpu.memory_space<vmem>>, vector<16xf32>,
        %get3A_842 = vector.shape_cast %get3A_841 : vector<16xf32> to vector<16xf32>
        %add3A_843 = arith.addf %add3A_789, %get3A_842 : vector<16xf32>
        %add3A_844 = arith.constant 80 : i32
        %add3A_845 = arith.addi %add3A_813, %add3A_844 : i32
        %get3A_846 = arith.index_cast %add3A_845 : i32 to index
        %get3A_847 = tpu.vector_load %arg5[%get3A_846] {strides = array<i32>} : memref<32768xf32, #tpu.memory_space<vmem>>, vector<16xf32>,
        %get3A_848 = vector.shape_cast %get3A_847 : vector<16xf32> to vector<16xf32>
        %add3A_849 = arith.addf %add3A_795, %get3A_848 : vector<16xf32>
        %add3A_850 = arith.constant 96 : i32
        %add3A_851 = arith.addi %add3A_813, %add3A_850 : i32
        %get3A_852 = arith.index_cast %add3A_851 : i32 to index
        %get3A_853 = tpu.vector_load %arg5[%get3A_852] {strides = array<i32>} : memref<32768xf32, #tpu.memory_space<vmem>>, vector<16xf32>,
        %get3A_854 = vector.shape_cast %get3A_853 : vector<16xf32> to vector<16xf32>
        %add3A_855 = arith.addf %add3A_801, %get3A_854 : vector<16xf32>
        %add3A_856 = arith.constant 112 : i32
        %add3A_857 = arith.addi %add3A_813, %add3A_856 : i32
        %get3A_858 = arith.index_cast %add3A_857 : i32 to index
        %get3A_859 = tpu.vector_load %arg5[%get3A_858] {strides = array<i32>} : memref<32768xf32, #tpu.memory_space<vmem>>, vector<16xf32>,
        %get3A_860 = vector.shape_cast %get3A_859 : vector<16xf32> to vector<16xf32>
        %add3A_861 = arith.addf %add3A_807, %get3A_860 : vector<16xf32>
        scf.yield %add3A_819, %add3A_825, %add3A_831, %add3A_837, %add3A_843, %add3A_849, %add3A_855, %add3A_861 : vector<16xf32>, vector<16xf32>, vector<16xf32>, vector<16xf32>, vector<16xf32>, vector<16xf32>, vector<16xf32>, vector<16xf32>
      }
      %scan3A_419 = arith.constant 32 : i32
      %swap3A_420 = arith.constant 0 : index
      %swap3A_421 = tpu.vector_load %arg7[%swap3A_420] {strides = array<i32>} : memref<1024xf32, #tpu.memory_space<vmem>>, vector<16xf32>,
      %swap3A_422 = vector.shape_cast %swap3A_421 : vector<16xf32> to vector<16xf32>
      %swap3A_423 = vector.shape_cast %scan3A_418#0 : vector<16xf32> to vector<16xf32>
      tpu.vector_store %arg7[%swap3A_420], %swap3A_423 {strides = array<i32>} : memref<1024xf32, #tpu.memory_space<vmem>>, vector<16xf32>,
      %swap3A_424 = arith.constant 16 : index
      %swap3A_425 = tpu.vector_load %arg7[%swap3A_424] {strides = array<i32>} : memref<1024xf32, #tpu.memory_space<vmem>>, vector<16xf32>,
      %swap3A_426 = vector.shape_cast %swap3A_425 : vector<16xf32> to vector<16xf32>
      %swap3A_427 = vector.shape_cast %scan3A_418#1 : vector<16xf32> to vector<16xf32>
      tpu.vector_store %arg7[%swap3A_424], %swap3A_427 {strides = array<i32>} : memref<1024xf32, #tpu.memory_space<vmem>>, vector<16xf32>,
      %swap3A_428 = arith.constant 32 : index
      %swap3A_429 = tpu.vector_load %arg7[%swap3A_428] {strides = array<i32>} : memref<1024xf32, #tpu.memory_space<vmem>>, vector<16xf32>,
      %swap3A_430 = vector.shape_cast %swap3A_429 : vector<16xf32> to vector<16xf32>
      %swap3A_431 = vector.shape_cast %scan3A_418#2 : vector<16xf32> to vector<16xf32>
      tpu.vector_store %arg7[%swap3A_428], %swap3A_431 {strides = array<i32>} : memref<1024xf32, #tpu.memory_space<vmem>>, vector<16xf32>,
      %swap3A_432 = arith.constant 48 : index
      %swap3A_433 = tpu.vector_load %arg7[%swap3A_432] {strides = array<i32>} : memref<1024xf32, #tpu.memory_space<vmem>>, vector<16xf32>,
      %swap3A_434 = vector.shape_cast %swap3A_433 : vector<16xf32> to vector<16xf32>
      %swap3A_435 = vector.shape_cast %scan3A_418#3 : vector<16xf32> to vector<16xf32>
      tpu.vector_store %arg7[%swap3A_432], %swap3A_435 {strides = array<i32>} : memref<1024xf32, #tpu.memory_space<vmem>>, vector<16xf32>,
      %swap3A_436 = arith.constant 64 : index
      %swap3A_437 = tpu.vector_load %arg7[%swap3A_436] {strides = array<i32>} : memref<1024xf32, #tpu.memory_space<vmem>>, vector<16xf32>,
      %swap3A_438 = vector.shape_cast %swap3A_437 : vector<16xf32> to vector<16xf32>
      %swap3A_439 = vector.shape_cast %scan3A_418#4 : vector<16xf32> to vector<16xf32>
      tpu.vector_store %arg7[%swap3A_436], %swap3A_439 {strides = array<i32>} : memref<1024xf32, #tpu.memory_space<vmem>>, vector<16xf32>,
      %swap3A_440 = arith.constant 80 : index
      %swap3A_441 = tpu.vector_load %arg7[%swap3A_440] {strides = array<i32>} : memref<1024xf32, #tpu.memory_space<vmem>>, vector<16xf32>,
      %swap3A_442 = vector.shape_cast %swap3A_441 : vector<16xf32> to vector<16xf32>
      %swap3A_443 = vector.shape_cast %scan3A_418#5 : vector<16xf32> to vector<16xf32>
      tpu.vector_store %arg7[%swap3A_440], %swap3A_443 {strides = array<i32>} : memref<1024xf32, #tpu.memory_space<vmem>>, vector<16xf32>,
      %swap3A_444 = arith.constant 96 : index
      %swap3A_445 = tpu.vector_load %arg7[%swap3A_444] {strides = array<i32>} : memref<1024xf32, #tpu.memory_space<vmem>>, vector<16xf32>,
      %swap3A_446 = vector.shape_cast %swap3A_445 : vector<16xf32> to vector<16xf32>
      %swap3A_447 = vector.shape_cast %scan3A_418#6 : vector<16xf32> to vector<16xf32>
      tpu.vector_store %arg7[%swap3A_444], %swap3A_447 {strides = array<i32>} : memref<1024xf32, #tpu.memory_space<vmem>>, vector<16xf32>,
      %swap3A_448 = arith.constant 112 : index
      %swap3A_449 = tpu.vector_load %arg7[%swap3A_448] {strides = array<i32>} : memref<1024xf32, #tpu.memory_space<vmem>>, vector<16xf32>,
      %swap3A_450 = vector.shape_cast %swap3A_449 : vector<16xf32> to vector<16xf32>
      %swap3A_451 = vector.shape_cast %scan3A_418#7 : vector<16xf32> to vector<16xf32>
      tpu.vector_store %arg7[%swap3A_448], %swap3A_451 {strides = array<i32>} : memref<1024xf32, #tpu.memory_space<vmem>>, vector<16xf32>,
      %broadcast_in_dim3A_452 = arith.constant 0.000000e+00 : f32
      %broadcast_in_dim3A_453 = vector.broadcast %broadcast_in_dim3A_452 : f32 to vector<16xf32>
      %scan3A_454 = arith.constant 0 : i32
      %scan3A_455 = arith.constant 32 : i32
      %scan3A_456 = arith.addi %scan3A_454, %scan3A_455 : i32
      %scan3A_457 = arith.constant 2 : i32
      %scan3A_458:8 = scf.for %scan3A_748 = %scan3A_454 to %scan3A_456 step %scan3A_457 iter_args(%scan3A_749 = %broadcast_in_dim3A_453, %scan3A_750 = %broadcast_in_dim3A_453, %scan3A_751 = %broadcast_in_dim3A_453, %scan3A_752 = %broadcast_in_dim3A_453, %scan3A_753 = %broadcast_in_dim3A_453, %scan3A_754 = %broadcast_in_dim3A_453, %scan3A_755 = %broadcast_in_dim3A_453, %scan3A_756 = %broadcast_in_dim3A_453) -> (vector<16xf32>, vector<16xf32>, vector<16xf32>, vector<16xf32>, vector<16xf32>, vector<16xf32>, vector<16xf32>, vector<16xf32>)  : i32 {
        %mul3A_757 = arith.constant 128 : i32
        %mul3A_758 = arith.muli %scan3A_748, %mul3A_757 : i32
        %add3A_759 = arith.constant 4096 : i32
        %add3A_760 = arith.addi %add3A_759, %mul3A_758 : i32
        %add3A_761 = arith.constant 0 : i32
        %add3A_762 = arith.addi %add3A_760, %add3A_761 : i32
        %get3A = arith.index_cast %add3A_762 : i32 to index
        %get3A_763 = tpu.vector_load %arg5[%get3A] {strides = array<i32>} : memref<32768xf32, #tpu.memory_space<vmem>>, vector<16xf32>,
        %get3A_764 = vector.shape_cast %get3A_763 : vector<16xf32> to vector<16xf32>
        %add3A_765 = arith.addf %scan3A_749, %get3A_764 : vector<16xf32>
        %add3A_766 = arith.constant 16 : i32
        %add3A_767 = arith.addi %add3A_760, %add3A_766 : i32
        %get3A_768 = arith.index_cast %add3A_767 : i32 to index
        %get3A_769 = tpu.vector_load %arg5[%get3A_768] {strides = array<i32>} : memref<32768xf32, #tpu.memory_space<vmem>>, vector<16xf32>,
        %get3A_770 = vector.shape_cast %get3A_769 : vector<16xf32> to vector<16xf32>
        %add3A_771 = arith.addf %scan3A_750, %get3A_770 : vector<16xf32>
        %add3A_772 = arith.constant 32 : i32
        %add3A_773 = arith.addi %add3A_760, %add3A_772 : i32
        %get3A_774 = arith.index_cast %add3A_773 : i32 to index
        %get3A_775 = tpu.vector_load %arg5[%get3A_774] {strides = array<i32>} : memref<32768xf32, #tpu.memory_space<vmem>>, vector<16xf32>,
        %get3A_776 = vector.shape_cast %get3A_775 : vector<16xf32> to vector<16xf32>
        %add3A_777 = arith.addf %scan3A_751, %get3A_776 : vector<16xf32>
        %add3A_778 = arith.constant 48 : i32
        %add3A_779 = arith.addi %add3A_760, %add3A_778 : i32
        %get3A_780 = arith.index_cast %add3A_779 : i32 to index
        %get3A_781 = tpu.vector_load %arg5[%get3A_780] {strides = array<i32>} : memref<32768xf32, #tpu.memory_space<vmem>>, vector<16xf32>,
        %get3A_782 = vector.shape_cast %get3A_781 : vector<16xf32> to vector<16xf32>
        %add3A_783 = arith.addf %scan3A_752, %get3A_782 : vector<16xf32>
        %add3A_784 = arith.constant 64 : i32
        %add3A_785 = arith.addi %add3A_760, %add3A_784 : i32
        %get3A_786 = arith.index_cast %add3A_785 : i32 to index
        %get3A_787 = tpu.vector_load %arg5[%get3A_786] {strides = array<i32>} : memref<32768xf32, #tpu.memory_space<vmem>>, vector<16xf32>,
        %get3A_788 = vector.shape_cast %get3A_787 : vector<16xf32> to vector<16xf32>
        %add3A_789 = arith.addf %scan3A_753, %get3A_788 : vector<16xf32>
        %add3A_790 = arith.constant 80 : i32
        %add3A_791 = arith.addi %add3A_760, %add3A_790 : i32
        %get3A_792 = arith.index_cast %add3A_791 : i32 to index
        %get3A_793 = tpu.vector_load %arg5[%get3A_792] {strides = array<i32>} : memref<32768xf32, #tpu.memory_space<vmem>>, vector<16xf32>,
        %get3A_794 = vector.shape_cast %get3A_793 : vector<16xf32> to vector<16xf32>
        %add3A_795 = arith.addf %scan3A_754, %get3A_794 : vector<16xf32>
        %add3A_796 = arith.constant 96 : i32
        %add3A_797 = arith.addi %add3A_760, %add3A_796 : i32
        %get3A_798 = arith.index_cast %add3A_797 : i32 to index
        %get3A_799 = tpu.vector_load %arg5[%get3A_798] {strides = array<i32>} : memref<32768xf32, #tpu.memory_space<vmem>>, vector<16xf32>,
        %get3A_800 = vector.shape_cast %get3A_799 : vector<16xf32> to vector<16xf32>
        %add3A_801 = arith.addf %scan3A_755, %get3A_800 : vector<16xf32>
        %add3A_802 = arith.constant 112 : i32
        %add3A_803 = arith.addi %add3A_760, %add3A_802 : i32
        %get3A_804 = arith.index_cast %add3A_803 : i32 to index
        %get3A_805 = tpu.vector_load %arg5[%get3A_804] {strides = array<i32>} : memref<32768xf32, #tpu.memory_space<vmem>>, vector<16xf32>,
        %get3A_806 = vector.shape_cast %get3A_805 : vector<16xf32> to vector<16xf32>
        %add3A_807 = arith.addf %scan3A_756, %get3A_806 : vector<16xf32>
        %scan3A_808 = arith.constant 1 : i32
        %scan3A_809 = arith.addi %scan3A_748, %scan3A_808 : i32
        %mul3A_810 = arith.constant 128 : i32
        %mul3A_811 = arith.muli %scan3A_809, %mul3A_810 : i32
        %add3A_812 = arith.constant 4096 : i32
        %add3A_813 = arith.addi %add3A_812, %mul3A_811 : i32
        %add3A_814 = arith.constant 0 : i32
        %add3A_815 = arith.addi %add3A_813, %add3A_814 : i32
        %get3A_816 = arith.index_cast %add3A_815 : i32 to index
        %get3A_817 = tpu.vector_load %arg5[%get3A_816] {strides = array<i32>} : memref<32768xf32, #tpu.memory_space<vmem>>, vector<16xf32>,
        %get3A_818 = vector.shape_cast %get3A_817 : vector<16xf32> to vector<16xf32>
        %add3A_819 = arith.addf %add3A_765, %get3A_818 : vector<16xf32>
        %add3A_820 = arith.constant 16 : i32
        %add3A_821 = arith.addi %add3A_813, %add3A_820 : i32
        %get3A_822 = arith.index_cast %add3A_821 : i32 to index
        %get3A_823 = tpu.vector_load %arg5[%get3A_822] {strides = array<i32>} : memref<32768xf32, #tpu.memory_space<vmem>>, vector<16xf32>,
        %get3A_824 = vector.shape_cast %get3A_823 : vector<16xf32> to vector<16xf32>
        %add3A_825 = arith.addf %add3A_771, %get3A_824 : vector<16xf32>
        %add3A_826 = arith.constant 32 : i32
        %add3A_827 = arith.addi %add3A_813, %add3A_826 : i32
        %get3A_828 = arith.index_cast %add3A_827 : i32 to index
        %get3A_829 = tpu.vector_load %arg5[%get3A_828] {strides = array<i32>} : memref<32768xf32, #tpu.memory_space<vmem>>, vector<16xf32>,
        %get3A_830 = vector.shape_cast %get3A_829 : vector<16xf32> to vector<16xf32>
        %add3A_831 = arith.addf %add3A_777, %get3A_830 : vector<16xf32>
        %add3A_832 = arith.constant 48 : i32
        %add3A_833 = arith.addi %add3A_813, %add3A_832 : i32
        %get3A_834 = arith.index_cast %add3A_833 : i32 to index
        %get3A_835 = tpu.vector_load %arg5[%get3A_834] {strides = array<i32>} : memref<32768xf32, #tpu.memory_space<vmem>>, vector<16xf32>,
        %get3A_836 = vector.shape_cast %get3A_835 : vector<16xf32> to vector<16xf32>
        %add3A_837 = arith.addf %add3A_783, %get3A_836 : vector<16xf32>
        %add3A_838 = arith.constant 64 : i32
        %add3A_839 = arith.addi %add3A_813, %add3A_838 : i32
        %get3A_840 = arith.index_cast %add3A_839 : i32 to index
        %get3A_841 = tpu.vector_load %arg5[%get3A_840] {strides = array<i32>} : memref<32768xf32, #tpu.memory_space<vmem>>, vector<16xf32>,
        %get3A_842 = vector.shape_cast %get3A_841 : vector<16xf32> to vector<16xf32>
        %add3A_843 = arith.addf %add3A_789, %get3A_842 : vector<16xf32>
        %add3A_844 = arith.constant 80 : i32
        %add3A_845 = arith.addi %add3A_813, %add3A_844 : i32
        %get3A_846 = arith.index_cast %add3A_845 : i32 to index
        %get3A_847 = tpu.vector_load %arg5[%get3A_846] {strides = array<i32>} : memref<32768xf32, #tpu.memory_space<vmem>>, vector<16xf32>,
        %get3A_848 = vector.shape_cast %get3A_847 : vector<16xf32> to vector<16xf32>
        %add3A_849 = arith.addf %add3A_795, %get3A_848 : vector<16xf32>
        %add3A_850 = arith.constant 96 : i32
        %add3A_851 = arith.addi %add3A_813, %add3A_850 : i32
        %get3A_852 = arith.index_cast %add3A_851 : i32 to index
        %get3A_853 = tpu.vector_load %arg5[%get3A_852] {strides = array<i32>} : memref<32768xf32, #tpu.memory_space<vmem>>, vector<16xf32>,
        %get3A_854 = vector.shape_cast %get3A_853 : vector<16xf32> to vector<16xf32>
        %add3A_855 = arith.addf %add3A_801, %get3A_854 : vector<16xf32>
        %add3A_856 = arith.constant 112 : i32
        %add3A_857 = arith.addi %add3A_813, %add3A_856 : i32
        %get3A_858 = arith.index_cast %add3A_857 : i32 to index
        %get3A_859 = tpu.vector_load %arg5[%get3A_858] {strides = array<i32>} : memref<32768xf32, #tpu.memory_space<vmem>>, vector<16xf32>,
        %get3A_860 = vector.shape_cast %get3A_859 : vector<16xf32> to vector<16xf32>
        %add3A_861 = arith.addf %add3A_807, %get3A_860 : vector<16xf32>
        scf.yield %add3A_819, %add3A_825, %add3A_831, %add3A_837, %add3A_843, %add3A_849, %add3A_855, %add3A_861 : vector<16xf32>, vector<16xf32>, vector<16xf32>, vector<16xf32>, vector<16xf32>, vector<16xf32>, vector<16xf32>, vector<16xf32>
      }
      %scan3A_459 = arith.constant 32 : i32
      %swap3A_460 = arith.constant 128 : index
      %swap3A_461 = tpu.vector_load %arg7[%swap3A_460] {strides = array<i32>} : memref<1024xf32, #tpu.memory_space<vmem>>, vector<16xf32>,
      %swap3A_462 = vector.shape_cast %swap3A_461 : vector<16xf32> to vector<16xf32>
      %swap3A_463 = vector.shape_cast %scan3A_458#0 : vector<16xf32> to vector<16xf32>
      tpu.vector_store %arg7[%swap3A_460], %swap3A_463 {strides = array<i32>} : memref<1024xf32, #tpu.memory_space<vmem>>, vector<16xf32>,
      %swap3A_464 = arith.constant 144 : index
      %swap3A_465 = tpu.vector_load %arg7[%swap3A_464] {strides = array<i32>} : memref<1024xf32, #tpu.memory_space<vmem>>, vector<16xf32>,
      %swap3A_466 = vector.shape_cast %swap3A_465 : vector<16xf32> to vector<16xf32>
      %swap3A_467 = vector.shape_cast %scan3A_458#1 : vector<16xf32> to vector<16xf32>
      tpu.vector_store %arg7[%swap3A_464], %swap3A_467 {strides = array<i32>} : memref<1024xf32, #tpu.memory_space<vmem>>, vector<16xf32>,
      %swap3A_468 = arith.constant 160 : index
      %swap3A_469 = tpu.vector_load %arg7[%swap3A_468] {strides = array<i32>} : memref<1024xf32, #tpu.memory_space<vmem>>, vector<16xf32>,
      %swap3A_470 = vector.shape_cast %swap3A_469 : vector<16xf32> to vector<16xf32>
      %swap3A_471 = vector.shape_cast %scan3A_458#2 : vector<16xf32> to vector<16xf32>
      tpu.vector_store %arg7[%swap3A_468], %swap3A_471 {strides = array<i32>} : memref<1024xf32, #tpu.memory_space<vmem>>, vector<16xf32>,
      %swap3A_472 = arith.constant 176 : index
      %swap3A_473 = tpu.vector_load %arg7[%swap3A_472] {strides = array<i32>} : memref<1024xf32, #tpu.memory_space<vmem>>, vector<16xf32>,
      %swap3A_474 = vector.shape_cast %swap3A_473 : vector<16xf32> to vector<16xf32>
      %swap3A_475 = vector.shape_cast %scan3A_458#3 : vector<16xf32> to vector<16xf32>
      tpu.vector_store %arg7[%swap3A_472], %swap3A_475 {strides = array<i32>} : memref<1024xf32, #tpu.memory_space<vmem>>, vector<16xf32>,
      %swap3A_476 = arith.constant 192 : index
      %swap3A_477 = tpu.vector_load %arg7[%swap3A_476] {strides = array<i32>} : memref<1024xf32, #tpu.memory_space<vmem>>, vector<16xf32>,
      %swap3A_478 = vector.shape_cast %swap3A_477 : vector<16xf32> to vector<16xf32>
      %swap3A_479 = vector.shape_cast %scan3A_458#4 : vector<16xf32> to vector<16xf32>
      tpu.vector_store %arg7[%swap3A_476], %swap3A_479 {strides = array<i32>} : memref<1024xf32, #tpu.memory_space<vmem>>, vector<16xf32>,
      %swap3A_480 = arith.constant 208 : index
      %swap3A_481 = tpu.vector_load %arg7[%swap3A_480] {strides = array<i32>} : memref<1024xf32, #tpu.memory_space<vmem>>, vector<16xf32>,
      %swap3A_482 = vector.shape_cast %swap3A_481 : vector<16xf32> to vector<16xf32>
      %swap3A_483 = vector.shape_cast %scan3A_458#5 : vector<16xf32> to vector<16xf32>
      tpu.vector_store %arg7[%swap3A_480], %swap3A_483 {strides = array<i32>} : memref<1024xf32, #tpu.memory_space<vmem>>, vector<16xf32>,
      %swap3A_484 = arith.constant 224 : index
      %swap3A_485 = tpu.vector_load %arg7[%swap3A_484] {strides = array<i32>} : memref<1024xf32, #tpu.memory_space<vmem>>, vector<16xf32>,
      %swap3A_486 = vector.shape_cast %swap3A_485 : vector<16xf32> to vector<16xf32>
      %swap3A_487 = vector.shape_cast %scan3A_458#6 : vector<16xf32> to vector<16xf32>
      tpu.vector_store %arg7[%swap3A_484], %swap3A_487 {strides = array<i32>} : memref<1024xf32, #tpu.memory_space<vmem>>, vector<16xf32>,
      %swap3A_488 = arith.constant 240 : index
      %swap3A_489 = tpu.vector_load %arg7[%swap3A_488] {strides = array<i32>} : memref<1024xf32, #tpu.memory_space<vmem>>, vector<16xf32>,
      %swap3A_490 = vector.shape_cast %swap3A_489 : vector<16xf32> to vector<16xf32>
      %swap3A_491 = vector.shape_cast %scan3A_458#7 : vector<16xf32> to vector<16xf32>
      tpu.vector_store %arg7[%swap3A_488], %swap3A_491 {strides = array<i32>} : memref<1024xf32, #tpu.memory_space<vmem>>, vector<16xf32>,
      %broadcast_in_dim3A_492 = arith.constant 0.000000e+00 : f32
      %broadcast_in_dim3A_493 = vector.broadcast %broadcast_in_dim3A_492 : f32 to vector<16xf32>
      %scan3A_494 = arith.constant 0 : i32
      %scan3A_495 = arith.constant 32 : i32
      %scan3A_496 = arith.addi %scan3A_494, %scan3A_495 : i32
      %scan3A_497 = arith.constant 2 : i32
      %scan3A_498:8 = scf.for %scan3A_748 = %scan3A_494 to %scan3A_496 step %scan3A_497 iter_args(%scan3A_749 = %broadcast_in_dim3A_493, %scan3A_750 = %broadcast_in_dim3A_493, %scan3A_751 = %broadcast_in_dim3A_493, %scan3A_752 = %broadcast_in_dim3A_493, %scan3A_753 = %broadcast_in_dim3A_493, %scan3A_754 = %broadcast_in_dim3A_493, %scan3A_755 = %broadcast_in_dim3A_493, %scan3A_756 = %broadcast_in_dim3A_493) -> (vector<16xf32>, vector<16xf32>, vector<16xf32>, vector<16xf32>, vector<16xf32>, vector<16xf32>, vector<16xf32>, vector<16xf32>)  : i32 {
        %mul3A_757 = arith.constant 128 : i32
        %mul3A_758 = arith.muli %scan3A_748, %mul3A_757 : i32
        %add3A_759 = arith.constant 8192 : i32
        %add3A_760 = arith.addi %add3A_759, %mul3A_758 : i32
        %add3A_761 = arith.constant 0 : i32
        %add3A_762 = arith.addi %add3A_760, %add3A_761 : i32
        %get3A = arith.index_cast %add3A_762 : i32 to index
        %get3A_763 = tpu.vector_load %arg5[%get3A] {strides = array<i32>} : memref<32768xf32, #tpu.memory_space<vmem>>, vector<16xf32>,
        %get3A_764 = vector.shape_cast %get3A_763 : vector<16xf32> to vector<16xf32>
        %add3A_765 = arith.addf %scan3A_749, %get3A_764 : vector<16xf32>
        %add3A_766 = arith.constant 16 : i32
        %add3A_767 = arith.addi %add3A_760, %add3A_766 : i32
        %get3A_768 = arith.index_cast %add3A_767 : i32 to index
        %get3A_769 = tpu.vector_load %arg5[%get3A_768] {strides = array<i32>} : memref<32768xf32, #tpu.memory_space<vmem>>, vector<16xf32>,
        %get3A_770 = vector.shape_cast %get3A_769 : vector<16xf32> to vector<16xf32>
        %add3A_771 = arith.addf %scan3A_750, %get3A_770 : vector<16xf32>
        %add3A_772 = arith.constant 32 : i32
        %add3A_773 = arith.addi %add3A_760, %add3A_772 : i32
        %get3A_774 = arith.index_cast %add3A_773 : i32 to index
        %get3A_775 = tpu.vector_load %arg5[%get3A_774] {strides = array<i32>} : memref<32768xf32, #tpu.memory_space<vmem>>, vector<16xf32>,
        %get3A_776 = vector.shape_cast %get3A_775 : vector<16xf32> to vector<16xf32>
        %add3A_777 = arith.addf %scan3A_751, %get3A_776 : vector<16xf32>
        %add3A_778 = arith.constant 48 : i32
        %add3A_779 = arith.addi %add3A_760, %add3A_778 : i32
        %get3A_780 = arith.index_cast %add3A_779 : i32 to index
        %get3A_781 = tpu.vector_load %arg5[%get3A_780] {strides = array<i32>} : memref<32768xf32, #tpu.memory_space<vmem>>, vector<16xf32>,
        %get3A_782 = vector.shape_cast %get3A_781 : vector<16xf32> to vector<16xf32>
        %add3A_783 = arith.addf %scan3A_752, %get3A_782 : vector<16xf32>
        %add3A_784 = arith.constant 64 : i32
        %add3A_785 = arith.addi %add3A_760, %add3A_784 : i32
        %get3A_786 = arith.index_cast %add3A_785 : i32 to index
        %get3A_787 = tpu.vector_load %arg5[%get3A_786] {strides = array<i32>} : memref<32768xf32, #tpu.memory_space<vmem>>, vector<16xf32>,
        %get3A_788 = vector.shape_cast %get3A_787 : vector<16xf32> to vector<16xf32>
        %add3A_789 = arith.addf %scan3A_753, %get3A_788 : vector<16xf32>
        %add3A_790 = arith.constant 80 : i32
        %add3A_791 = arith.addi %add3A_760, %add3A_790 : i32
        %get3A_792 = arith.index_cast %add3A_791 : i32 to index
        %get3A_793 = tpu.vector_load %arg5[%get3A_792] {strides = array<i32>} : memref<32768xf32, #tpu.memory_space<vmem>>, vector<16xf32>,
        %get3A_794 = vector.shape_cast %get3A_793 : vector<16xf32> to vector<16xf32>
        %add3A_795 = arith.addf %scan3A_754, %get3A_794 : vector<16xf32>
        %add3A_796 = arith.constant 96 : i32
        %add3A_797 = arith.addi %add3A_760, %add3A_796 : i32
        %get3A_798 = arith.index_cast %add3A_797 : i32 to index
        %get3A_799 = tpu.vector_load %arg5[%get3A_798] {strides = array<i32>} : memref<32768xf32, #tpu.memory_space<vmem>>, vector<16xf32>,
        %get3A_800 = vector.shape_cast %get3A_799 : vector<16xf32> to vector<16xf32>
        %add3A_801 = arith.addf %scan3A_755, %get3A_800 : vector<16xf32>
        %add3A_802 = arith.constant 112 : i32
        %add3A_803 = arith.addi %add3A_760, %add3A_802 : i32
        %get3A_804 = arith.index_cast %add3A_803 : i32 to index
        %get3A_805 = tpu.vector_load %arg5[%get3A_804] {strides = array<i32>} : memref<32768xf32, #tpu.memory_space<vmem>>, vector<16xf32>,
        %get3A_806 = vector.shape_cast %get3A_805 : vector<16xf32> to vector<16xf32>
        %add3A_807 = arith.addf %scan3A_756, %get3A_806 : vector<16xf32>
        %scan3A_808 = arith.constant 1 : i32
        %scan3A_809 = arith.addi %scan3A_748, %scan3A_808 : i32
        %mul3A_810 = arith.constant 128 : i32
        %mul3A_811 = arith.muli %scan3A_809, %mul3A_810 : i32
        %add3A_812 = arith.constant 8192 : i32
        %add3A_813 = arith.addi %add3A_812, %mul3A_811 : i32
        %add3A_814 = arith.constant 0 : i32
        %add3A_815 = arith.addi %add3A_813, %add3A_814 : i32
        %get3A_816 = arith.index_cast %add3A_815 : i32 to index
        %get3A_817 = tpu.vector_load %arg5[%get3A_816] {strides = array<i32>} : memref<32768xf32, #tpu.memory_space<vmem>>, vector<16xf32>,
        %get3A_818 = vector.shape_cast %get3A_817 : vector<16xf32> to vector<16xf32>
        %add3A_819 = arith.addf %add3A_765, %get3A_818 : vector<16xf32>
        %add3A_820 = arith.constant 16 : i32
        %add3A_821 = arith.addi %add3A_813, %add3A_820 : i32
        %get3A_822 = arith.index_cast %add3A_821 : i32 to index
        %get3A_823 = tpu.vector_load %arg5[%get3A_822] {strides = array<i32>} : memref<32768xf32, #tpu.memory_space<vmem>>, vector<16xf32>,
        %get3A_824 = vector.shape_cast %get3A_823 : vector<16xf32> to vector<16xf32>
        %add3A_825 = arith.addf %add3A_771, %get3A_824 : vector<16xf32>
        %add3A_826 = arith.constant 32 : i32
        %add3A_827 = arith.addi %add3A_813, %add3A_826 : i32
        %get3A_828 = arith.index_cast %add3A_827 : i32 to index
        %get3A_829 = tpu.vector_load %arg5[%get3A_828] {strides = array<i32>} : memref<32768xf32, #tpu.memory_space<vmem>>, vector<16xf32>,
        %get3A_830 = vector.shape_cast %get3A_829 : vector<16xf32> to vector<16xf32>
        %add3A_831 = arith.addf %add3A_777, %get3A_830 : vector<16xf32>
        %add3A_832 = arith.constant 48 : i32
        %add3A_833 = arith.addi %add3A_813, %add3A_832 : i32
        %get3A_834 = arith.index_cast %add3A_833 : i32 to index
        %get3A_835 = tpu.vector_load %arg5[%get3A_834] {strides = array<i32>} : memref<32768xf32, #tpu.memory_space<vmem>>, vector<16xf32>,
        %get3A_836 = vector.shape_cast %get3A_835 : vector<16xf32> to vector<16xf32>
        %add3A_837 = arith.addf %add3A_783, %get3A_836 : vector<16xf32>
        %add3A_838 = arith.constant 64 : i32
        %add3A_839 = arith.addi %add3A_813, %add3A_838 : i32
        %get3A_840 = arith.index_cast %add3A_839 : i32 to index
        %get3A_841 = tpu.vector_load %arg5[%get3A_840] {strides = array<i32>} : memref<32768xf32, #tpu.memory_space<vmem>>, vector<16xf32>,
        %get3A_842 = vector.shape_cast %get3A_841 : vector<16xf32> to vector<16xf32>
        %add3A_843 = arith.addf %add3A_789, %get3A_842 : vector<16xf32>
        %add3A_844 = arith.constant 80 : i32
        %add3A_845 = arith.addi %add3A_813, %add3A_844 : i32
        %get3A_846 = arith.index_cast %add3A_845 : i32 to index
        %get3A_847 = tpu.vector_load %arg5[%get3A_846] {strides = array<i32>} : memref<32768xf32, #tpu.memory_space<vmem>>, vector<16xf32>,
        %get3A_848 = vector.shape_cast %get3A_847 : vector<16xf32> to vector<16xf32>
        %add3A_849 = arith.addf %add3A_795, %get3A_848 : vector<16xf32>
        %add3A_850 = arith.constant 96 : i32
        %add3A_851 = arith.addi %add3A_813, %add3A_850 : i32
        %get3A_852 = arith.index_cast %add3A_851 : i32 to index
        %get3A_853 = tpu.vector_load %arg5[%get3A_852] {strides = array<i32>} : memref<32768xf32, #tpu.memory_space<vmem>>, vector<16xf32>,
        %get3A_854 = vector.shape_cast %get3A_853 : vector<16xf32> to vector<16xf32>
        %add3A_855 = arith.addf %add3A_801, %get3A_854 : vector<16xf32>
        %add3A_856 = arith.constant 112 : i32
        %add3A_857 = arith.addi %add3A_813, %add3A_856 : i32
        %get3A_858 = arith.index_cast %add3A_857 : i32 to index
        %get3A_859 = tpu.vector_load %arg5[%get3A_858] {strides = array<i32>} : memref<32768xf32, #tpu.memory_space<vmem>>, vector<16xf32>,
        %get3A_860 = vector.shape_cast %get3A_859 : vector<16xf32> to vector<16xf32>
        %add3A_861 = arith.addf %add3A_807, %get3A_860 : vector<16xf32>
        scf.yield %add3A_819, %add3A_825, %add3A_831, %add3A_837, %add3A_843, %add3A_849, %add3A_855, %add3A_861 : vector<16xf32>, vector<16xf32>, vector<16xf32>, vector<16xf32>, vector<16xf32>, vector<16xf32>, vector<16xf32>, vector<16xf32>
      }
      %scan3A_499 = arith.constant 32 : i32
      %swap3A_500 = arith.constant 256 : index
      %swap3A_501 = tpu.vector_load %arg7[%swap3A_500] {strides = array<i32>} : memref<1024xf32, #tpu.memory_space<vmem>>, vector<16xf32>,
      %swap3A_502 = vector.shape_cast %swap3A_501 : vector<16xf32> to vector<16xf32>
      %swap3A_503 = vector.shape_cast %scan3A_498#0 : vector<16xf32> to vector<16xf32>
      tpu.vector_store %arg7[%swap3A_500], %swap3A_503 {strides = array<i32>} : memref<1024xf32, #tpu.memory_space<vmem>>, vector<16xf32>,
      %swap3A_504 = arith.constant 272 : index
      %swap3A_505 = tpu.vector_load %arg7[%swap3A_504] {strides = array<i32>} : memref<1024xf32, #tpu.memory_space<vmem>>, vector<16xf32>,
      %swap3A_506 = vector.shape_cast %swap3A_505 : vector<16xf32> to vector<16xf32>
      %swap3A_507 = vector.shape_cast %scan3A_498#1 : vector<16xf32> to vector<16xf32>
      tpu.vector_store %arg7[%swap3A_504], %swap3A_507 {strides = array<i32>} : memref<1024xf32, #tpu.memory_space<vmem>>, vector<16xf32>,
      %swap3A_508 = arith.constant 288 : index
      %swap3A_509 = tpu.vector_load %arg7[%swap3A_508] {strides = array<i32>} : memref<1024xf32, #tpu.memory_space<vmem>>, vector<16xf32>,
      %swap3A_510 = vector.shape_cast %swap3A_509 : vector<16xf32> to vector<16xf32>
      %swap3A_511 = vector.shape_cast %scan3A_498#2 : vector<16xf32> to vector<16xf32>
      tpu.vector_store %arg7[%swap3A_508], %swap3A_511 {strides = array<i32>} : memref<1024xf32, #tpu.memory_space<vmem>>, vector<16xf32>,
      %swap3A_512 = arith.constant 304 : index
      %swap3A_513 = tpu.vector_load %arg7[%swap3A_512] {strides = array<i32>} : memref<1024xf32, #tpu.memory_space<vmem>>, vector<16xf32>,
      %swap3A_514 = vector.shape_cast %swap3A_513 : vector<16xf32> to vector<16xf32>
      %swap3A_515 = vector.shape_cast %scan3A_498#3 : vector<16xf32> to vector<16xf32>
      tpu.vector_store %arg7[%swap3A_512], %swap3A_515 {strides = array<i32>} : memref<1024xf32, #tpu.memory_space<vmem>>, vector<16xf32>,
      %swap3A_516 = arith.constant 320 : index
      %swap3A_517 = tpu.vector_load %arg7[%swap3A_516] {strides = array<i32>} : memref<1024xf32, #tpu.memory_space<vmem>>, vector<16xf32>,
      %swap3A_518 = vector.shape_cast %swap3A_517 : vector<16xf32> to vector<16xf32>
      %swap3A_519 = vector.shape_cast %scan3A_498#4 : vector<16xf32> to vector<16xf32>
      tpu.vector_store %arg7[%swap3A_516], %swap3A_519 {strides = array<i32>} : memref<1024xf32, #tpu.memory_space<vmem>>, vector<16xf32>,
      %swap3A_520 = arith.constant 336 : index
      %swap3A_521 = tpu.vector_load %arg7[%swap3A_520] {strides = array<i32>} : memref<1024xf32, #tpu.memory_space<vmem>>, vector<16xf32>,
      %swap3A_522 = vector.shape_cast %swap3A_521 : vector<16xf32> to vector<16xf32>
      %swap3A_523 = vector.shape_cast %scan3A_498#5 : vector<16xf32> to vector<16xf32>
      tpu.vector_store %arg7[%swap3A_520], %swap3A_523 {strides = array<i32>} : memref<1024xf32, #tpu.memory_space<vmem>>, vector<16xf32>,
      %swap3A_524 = arith.constant 352 : index
      %swap3A_525 = tpu.vector_load %arg7[%swap3A_524] {strides = array<i32>} : memref<1024xf32, #tpu.memory_space<vmem>>, vector<16xf32>,
      %swap3A_526 = vector.shape_cast %swap3A_525 : vector<16xf32> to vector<16xf32>
      %swap3A_527 = vector.shape_cast %scan3A_498#6 : vector<16xf32> to vector<16xf32>
      tpu.vector_store %arg7[%swap3A_524], %swap3A_527 {strides = array<i32>} : memref<1024xf32, #tpu.memory_space<vmem>>, vector<16xf32>,
      %swap3A_528 = arith.constant 368 : index
      %swap3A_529 = tpu.vector_load %arg7[%swap3A_528] {strides = array<i32>} : memref<1024xf32, #tpu.memory_space<vmem>>, vector<16xf32>,
      %swap3A_530 = vector.shape_cast %swap3A_529 : vector<16xf32> to vector<16xf32>
      %swap3A_531 = vector.shape_cast %scan3A_498#7 : vector<16xf32> to vector<16xf32>
      tpu.vector_store %arg7[%swap3A_528], %swap3A_531 {strides = array<i32>} : memref<1024xf32, #tpu.memory_space<vmem>>, vector<16xf32>,
      %broadcast_in_dim3A_532 = arith.constant 0.000000e+00 : f32
      %broadcast_in_dim3A_533 = vector.broadcast %broadcast_in_dim3A_532 : f32 to vector<16xf32>
      %scan3A_534 = arith.constant 0 : i32
      %scan3A_535 = arith.constant 32 : i32
      %scan3A_536 = arith.addi %scan3A_534, %scan3A_535 : i32
      %scan3A_537 = arith.constant 2 : i32
      %scan3A_538:8 = scf.for %scan3A_748 = %scan3A_534 to %scan3A_536 step %scan3A_537 iter_args(%scan3A_749 = %broadcast_in_dim3A_533, %scan3A_750 = %broadcast_in_dim3A_533, %scan3A_751 = %broadcast_in_dim3A_533, %scan3A_752 = %broadcast_in_dim3A_533, %scan3A_753 = %broadcast_in_dim3A_533, %scan3A_754 = %broadcast_in_dim3A_533, %scan3A_755 = %broadcast_in_dim3A_533, %scan3A_756 = %broadcast_in_dim3A_533) -> (vector<16xf32>, vector<16xf32>, vector<16xf32>, vector<16xf32>, vector<16xf32>, vector<16xf32>, vector<16xf32>, vector<16xf32>)  : i32 {
        %mul3A_757 = arith.constant 128 : i32
        %mul3A_758 = arith.muli %scan3A_748, %mul3A_757 : i32
        %add3A_759 = arith.constant 12288 : i32
        %add3A_760 = arith.addi %add3A_759, %mul3A_758 : i32
        %add3A_761 = arith.constant 0 : i32
        %add3A_762 = arith.addi %add3A_760, %add3A_761 : i32
        %get3A = arith.index_cast %add3A_762 : i32 to index
        %get3A_763 = tpu.vector_load %arg5[%get3A] {strides = array<i32>} : memref<32768xf32, #tpu.memory_space<vmem>>, vector<16xf32>,
        %get3A_764 = vector.shape_cast %get3A_763 : vector<16xf32> to vector<16xf32>
        %add3A_765 = arith.addf %scan3A_749, %get3A_764 : vector<16xf32>
        %add3A_766 = arith.constant 16 : i32
        %add3A_767 = arith.addi %add3A_760, %add3A_766 : i32
        %get3A_768 = arith.index_cast %add3A_767 : i32 to index
        %get3A_769 = tpu.vector_load %arg5[%get3A_768] {strides = array<i32>} : memref<32768xf32, #tpu.memory_space<vmem>>, vector<16xf32>,
        %get3A_770 = vector.shape_cast %get3A_769 : vector<16xf32> to vector<16xf32>
        %add3A_771 = arith.addf %scan3A_750, %get3A_770 : vector<16xf32>
        %add3A_772 = arith.constant 32 : i32
        %add3A_773 = arith.addi %add3A_760, %add3A_772 : i32
        %get3A_774 = arith.index_cast %add3A_773 : i32 to index
        %get3A_775 = tpu.vector_load %arg5[%get3A_774] {strides = array<i32>} : memref<32768xf32, #tpu.memory_space<vmem>>, vector<16xf32>,
        %get3A_776 = vector.shape_cast %get3A_775 : vector<16xf32> to vector<16xf32>
        %add3A_777 = arith.addf %scan3A_751, %get3A_776 : vector<16xf32>
        %add3A_778 = arith.constant 48 : i32
        %add3A_779 = arith.addi %add3A_760, %add3A_778 : i32
        %get3A_780 = arith.index_cast %add3A_779 : i32 to index
        %get3A_781 = tpu.vector_load %arg5[%get3A_780] {strides = array<i32>} : memref<32768xf32, #tpu.memory_space<vmem>>, vector<16xf32>,
        %get3A_782 = vector.shape_cast %get3A_781 : vector<16xf32> to vector<16xf32>
        %add3A_783 = arith.addf %scan3A_752, %get3A_782 : vector<16xf32>
        %add3A_784 = arith.constant 64 : i32
        %add3A_785 = arith.addi %add3A_760, %add3A_784 : i32
        %get3A_786 = arith.index_cast %add3A_785 : i32 to index
        %get3A_787 = tpu.vector_load %arg5[%get3A_786] {strides = array<i32>} : memref<32768xf32, #tpu.memory_space<vmem>>, vector<16xf32>,
        %get3A_788 = vector.shape_cast %get3A_787 : vector<16xf32> to vector<16xf32>
        %add3A_789 = arith.addf %scan3A_753, %get3A_788 : vector<16xf32>
        %add3A_790 = arith.constant 80 : i32
        %add3A_791 = arith.addi %add3A_760, %add3A_790 : i32
        %get3A_792 = arith.index_cast %add3A_791 : i32 to index
        %get3A_793 = tpu.vector_load %arg5[%get3A_792] {strides = array<i32>} : memref<32768xf32, #tpu.memory_space<vmem>>, vector<16xf32>,
        %get3A_794 = vector.shape_cast %get3A_793 : vector<16xf32> to vector<16xf32>
        %add3A_795 = arith.addf %scan3A_754, %get3A_794 : vector<16xf32>
        %add3A_796 = arith.constant 96 : i32
        %add3A_797 = arith.addi %add3A_760, %add3A_796 : i32
        %get3A_798 = arith.index_cast %add3A_797 : i32 to index
        %get3A_799 = tpu.vector_load %arg5[%get3A_798] {strides = array<i32>} : memref<32768xf32, #tpu.memory_space<vmem>>, vector<16xf32>,
        %get3A_800 = vector.shape_cast %get3A_799 : vector<16xf32> to vector<16xf32>
        %add3A_801 = arith.addf %scan3A_755, %get3A_800 : vector<16xf32>
        %add3A_802 = arith.constant 112 : i32
        %add3A_803 = arith.addi %add3A_760, %add3A_802 : i32
        %get3A_804 = arith.index_cast %add3A_803 : i32 to index
        %get3A_805 = tpu.vector_load %arg5[%get3A_804] {strides = array<i32>} : memref<32768xf32, #tpu.memory_space<vmem>>, vector<16xf32>,
        %get3A_806 = vector.shape_cast %get3A_805 : vector<16xf32> to vector<16xf32>
        %add3A_807 = arith.addf %scan3A_756, %get3A_806 : vector<16xf32>
        %scan3A_808 = arith.constant 1 : i32
        %scan3A_809 = arith.addi %scan3A_748, %scan3A_808 : i32
        %mul3A_810 = arith.constant 128 : i32
        %mul3A_811 = arith.muli %scan3A_809, %mul3A_810 : i32
        %add3A_812 = arith.constant 12288 : i32
        %add3A_813 = arith.addi %add3A_812, %mul3A_811 : i32
        %add3A_814 = arith.constant 0 : i32
        %add3A_815 = arith.addi %add3A_813, %add3A_814 : i32
        %get3A_816 = arith.index_cast %add3A_815 : i32 to index
        %get3A_817 = tpu.vector_load %arg5[%get3A_816] {strides = array<i32>} : memref<32768xf32, #tpu.memory_space<vmem>>, vector<16xf32>,
        %get3A_818 = vector.shape_cast %get3A_817 : vector<16xf32> to vector<16xf32>
        %add3A_819 = arith.addf %add3A_765, %get3A_818 : vector<16xf32>
        %add3A_820 = arith.constant 16 : i32
        %add3A_821 = arith.addi %add3A_813, %add3A_820 : i32
        %get3A_822 = arith.index_cast %add3A_821 : i32 to index
        %get3A_823 = tpu.vector_load %arg5[%get3A_822] {strides = array<i32>} : memref<32768xf32, #tpu.memory_space<vmem>>, vector<16xf32>,
        %get3A_824 = vector.shape_cast %get3A_823 : vector<16xf32> to vector<16xf32>
        %add3A_825 = arith.addf %add3A_771, %get3A_824 : vector<16xf32>
        %add3A_826 = arith.constant 32 : i32
        %add3A_827 = arith.addi %add3A_813, %add3A_826 : i32
        %get3A_828 = arith.index_cast %add3A_827 : i32 to index
        %get3A_829 = tpu.vector_load %arg5[%get3A_828] {strides = array<i32>} : memref<32768xf32, #tpu.memory_space<vmem>>, vector<16xf32>,
        %get3A_830 = vector.shape_cast %get3A_829 : vector<16xf32> to vector<16xf32>
        %add3A_831 = arith.addf %add3A_777, %get3A_830 : vector<16xf32>
        %add3A_832 = arith.constant 48 : i32
        %add3A_833 = arith.addi %add3A_813, %add3A_832 : i32
        %get3A_834 = arith.index_cast %add3A_833 : i32 to index
        %get3A_835 = tpu.vector_load %arg5[%get3A_834] {strides = array<i32>} : memref<32768xf32, #tpu.memory_space<vmem>>, vector<16xf32>,
        %get3A_836 = vector.shape_cast %get3A_835 : vector<16xf32> to vector<16xf32>
        %add3A_837 = arith.addf %add3A_783, %get3A_836 : vector<16xf32>
        %add3A_838 = arith.constant 64 : i32
        %add3A_839 = arith.addi %add3A_813, %add3A_838 : i32
        %get3A_840 = arith.index_cast %add3A_839 : i32 to index
        %get3A_841 = tpu.vector_load %arg5[%get3A_840] {strides = array<i32>} : memref<32768xf32, #tpu.memory_space<vmem>>, vector<16xf32>,
        %get3A_842 = vector.shape_cast %get3A_841 : vector<16xf32> to vector<16xf32>
        %add3A_843 = arith.addf %add3A_789, %get3A_842 : vector<16xf32>
        %add3A_844 = arith.constant 80 : i32
        %add3A_845 = arith.addi %add3A_813, %add3A_844 : i32
        %get3A_846 = arith.index_cast %add3A_845 : i32 to index
        %get3A_847 = tpu.vector_load %arg5[%get3A_846] {strides = array<i32>} : memref<32768xf32, #tpu.memory_space<vmem>>, vector<16xf32>,
        %get3A_848 = vector.shape_cast %get3A_847 : vector<16xf32> to vector<16xf32>
        %add3A_849 = arith.addf %add3A_795, %get3A_848 : vector<16xf32>
        %add3A_850 = arith.constant 96 : i32
        %add3A_851 = arith.addi %add3A_813, %add3A_850 : i32
        %get3A_852 = arith.index_cast %add3A_851 : i32 to index
        %get3A_853 = tpu.vector_load %arg5[%get3A_852] {strides = array<i32>} : memref<32768xf32, #tpu.memory_space<vmem>>, vector<16xf32>,
        %get3A_854 = vector.shape_cast %get3A_853 : vector<16xf32> to vector<16xf32>
        %add3A_855 = arith.addf %add3A_801, %get3A_854 : vector<16xf32>
        %add3A_856 = arith.constant 112 : i32
        %add3A_857 = arith.addi %add3A_813, %add3A_856 : i32
        %get3A_858 = arith.index_cast %add3A_857 : i32 to index
        %get3A_859 = tpu.vector_load %arg5[%get3A_858] {strides = array<i32>} : memref<32768xf32, #tpu.memory_space<vmem>>, vector<16xf32>,
        %get3A_860 = vector.shape_cast %get3A_859 : vector<16xf32> to vector<16xf32>
        %add3A_861 = arith.addf %add3A_807, %get3A_860 : vector<16xf32>
        scf.yield %add3A_819, %add3A_825, %add3A_831, %add3A_837, %add3A_843, %add3A_849, %add3A_855, %add3A_861 : vector<16xf32>, vector<16xf32>, vector<16xf32>, vector<16xf32>, vector<16xf32>, vector<16xf32>, vector<16xf32>, vector<16xf32>
      }
      %scan3A_539 = arith.constant 32 : i32
      %swap3A_540 = arith.constant 384 : index
      %swap3A_541 = tpu.vector_load %arg7[%swap3A_540] {strides = array<i32>} : memref<1024xf32, #tpu.memory_space<vmem>>, vector<16xf32>,
      %swap3A_542 = vector.shape_cast %swap3A_541 : vector<16xf32> to vector<16xf32>
      %swap3A_543 = vector.shape_cast %scan3A_538#0 : vector<16xf32> to vector<16xf32>
      tpu.vector_store %arg7[%swap3A_540], %swap3A_543 {strides = array<i32>} : memref<1024xf32, #tpu.memory_space<vmem>>, vector<16xf32>,
      %swap3A_544 = arith.constant 400 : index
      %swap3A_545 = tpu.vector_load %arg7[%swap3A_544] {strides = array<i32>} : memref<1024xf32, #tpu.memory_space<vmem>>, vector<16xf32>,
      %swap3A_546 = vector.shape_cast %swap3A_545 : vector<16xf32> to vector<16xf32>
      %swap3A_547 = vector.shape_cast %scan3A_538#1 : vector<16xf32> to vector<16xf32>
      tpu.vector_store %arg7[%swap3A_544], %swap3A_547 {strides = array<i32>} : memref<1024xf32, #tpu.memory_space<vmem>>, vector<16xf32>,
      %swap3A_548 = arith.constant 416 : index
      %swap3A_549 = tpu.vector_load %arg7[%swap3A_548] {strides = array<i32>} : memref<1024xf32, #tpu.memory_space<vmem>>, vector<16xf32>,
      %swap3A_550 = vector.shape_cast %swap3A_549 : vector<16xf32> to vector<16xf32>
      %swap3A_551 = vector.shape_cast %scan3A_538#2 : vector<16xf32> to vector<16xf32>
      tpu.vector_store %arg7[%swap3A_548], %swap3A_551 {strides = array<i32>} : memref<1024xf32, #tpu.memory_space<vmem>>, vector<16xf32>,
      %swap3A_552 = arith.constant 432 : index
      %swap3A_553 = tpu.vector_load %arg7[%swap3A_552] {strides = array<i32>} : memref<1024xf32, #tpu.memory_space<vmem>>, vector<16xf32>,
      %swap3A_554 = vector.shape_cast %swap3A_553 : vector<16xf32> to vector<16xf32>
      %swap3A_555 = vector.shape_cast %scan3A_538#3 : vector<16xf32> to vector<16xf32>
      tpu.vector_store %arg7[%swap3A_552], %swap3A_555 {strides = array<i32>} : memref<1024xf32, #tpu.memory_space<vmem>>, vector<16xf32>,
      %swap3A_556 = arith.constant 448 : index
      %swap3A_557 = tpu.vector_load %arg7[%swap3A_556] {strides = array<i32>} : memref<1024xf32, #tpu.memory_space<vmem>>, vector<16xf32>,
      %swap3A_558 = vector.shape_cast %swap3A_557 : vector<16xf32> to vector<16xf32>
      %swap3A_559 = vector.shape_cast %scan3A_538#4 : vector<16xf32> to vector<16xf32>
      tpu.vector_store %arg7[%swap3A_556], %swap3A_559 {strides = array<i32>} : memref<1024xf32, #tpu.memory_space<vmem>>, vector<16xf32>,
      %swap3A_560 = arith.constant 464 : index
      %swap3A_561 = tpu.vector_load %arg7[%swap3A_560] {strides = array<i32>} : memref<1024xf32, #tpu.memory_space<vmem>>, vector<16xf32>,
      %swap3A_562 = vector.shape_cast %swap3A_561 : vector<16xf32> to vector<16xf32>
      %swap3A_563 = vector.shape_cast %scan3A_538#5 : vector<16xf32> to vector<16xf32>
      tpu.vector_store %arg7[%swap3A_560], %swap3A_563 {strides = array<i32>} : memref<1024xf32, #tpu.memory_space<vmem>>, vector<16xf32>,
      %swap3A_564 = arith.constant 480 : index
      %swap3A_565 = tpu.vector_load %arg7[%swap3A_564] {strides = array<i32>} : memref<1024xf32, #tpu.memory_space<vmem>>, vector<16xf32>,
      %swap3A_566 = vector.shape_cast %swap3A_565 : vector<16xf32> to vector<16xf32>
      %swap3A_567 = vector.shape_cast %scan3A_538#6 : vector<16xf32> to vector<16xf32>
      tpu.vector_store %arg7[%swap3A_564], %swap3A_567 {strides = array<i32>} : memref<1024xf32, #tpu.memory_space<vmem>>, vector<16xf32>,
      %swap3A_568 = arith.constant 496 : index
      %swap3A_569 = tpu.vector_load %arg7[%swap3A_568] {strides = array<i32>} : memref<1024xf32, #tpu.memory_space<vmem>>, vector<16xf32>,
      %swap3A_570 = vector.shape_cast %swap3A_569 : vector<16xf32> to vector<16xf32>
      %swap3A_571 = vector.shape_cast %scan3A_538#7 : vector<16xf32> to vector<16xf32>
      tpu.vector_store %arg7[%swap3A_568], %swap3A_571 {strides = array<i32>} : memref<1024xf32, #tpu.memory_space<vmem>>, vector<16xf32>,
      %broadcast_in_dim3A_572 = arith.constant 0.000000e+00 : f32
      %broadcast_in_dim3A_573 = vector.broadcast %broadcast_in_dim3A_572 : f32 to vector<16xf32>
      %scan3A_574 = arith.constant 0 : i32
      %scan3A_575 = arith.constant 32 : i32
      %scan3A_576 = arith.addi %scan3A_574, %scan3A_575 : i32
      %scan3A_577 = arith.constant 2 : i32
      %scan3A_578:8 = scf.for %scan3A_748 = %scan3A_574 to %scan3A_576 step %scan3A_577 iter_args(%scan3A_749 = %broadcast_in_dim3A_573, %scan3A_750 = %broadcast_in_dim3A_573, %scan3A_751 = %broadcast_in_dim3A_573, %scan3A_752 = %broadcast_in_dim3A_573, %scan3A_753 = %broadcast_in_dim3A_573, %scan3A_754 = %broadcast_in_dim3A_573, %scan3A_755 = %broadcast_in_dim3A_573, %scan3A_756 = %broadcast_in_dim3A_573) -> (vector<16xf32>, vector<16xf32>, vector<16xf32>, vector<16xf32>, vector<16xf32>, vector<16xf32>, vector<16xf32>, vector<16xf32>)  : i32 {
        %mul3A_757 = arith.constant 128 : i32
        %mul3A_758 = arith.muli %scan3A_748, %mul3A_757 : i32
        %add3A_759 = arith.constant 16384 : i32
        %add3A_760 = arith.addi %add3A_759, %mul3A_758 : i32
        %add3A_761 = arith.constant 0 : i32
        %add3A_762 = arith.addi %add3A_760, %add3A_761 : i32
        %get3A = arith.index_cast %add3A_762 : i32 to index
        %get3A_763 = tpu.vector_load %arg5[%get3A] {strides = array<i32>} : memref<32768xf32, #tpu.memory_space<vmem>>, vector<16xf32>,
        %get3A_764 = vector.shape_cast %get3A_763 : vector<16xf32> to vector<16xf32>
        %add3A_765 = arith.addf %scan3A_749, %get3A_764 : vector<16xf32>
        %add3A_766 = arith.constant 16 : i32
        %add3A_767 = arith.addi %add3A_760, %add3A_766 : i32
        %get3A_768 = arith.index_cast %add3A_767 : i32 to index
        %get3A_769 = tpu.vector_load %arg5[%get3A_768] {strides = array<i32>} : memref<32768xf32, #tpu.memory_space<vmem>>, vector<16xf32>,
        %get3A_770 = vector.shape_cast %get3A_769 : vector<16xf32> to vector<16xf32>
        %add3A_771 = arith.addf %scan3A_750, %get3A_770 : vector<16xf32>
        %add3A_772 = arith.constant 32 : i32
        %add3A_773 = arith.addi %add3A_760, %add3A_772 : i32
        %get3A_774 = arith.index_cast %add3A_773 : i32 to index
        %get3A_775 = tpu.vector_load %arg5[%get3A_774] {strides = array<i32>} : memref<32768xf32, #tpu.memory_space<vmem>>, vector<16xf32>,
        %get3A_776 = vector.shape_cast %get3A_775 : vector<16xf32> to vector<16xf32>
        %add3A_777 = arith.addf %scan3A_751, %get3A_776 : vector<16xf32>
        %add3A_778 = arith.constant 48 : i32
        %add3A_779 = arith.addi %add3A_760, %add3A_778 : i32
        %get3A_780 = arith.index_cast %add3A_779 : i32 to index
        %get3A_781 = tpu.vector_load %arg5[%get3A_780] {strides = array<i32>} : memref<32768xf32, #tpu.memory_space<vmem>>, vector<16xf32>,
        %get3A_782 = vector.shape_cast %get3A_781 : vector<16xf32> to vector<16xf32>
        %add3A_783 = arith.addf %scan3A_752, %get3A_782 : vector<16xf32>
        %add3A_784 = arith.constant 64 : i32
        %add3A_785 = arith.addi %add3A_760, %add3A_784 : i32
        %get3A_786 = arith.index_cast %add3A_785 : i32 to index
        %get3A_787 = tpu.vector_load %arg5[%get3A_786] {strides = array<i32>} : memref<32768xf32, #tpu.memory_space<vmem>>, vector<16xf32>,
        %get3A_788 = vector.shape_cast %get3A_787 : vector<16xf32> to vector<16xf32>
        %add3A_789 = arith.addf %scan3A_753, %get3A_788 : vector<16xf32>
        %add3A_790 = arith.constant 80 : i32
        %add3A_791 = arith.addi %add3A_760, %add3A_790 : i32
        %get3A_792 = arith.index_cast %add3A_791 : i32 to index
        %get3A_793 = tpu.vector_load %arg5[%get3A_792] {strides = array<i32>} : memref<32768xf32, #tpu.memory_space<vmem>>, vector<16xf32>,
        %get3A_794 = vector.shape_cast %get3A_793 : vector<16xf32> to vector<16xf32>
        %add3A_795 = arith.addf %scan3A_754, %get3A_794 : vector<16xf32>
        %add3A_796 = arith.constant 96 : i32
        %add3A_797 = arith.addi %add3A_760, %add3A_796 : i32
        %get3A_798 = arith.index_cast %add3A_797 : i32 to index
        %get3A_799 = tpu.vector_load %arg5[%get3A_798] {strides = array<i32>} : memref<32768xf32, #tpu.memory_space<vmem>>, vector<16xf32>,
        %get3A_800 = vector.shape_cast %get3A_799 : vector<16xf32> to vector<16xf32>
        %add3A_801 = arith.addf %scan3A_755, %get3A_800 : vector<16xf32>
        %add3A_802 = arith.constant 112 : i32
        %add3A_803 = arith.addi %add3A_760, %add3A_802 : i32
        %get3A_804 = arith.index_cast %add3A_803 : i32 to index
        %get3A_805 = tpu.vector_load %arg5[%get3A_804] {strides = array<i32>} : memref<32768xf32, #tpu.memory_space<vmem>>, vector<16xf32>,
        %get3A_806 = vector.shape_cast %get3A_805 : vector<16xf32> to vector<16xf32>
        %add3A_807 = arith.addf %scan3A_756, %get3A_806 : vector<16xf32>
        %scan3A_808 = arith.constant 1 : i32
        %scan3A_809 = arith.addi %scan3A_748, %scan3A_808 : i32
        %mul3A_810 = arith.constant 128 : i32
        %mul3A_811 = arith.muli %scan3A_809, %mul3A_810 : i32
        %add3A_812 = arith.constant 16384 : i32
        %add3A_813 = arith.addi %add3A_812, %mul3A_811 : i32
        %add3A_814 = arith.constant 0 : i32
        %add3A_815 = arith.addi %add3A_813, %add3A_814 : i32
        %get3A_816 = arith.index_cast %add3A_815 : i32 to index
        %get3A_817 = tpu.vector_load %arg5[%get3A_816] {strides = array<i32>} : memref<32768xf32, #tpu.memory_space<vmem>>, vector<16xf32>,
        %get3A_818 = vector.shape_cast %get3A_817 : vector<16xf32> to vector<16xf32>
        %add3A_819 = arith.addf %add3A_765, %get3A_818 : vector<16xf32>
        %add3A_820 = arith.constant 16 : i32
        %add3A_821 = arith.addi %add3A_813, %add3A_820 : i32
        %get3A_822 = arith.index_cast %add3A_821 : i32 to index
        %get3A_823 = tpu.vector_load %arg5[%get3A_822] {strides = array<i32>} : memref<32768xf32, #tpu.memory_space<vmem>>, vector<16xf32>,
        %get3A_824 = vector.shape_cast %get3A_823 : vector<16xf32> to vector<16xf32>
        %add3A_825 = arith.addf %add3A_771, %get3A_824 : vector<16xf32>
        %add3A_826 = arith.constant 32 : i32
        %add3A_827 = arith.addi %add3A_813, %add3A_826 : i32
        %get3A_828 = arith.index_cast %add3A_827 : i32 to index
        %get3A_829 = tpu.vector_load %arg5[%get3A_828] {strides = array<i32>} : memref<32768xf32, #tpu.memory_space<vmem>>, vector<16xf32>,
        %get3A_830 = vector.shape_cast %get3A_829 : vector<16xf32> to vector<16xf32>
        %add3A_831 = arith.addf %add3A_777, %get3A_830 : vector<16xf32>
        %add3A_832 = arith.constant 48 : i32
        %add3A_833 = arith.addi %add3A_813, %add3A_832 : i32
        %get3A_834 = arith.index_cast %add3A_833 : i32 to index
        %get3A_835 = tpu.vector_load %arg5[%get3A_834] {strides = array<i32>} : memref<32768xf32, #tpu.memory_space<vmem>>, vector<16xf32>,
        %get3A_836 = vector.shape_cast %get3A_835 : vector<16xf32> to vector<16xf32>
        %add3A_837 = arith.addf %add3A_783, %get3A_836 : vector<16xf32>
        %add3A_838 = arith.constant 64 : i32
        %add3A_839 = arith.addi %add3A_813, %add3A_838 : i32
        %get3A_840 = arith.index_cast %add3A_839 : i32 to index
        %get3A_841 = tpu.vector_load %arg5[%get3A_840] {strides = array<i32>} : memref<32768xf32, #tpu.memory_space<vmem>>, vector<16xf32>,
        %get3A_842 = vector.shape_cast %get3A_841 : vector<16xf32> to vector<16xf32>
        %add3A_843 = arith.addf %add3A_789, %get3A_842 : vector<16xf32>
        %add3A_844 = arith.constant 80 : i32
        %add3A_845 = arith.addi %add3A_813, %add3A_844 : i32
        %get3A_846 = arith.index_cast %add3A_845 : i32 to index
        %get3A_847 = tpu.vector_load %arg5[%get3A_846] {strides = array<i32>} : memref<32768xf32, #tpu.memory_space<vmem>>, vector<16xf32>,
        %get3A_848 = vector.shape_cast %get3A_847 : vector<16xf32> to vector<16xf32>
        %add3A_849 = arith.addf %add3A_795, %get3A_848 : vector<16xf32>
        %add3A_850 = arith.constant 96 : i32
        %add3A_851 = arith.addi %add3A_813, %add3A_850 : i32
        %get3A_852 = arith.index_cast %add3A_851 : i32 to index
        %get3A_853 = tpu.vector_load %arg5[%get3A_852] {strides = array<i32>} : memref<32768xf32, #tpu.memory_space<vmem>>, vector<16xf32>,
        %get3A_854 = vector.shape_cast %get3A_853 : vector<16xf32> to vector<16xf32>
        %add3A_855 = arith.addf %add3A_801, %get3A_854 : vector<16xf32>
        %add3A_856 = arith.constant 112 : i32
        %add3A_857 = arith.addi %add3A_813, %add3A_856 : i32
        %get3A_858 = arith.index_cast %add3A_857 : i32 to index
        %get3A_859 = tpu.vector_load %arg5[%get3A_858] {strides = array<i32>} : memref<32768xf32, #tpu.memory_space<vmem>>, vector<16xf32>,
        %get3A_860 = vector.shape_cast %get3A_859 : vector<16xf32> to vector<16xf32>
        %add3A_861 = arith.addf %add3A_807, %get3A_860 : vector<16xf32>
        scf.yield %add3A_819, %add3A_825, %add3A_831, %add3A_837, %add3A_843, %add3A_849, %add3A_855, %add3A_861 : vector<16xf32>, vector<16xf32>, vector<16xf32>, vector<16xf32>, vector<16xf32>, vector<16xf32>, vector<16xf32>, vector<16xf32>
      }
      %scan3A_579 = arith.constant 32 : i32
      %swap3A_580 = arith.constant 512 : index
      %swap3A_581 = tpu.vector_load %arg7[%swap3A_580] {strides = array<i32>} : memref<1024xf32, #tpu.memory_space<vmem>>, vector<16xf32>,
      %swap3A_582 = vector.shape_cast %swap3A_581 : vector<16xf32> to vector<16xf32>
      %swap3A_583 = vector.shape_cast %scan3A_578#0 : vector<16xf32> to vector<16xf32>
      tpu.vector_store %arg7[%swap3A_580], %swap3A_583 {strides = array<i32>} : memref<1024xf32, #tpu.memory_space<vmem>>, vector<16xf32>,
      %swap3A_584 = arith.constant 528 : index
      %swap3A_585 = tpu.vector_load %arg7[%swap3A_584] {strides = array<i32>} : memref<1024xf32, #tpu.memory_space<vmem>>, vector<16xf32>,
      %swap3A_586 = vector.shape_cast %swap3A_585 : vector<16xf32> to vector<16xf32>
      %swap3A_587 = vector.shape_cast %scan3A_578#1 : vector<16xf32> to vector<16xf32>
      tpu.vector_store %arg7[%swap3A_584], %swap3A_587 {strides = array<i32>} : memref<1024xf32, #tpu.memory_space<vmem>>, vector<16xf32>,
      %swap3A_588 = arith.constant 544 : index
      %swap3A_589 = tpu.vector_load %arg7[%swap3A_588] {strides = array<i32>} : memref<1024xf32, #tpu.memory_space<vmem>>, vector<16xf32>,
      %swap3A_590 = vector.shape_cast %swap3A_589 : vector<16xf32> to vector<16xf32>
      %swap3A_591 = vector.shape_cast %scan3A_578#2 : vector<16xf32> to vector<16xf32>
      tpu.vector_store %arg7[%swap3A_588], %swap3A_591 {strides = array<i32>} : memref<1024xf32, #tpu.memory_space<vmem>>, vector<16xf32>,
      %swap3A_592 = arith.constant 560 : index
      %swap3A_593 = tpu.vector_load %arg7[%swap3A_592] {strides = array<i32>} : memref<1024xf32, #tpu.memory_space<vmem>>, vector<16xf32>,
      %swap3A_594 = vector.shape_cast %swap3A_593 : vector<16xf32> to vector<16xf32>
      %swap3A_595 = vector.shape_cast %scan3A_578#3 : vector<16xf32> to vector<16xf32>
      tpu.vector_store %arg7[%swap3A_592], %swap3A_595 {strides = array<i32>} : memref<1024xf32, #tpu.memory_space<vmem>>, vector<16xf32>,
      %swap3A_596 = arith.constant 576 : index
      %swap3A_597 = tpu.vector_load %arg7[%swap3A_596] {strides = array<i32>} : memref<1024xf32, #tpu.memory_space<vmem>>, vector<16xf32>,
      %swap3A_598 = vector.shape_cast %swap3A_597 : vector<16xf32> to vector<16xf32>
      %swap3A_599 = vector.shape_cast %scan3A_578#4 : vector<16xf32> to vector<16xf32>
      tpu.vector_store %arg7[%swap3A_596], %swap3A_599 {strides = array<i32>} : memref<1024xf32, #tpu.memory_space<vmem>>, vector<16xf32>,
      %swap3A_600 = arith.constant 592 : index
      %swap3A_601 = tpu.vector_load %arg7[%swap3A_600] {strides = array<i32>} : memref<1024xf32, #tpu.memory_space<vmem>>, vector<16xf32>,
      %swap3A_602 = vector.shape_cast %swap3A_601 : vector<16xf32> to vector<16xf32>
      %swap3A_603 = vector.shape_cast %scan3A_578#5 : vector<16xf32> to vector<16xf32>
      tpu.vector_store %arg7[%swap3A_600], %swap3A_603 {strides = array<i32>} : memref<1024xf32, #tpu.memory_space<vmem>>, vector<16xf32>,
      %swap3A_604 = arith.constant 608 : index
      %swap3A_605 = tpu.vector_load %arg7[%swap3A_604] {strides = array<i32>} : memref<1024xf32, #tpu.memory_space<vmem>>, vector<16xf32>,
      %swap3A_606 = vector.shape_cast %swap3A_605 : vector<16xf32> to vector<16xf32>
      %swap3A_607 = vector.shape_cast %scan3A_578#6 : vector<16xf32> to vector<16xf32>
      tpu.vector_store %arg7[%swap3A_604], %swap3A_607 {strides = array<i32>} : memref<1024xf32, #tpu.memory_space<vmem>>, vector<16xf32>,
      %swap3A_608 = arith.constant 624 : index
      %swap3A_609 = tpu.vector_load %arg7[%swap3A_608] {strides = array<i32>} : memref<1024xf32, #tpu.memory_space<vmem>>, vector<16xf32>,
      %swap3A_610 = vector.shape_cast %swap3A_609 : vector<16xf32> to vector<16xf32>
      %swap3A_611 = vector.shape_cast %scan3A_578#7 : vector<16xf32> to vector<16xf32>
      tpu.vector_store %arg7[%swap3A_608], %swap3A_611 {strides = array<i32>} : memref<1024xf32, #tpu.memory_space<vmem>>, vector<16xf32>,
      %broadcast_in_dim3A_612 = arith.constant 0.000000e+00 : f32
      %broadcast_in_dim3A_613 = vector.broadcast %broadcast_in_dim3A_612 : f32 to vector<16xf32>
      %scan3A_614 = arith.constant 0 : i32
      %scan3A_615 = arith.constant 32 : i32
      %scan3A_616 = arith.addi %scan3A_614, %scan3A_615 : i32
      %scan3A_617 = arith.constant 2 : i32
      %scan3A_618:8 = scf.for %scan3A_748 = %scan3A_614 to %scan3A_616 step %scan3A_617 iter_args(%scan3A_749 = %broadcast_in_dim3A_613, %scan3A_750 = %broadcast_in_dim3A_613, %scan3A_751 = %broadcast_in_dim3A_613, %scan3A_752 = %broadcast_in_dim3A_613, %scan3A_753 = %broadcast_in_dim3A_613, %scan3A_754 = %broadcast_in_dim3A_613, %scan3A_755 = %broadcast_in_dim3A_613, %scan3A_756 = %broadcast_in_dim3A_613) -> (vector<16xf32>, vector<16xf32>, vector<16xf32>, vector<16xf32>, vector<16xf32>, vector<16xf32>, vector<16xf32>, vector<16xf32>)  : i32 {
        %mul3A_757 = arith.constant 128 : i32
        %mul3A_758 = arith.muli %scan3A_748, %mul3A_757 : i32
        %add3A_759 = arith.constant 20480 : i32
        %add3A_760 = arith.addi %add3A_759, %mul3A_758 : i32
        %add3A_761 = arith.constant 0 : i32
        %add3A_762 = arith.addi %add3A_760, %add3A_761 : i32
        %get3A = arith.index_cast %add3A_762 : i32 to index
        %get3A_763 = tpu.vector_load %arg5[%get3A] {strides = array<i32>} : memref<32768xf32, #tpu.memory_space<vmem>>, vector<16xf32>,
        %get3A_764 = vector.shape_cast %get3A_763 : vector<16xf32> to vector<16xf32>
        %add3A_765 = arith.addf %scan3A_749, %get3A_764 : vector<16xf32>
        %add3A_766 = arith.constant 16 : i32
        %add3A_767 = arith.addi %add3A_760, %add3A_766 : i32
        %get3A_768 = arith.index_cast %add3A_767 : i32 to index
        %get3A_769 = tpu.vector_load %arg5[%get3A_768] {strides = array<i32>} : memref<32768xf32, #tpu.memory_space<vmem>>, vector<16xf32>,
        %get3A_770 = vector.shape_cast %get3A_769 : vector<16xf32> to vector<16xf32>
        %add3A_771 = arith.addf %scan3A_750, %get3A_770 : vector<16xf32>
        %add3A_772 = arith.constant 32 : i32
        %add3A_773 = arith.addi %add3A_760, %add3A_772 : i32
        %get3A_774 = arith.index_cast %add3A_773 : i32 to index
        %get3A_775 = tpu.vector_load %arg5[%get3A_774] {strides = array<i32>} : memref<32768xf32, #tpu.memory_space<vmem>>, vector<16xf32>,
        %get3A_776 = vector.shape_cast %get3A_775 : vector<16xf32> to vector<16xf32>
        %add3A_777 = arith.addf %scan3A_751, %get3A_776 : vector<16xf32>
        %add3A_778 = arith.constant 48 : i32
        %add3A_779 = arith.addi %add3A_760, %add3A_778 : i32
        %get3A_780 = arith.index_cast %add3A_779 : i32 to index
        %get3A_781 = tpu.vector_load %arg5[%get3A_780] {strides = array<i32>} : memref<32768xf32, #tpu.memory_space<vmem>>, vector<16xf32>,
        %get3A_782 = vector.shape_cast %get3A_781 : vector<16xf32> to vector<16xf32>
        %add3A_783 = arith.addf %scan3A_752, %get3A_782 : vector<16xf32>
        %add3A_784 = arith.constant 64 : i32
        %add3A_785 = arith.addi %add3A_760, %add3A_784 : i32
        %get3A_786 = arith.index_cast %add3A_785 : i32 to index
        %get3A_787 = tpu.vector_load %arg5[%get3A_786] {strides = array<i32>} : memref<32768xf32, #tpu.memory_space<vmem>>, vector<16xf32>,
        %get3A_788 = vector.shape_cast %get3A_787 : vector<16xf32> to vector<16xf32>
        %add3A_789 = arith.addf %scan3A_753, %get3A_788 : vector<16xf32>
        %add3A_790 = arith.constant 80 : i32
        %add3A_791 = arith.addi %add3A_760, %add3A_790 : i32
        %get3A_792 = arith.index_cast %add3A_791 : i32 to index
        %get3A_793 = tpu.vector_load %arg5[%get3A_792] {strides = array<i32>} : memref<32768xf32, #tpu.memory_space<vmem>>, vector<16xf32>,
        %get3A_794 = vector.shape_cast %get3A_793 : vector<16xf32> to vector<16xf32>
        %add3A_795 = arith.addf %scan3A_754, %get3A_794 : vector<16xf32>
        %add3A_796 = arith.constant 96 : i32
        %add3A_797 = arith.addi %add3A_760, %add3A_796 : i32
        %get3A_798 = arith.index_cast %add3A_797 : i32 to index
        %get3A_799 = tpu.vector_load %arg5[%get3A_798] {strides = array<i32>} : memref<32768xf32, #tpu.memory_space<vmem>>, vector<16xf32>,
        %get3A_800 = vector.shape_cast %get3A_799 : vector<16xf32> to vector<16xf32>
        %add3A_801 = arith.addf %scan3A_755, %get3A_800 : vector<16xf32>
        %add3A_802 = arith.constant 112 : i32
        %add3A_803 = arith.addi %add3A_760, %add3A_802 : i32
        %get3A_804 = arith.index_cast %add3A_803 : i32 to index
        %get3A_805 = tpu.vector_load %arg5[%get3A_804] {strides = array<i32>} : memref<32768xf32, #tpu.memory_space<vmem>>, vector<16xf32>,
        %get3A_806 = vector.shape_cast %get3A_805 : vector<16xf32> to vector<16xf32>
        %add3A_807 = arith.addf %scan3A_756, %get3A_806 : vector<16xf32>
        %scan3A_808 = arith.constant 1 : i32
        %scan3A_809 = arith.addi %scan3A_748, %scan3A_808 : i32
        %mul3A_810 = arith.constant 128 : i32
        %mul3A_811 = arith.muli %scan3A_809, %mul3A_810 : i32
        %add3A_812 = arith.constant 20480 : i32
        %add3A_813 = arith.addi %add3A_812, %mul3A_811 : i32
        %add3A_814 = arith.constant 0 : i32
        %add3A_815 = arith.addi %add3A_813, %add3A_814 : i32
        %get3A_816 = arith.index_cast %add3A_815 : i32 to index
        %get3A_817 = tpu.vector_load %arg5[%get3A_816] {strides = array<i32>} : memref<32768xf32, #tpu.memory_space<vmem>>, vector<16xf32>,
        %get3A_818 = vector.shape_cast %get3A_817 : vector<16xf32> to vector<16xf32>
        %add3A_819 = arith.addf %add3A_765, %get3A_818 : vector<16xf32>
        %add3A_820 = arith.constant 16 : i32
        %add3A_821 = arith.addi %add3A_813, %add3A_820 : i32
        %get3A_822 = arith.index_cast %add3A_821 : i32 to index
        %get3A_823 = tpu.vector_load %arg5[%get3A_822] {strides = array<i32>} : memref<32768xf32, #tpu.memory_space<vmem>>, vector<16xf32>,
        %get3A_824 = vector.shape_cast %get3A_823 : vector<16xf32> to vector<16xf32>
        %add3A_825 = arith.addf %add3A_771, %get3A_824 : vector<16xf32>
        %add3A_826 = arith.constant 32 : i32
        %add3A_827 = arith.addi %add3A_813, %add3A_826 : i32
        %get3A_828 = arith.index_cast %add3A_827 : i32 to index
        %get3A_829 = tpu.vector_load %arg5[%get3A_828] {strides = array<i32>} : memref<32768xf32, #tpu.memory_space<vmem>>, vector<16xf32>,
        %get3A_830 = vector.shape_cast %get3A_829 : vector<16xf32> to vector<16xf32>
        %add3A_831 = arith.addf %add3A_777, %get3A_830 : vector<16xf32>
        %add3A_832 = arith.constant 48 : i32
        %add3A_833 = arith.addi %add3A_813, %add3A_832 : i32
        %get3A_834 = arith.index_cast %add3A_833 : i32 to index
        %get3A_835 = tpu.vector_load %arg5[%get3A_834] {strides = array<i32>} : memref<32768xf32, #tpu.memory_space<vmem>>, vector<16xf32>,
        %get3A_836 = vector.shape_cast %get3A_835 : vector<16xf32> to vector<16xf32>
        %add3A_837 = arith.addf %add3A_783, %get3A_836 : vector<16xf32>
        %add3A_838 = arith.constant 64 : i32
        %add3A_839 = arith.addi %add3A_813, %add3A_838 : i32
        %get3A_840 = arith.index_cast %add3A_839 : i32 to index
        %get3A_841 = tpu.vector_load %arg5[%get3A_840] {strides = array<i32>} : memref<32768xf32, #tpu.memory_space<vmem>>, vector<16xf32>,
        %get3A_842 = vector.shape_cast %get3A_841 : vector<16xf32> to vector<16xf32>
        %add3A_843 = arith.addf %add3A_789, %get3A_842 : vector<16xf32>
        %add3A_844 = arith.constant 80 : i32
        %add3A_845 = arith.addi %add3A_813, %add3A_844 : i32
        %get3A_846 = arith.index_cast %add3A_845 : i32 to index
        %get3A_847 = tpu.vector_load %arg5[%get3A_846] {strides = array<i32>} : memref<32768xf32, #tpu.memory_space<vmem>>, vector<16xf32>,
        %get3A_848 = vector.shape_cast %get3A_847 : vector<16xf32> to vector<16xf32>
        %add3A_849 = arith.addf %add3A_795, %get3A_848 : vector<16xf32>
        %add3A_850 = arith.constant 96 : i32
        %add3A_851 = arith.addi %add3A_813, %add3A_850 : i32
        %get3A_852 = arith.index_cast %add3A_851 : i32 to index
        %get3A_853 = tpu.vector_load %arg5[%get3A_852] {strides = array<i32>} : memref<32768xf32, #tpu.memory_space<vmem>>, vector<16xf32>,
        %get3A_854 = vector.shape_cast %get3A_853 : vector<16xf32> to vector<16xf32>
        %add3A_855 = arith.addf %add3A_801, %get3A_854 : vector<16xf32>
        %add3A_856 = arith.constant 112 : i32
        %add3A_857 = arith.addi %add3A_813, %add3A_856 : i32
        %get3A_858 = arith.index_cast %add3A_857 : i32 to index
        %get3A_859 = tpu.vector_load %arg5[%get3A_858] {strides = array<i32>} : memref<32768xf32, #tpu.memory_space<vmem>>, vector<16xf32>,
        %get3A_860 = vector.shape_cast %get3A_859 : vector<16xf32> to vector<16xf32>
        %add3A_861 = arith.addf %add3A_807, %get3A_860 : vector<16xf32>
        scf.yield %add3A_819, %add3A_825, %add3A_831, %add3A_837, %add3A_843, %add3A_849, %add3A_855, %add3A_861 : vector<16xf32>, vector<16xf32>, vector<16xf32>, vector<16xf32>, vector<16xf32>, vector<16xf32>, vector<16xf32>, vector<16xf32>
      }
      %scan3A_619 = arith.constant 32 : i32
      %swap3A_620 = arith.constant 640 : index
      %swap3A_621 = tpu.vector_load %arg7[%swap3A_620] {strides = array<i32>} : memref<1024xf32, #tpu.memory_space<vmem>>, vector<16xf32>,
      %swap3A_622 = vector.shape_cast %swap3A_621 : vector<16xf32> to vector<16xf32>
      %swap3A_623 = vector.shape_cast %scan3A_618#0 : vector<16xf32> to vector<16xf32>
      tpu.vector_store %arg7[%swap3A_620], %swap3A_623 {strides = array<i32>} : memref<1024xf32, #tpu.memory_space<vmem>>, vector<16xf32>,
      %swap3A_624 = arith.constant 656 : index
      %swap3A_625 = tpu.vector_load %arg7[%swap3A_624] {strides = array<i32>} : memref<1024xf32, #tpu.memory_space<vmem>>, vector<16xf32>,
      %swap3A_626 = vector.shape_cast %swap3A_625 : vector<16xf32> to vector<16xf32>
      %swap3A_627 = vector.shape_cast %scan3A_618#1 : vector<16xf32> to vector<16xf32>
      tpu.vector_store %arg7[%swap3A_624], %swap3A_627 {strides = array<i32>} : memref<1024xf32, #tpu.memory_space<vmem>>, vector<16xf32>,
      %swap3A_628 = arith.constant 672 : index
      %swap3A_629 = tpu.vector_load %arg7[%swap3A_628] {strides = array<i32>} : memref<1024xf32, #tpu.memory_space<vmem>>, vector<16xf32>,
      %swap3A_630 = vector.shape_cast %swap3A_629 : vector<16xf32> to vector<16xf32>
      %swap3A_631 = vector.shape_cast %scan3A_618#2 : vector<16xf32> to vector<16xf32>
      tpu.vector_store %arg7[%swap3A_628], %swap3A_631 {strides = array<i32>} : memref<1024xf32, #tpu.memory_space<vmem>>, vector<16xf32>,
      %swap3A_632 = arith.constant 688 : index
      %swap3A_633 = tpu.vector_load %arg7[%swap3A_632] {strides = array<i32>} : memref<1024xf32, #tpu.memory_space<vmem>>, vector<16xf32>,
      %swap3A_634 = vector.shape_cast %swap3A_633 : vector<16xf32> to vector<16xf32>
      %swap3A_635 = vector.shape_cast %scan3A_618#3 : vector<16xf32> to vector<16xf32>
      tpu.vector_store %arg7[%swap3A_632], %swap3A_635 {strides = array<i32>} : memref<1024xf32, #tpu.memory_space<vmem>>, vector<16xf32>,
      %swap3A_636 = arith.constant 704 : index
      %swap3A_637 = tpu.vector_load %arg7[%swap3A_636] {strides = array<i32>} : memref<1024xf32, #tpu.memory_space<vmem>>, vector<16xf32>,
      %swap3A_638 = vector.shape_cast %swap3A_637 : vector<16xf32> to vector<16xf32>
      %swap3A_639 = vector.shape_cast %scan3A_618#4 : vector<16xf32> to vector<16xf32>
      tpu.vector_store %arg7[%swap3A_636], %swap3A_639 {strides = array<i32>} : memref<1024xf32, #tpu.memory_space<vmem>>, vector<16xf32>,
      %swap3A_640 = arith.constant 720 : index
      %swap3A_641 = tpu.vector_load %arg7[%swap3A_640] {strides = array<i32>} : memref<1024xf32, #tpu.memory_space<vmem>>, vector<16xf32>,
      %swap3A_642 = vector.shape_cast %swap3A_641 : vector<16xf32> to vector<16xf32>
      %swap3A_643 = vector.shape_cast %scan3A_618#5 : vector<16xf32> to vector<16xf32>
      tpu.vector_store %arg7[%swap3A_640], %swap3A_643 {strides = array<i32>} : memref<1024xf32, #tpu.memory_space<vmem>>, vector<16xf32>,
      %swap3A_644 = arith.constant 736 : index
      %swap3A_645 = tpu.vector_load %arg7[%swap3A_644] {strides = array<i32>} : memref<1024xf32, #tpu.memory_space<vmem>>, vector<16xf32>,
      %swap3A_646 = vector.shape_cast %swap3A_645 : vector<16xf32> to vector<16xf32>
      %swap3A_647 = vector.shape_cast %scan3A_618#6 : vector<16xf32> to vector<16xf32>
      tpu.vector_store %arg7[%swap3A_644], %swap3A_647 {strides = array<i32>} : memref<1024xf32, #tpu.memory_space<vmem>>, vector<16xf32>,
      %swap3A_648 = arith.constant 752 : index
      %swap3A_649 = tpu.vector_load %arg7[%swap3A_648] {strides = array<i32>} : memref<1024xf32, #tpu.memory_space<vmem>>, vector<16xf32>,
      %swap3A_650 = vector.shape_cast %swap3A_649 : vector<16xf32> to vector<16xf32>
      %swap3A_651 = vector.shape_cast %scan3A_618#7 : vector<16xf32> to vector<16xf32>
      tpu.vector_store %arg7[%swap3A_648], %swap3A_651 {strides = array<i32>} : memref<1024xf32, #tpu.memory_space<vmem>>, vector<16xf32>,
      %broadcast_in_dim3A_652 = arith.constant 0.000000e+00 : f32
      %broadcast_in_dim3A_653 = vector.broadcast %broadcast_in_dim3A_652 : f32 to vector<16xf32>
      %scan3A_654 = arith.constant 0 : i32
      %scan3A_655 = arith.constant 32 : i32
      %scan3A_656 = arith.addi %scan3A_654, %scan3A_655 : i32
      %scan3A_657 = arith.constant 2 : i32
      %scan3A_658:8 = scf.for %scan3A_748 = %scan3A_654 to %scan3A_656 step %scan3A_657 iter_args(%scan3A_749 = %broadcast_in_dim3A_653, %scan3A_750 = %broadcast_in_dim3A_653, %scan3A_751 = %broadcast_in_dim3A_653, %scan3A_752 = %broadcast_in_dim3A_653, %scan3A_753 = %broadcast_in_dim3A_653, %scan3A_754 = %broadcast_in_dim3A_653, %scan3A_755 = %broadcast_in_dim3A_653, %scan3A_756 = %broadcast_in_dim3A_653) -> (vector<16xf32>, vector<16xf32>, vector<16xf32>, vector<16xf32>, vector<16xf32>, vector<16xf32>, vector<16xf32>, vector<16xf32>)  : i32 {
        %mul3A_757 = arith.constant 128 : i32
        %mul3A_758 = arith.muli %scan3A_748, %mul3A_757 : i32
        %add3A_759 = arith.constant 24576 : i32
        %add3A_760 = arith.addi %add3A_759, %mul3A_758 : i32
        %add3A_761 = arith.constant 0 : i32
        %add3A_762 = arith.addi %add3A_760, %add3A_761 : i32
        %get3A = arith.index_cast %add3A_762 : i32 to index
        %get3A_763 = tpu.vector_load %arg5[%get3A] {strides = array<i32>} : memref<32768xf32, #tpu.memory_space<vmem>>, vector<16xf32>,
        %get3A_764 = vector.shape_cast %get3A_763 : vector<16xf32> to vector<16xf32>
        %add3A_765 = arith.addf %scan3A_749, %get3A_764 : vector<16xf32>
        %add3A_766 = arith.constant 16 : i32
        %add3A_767 = arith.addi %add3A_760, %add3A_766 : i32
        %get3A_768 = arith.index_cast %add3A_767 : i32 to index
        %get3A_769 = tpu.vector_load %arg5[%get3A_768] {strides = array<i32>} : memref<32768xf32, #tpu.memory_space<vmem>>, vector<16xf32>,
        %get3A_770 = vector.shape_cast %get3A_769 : vector<16xf32> to vector<16xf32>
        %add3A_771 = arith.addf %scan3A_750, %get3A_770 : vector<16xf32>
        %add3A_772 = arith.constant 32 : i32
        %add3A_773 = arith.addi %add3A_760, %add3A_772 : i32
        %get3A_774 = arith.index_cast %add3A_773 : i32 to index
        %get3A_775 = tpu.vector_load %arg5[%get3A_774] {strides = array<i32>} : memref<32768xf32, #tpu.memory_space<vmem>>, vector<16xf32>,
        %get3A_776 = vector.shape_cast %get3A_775 : vector<16xf32> to vector<16xf32>
        %add3A_777 = arith.addf %scan3A_751, %get3A_776 : vector<16xf32>
        %add3A_778 = arith.constant 48 : i32
        %add3A_779 = arith.addi %add3A_760, %add3A_778 : i32
        %get3A_780 = arith.index_cast %add3A_779 : i32 to index
        %get3A_781 = tpu.vector_load %arg5[%get3A_780] {strides = array<i32>} : memref<32768xf32, #tpu.memory_space<vmem>>, vector<16xf32>,
        %get3A_782 = vector.shape_cast %get3A_781 : vector<16xf32> to vector<16xf32>
        %add3A_783 = arith.addf %scan3A_752, %get3A_782 : vector<16xf32>
        %add3A_784 = arith.constant 64 : i32
        %add3A_785 = arith.addi %add3A_760, %add3A_784 : i32
        %get3A_786 = arith.index_cast %add3A_785 : i32 to index
        %get3A_787 = tpu.vector_load %arg5[%get3A_786] {strides = array<i32>} : memref<32768xf32, #tpu.memory_space<vmem>>, vector<16xf32>,
        %get3A_788 = vector.shape_cast %get3A_787 : vector<16xf32> to vector<16xf32>
        %add3A_789 = arith.addf %scan3A_753, %get3A_788 : vector<16xf32>
        %add3A_790 = arith.constant 80 : i32
        %add3A_791 = arith.addi %add3A_760, %add3A_790 : i32
        %get3A_792 = arith.index_cast %add3A_791 : i32 to index
        %get3A_793 = tpu.vector_load %arg5[%get3A_792] {strides = array<i32>} : memref<32768xf32, #tpu.memory_space<vmem>>, vector<16xf32>,
        %get3A_794 = vector.shape_cast %get3A_793 : vector<16xf32> to vector<16xf32>
        %add3A_795 = arith.addf %scan3A_754, %get3A_794 : vector<16xf32>
        %add3A_796 = arith.constant 96 : i32
        %add3A_797 = arith.addi %add3A_760, %add3A_796 : i32
        %get3A_798 = arith.index_cast %add3A_797 : i32 to index
        %get3A_799 = tpu.vector_load %arg5[%get3A_798] {strides = array<i32>} : memref<32768xf32, #tpu.memory_space<vmem>>, vector<16xf32>,
        %get3A_800 = vector.shape_cast %get3A_799 : vector<16xf32> to vector<16xf32>
        %add3A_801 = arith.addf %scan3A_755, %get3A_800 : vector<16xf32>
        %add3A_802 = arith.constant 112 : i32
        %add3A_803 = arith.addi %add3A_760, %add3A_802 : i32
        %get3A_804 = arith.index_cast %add3A_803 : i32 to index
        %get3A_805 = tpu.vector_load %arg5[%get3A_804] {strides = array<i32>} : memref<32768xf32, #tpu.memory_space<vmem>>, vector<16xf32>,
        %get3A_806 = vector.shape_cast %get3A_805 : vector<16xf32> to vector<16xf32>
        %add3A_807 = arith.addf %scan3A_756, %get3A_806 : vector<16xf32>
        %scan3A_808 = arith.constant 1 : i32
        %scan3A_809 = arith.addi %scan3A_748, %scan3A_808 : i32
        %mul3A_810 = arith.constant 128 : i32
        %mul3A_811 = arith.muli %scan3A_809, %mul3A_810 : i32
        %add3A_812 = arith.constant 24576 : i32
        %add3A_813 = arith.addi %add3A_812, %mul3A_811 : i32
        %add3A_814 = arith.constant 0 : i32
        %add3A_815 = arith.addi %add3A_813, %add3A_814 : i32
        %get3A_816 = arith.index_cast %add3A_815 : i32 to index
        %get3A_817 = tpu.vector_load %arg5[%get3A_816] {strides = array<i32>} : memref<32768xf32, #tpu.memory_space<vmem>>, vector<16xf32>,
        %get3A_818 = vector.shape_cast %get3A_817 : vector<16xf32> to vector<16xf32>
        %add3A_819 = arith.addf %add3A_765, %get3A_818 : vector<16xf32>
        %add3A_820 = arith.constant 16 : i32
        %add3A_821 = arith.addi %add3A_813, %add3A_820 : i32
        %get3A_822 = arith.index_cast %add3A_821 : i32 to index
        %get3A_823 = tpu.vector_load %arg5[%get3A_822] {strides = array<i32>} : memref<32768xf32, #tpu.memory_space<vmem>>, vector<16xf32>,
        %get3A_824 = vector.shape_cast %get3A_823 : vector<16xf32> to vector<16xf32>
        %add3A_825 = arith.addf %add3A_771, %get3A_824 : vector<16xf32>
        %add3A_826 = arith.constant 32 : i32
        %add3A_827 = arith.addi %add3A_813, %add3A_826 : i32
        %get3A_828 = arith.index_cast %add3A_827 : i32 to index
        %get3A_829 = tpu.vector_load %arg5[%get3A_828] {strides = array<i32>} : memref<32768xf32, #tpu.memory_space<vmem>>, vector<16xf32>,
        %get3A_830 = vector.shape_cast %get3A_829 : vector<16xf32> to vector<16xf32>
        %add3A_831 = arith.addf %add3A_777, %get3A_830 : vector<16xf32>
        %add3A_832 = arith.constant 48 : i32
        %add3A_833 = arith.addi %add3A_813, %add3A_832 : i32
        %get3A_834 = arith.index_cast %add3A_833 : i32 to index
        %get3A_835 = tpu.vector_load %arg5[%get3A_834] {strides = array<i32>} : memref<32768xf32, #tpu.memory_space<vmem>>, vector<16xf32>,
        %get3A_836 = vector.shape_cast %get3A_835 : vector<16xf32> to vector<16xf32>
        %add3A_837 = arith.addf %add3A_783, %get3A_836 : vector<16xf32>
        %add3A_838 = arith.constant 64 : i32
        %add3A_839 = arith.addi %add3A_813, %add3A_838 : i32
        %get3A_840 = arith.index_cast %add3A_839 : i32 to index
        %get3A_841 = tpu.vector_load %arg5[%get3A_840] {strides = array<i32>} : memref<32768xf32, #tpu.memory_space<vmem>>, vector<16xf32>,
        %get3A_842 = vector.shape_cast %get3A_841 : vector<16xf32> to vector<16xf32>
        %add3A_843 = arith.addf %add3A_789, %get3A_842 : vector<16xf32>
        %add3A_844 = arith.constant 80 : i32
        %add3A_845 = arith.addi %add3A_813, %add3A_844 : i32
        %get3A_846 = arith.index_cast %add3A_845 : i32 to index
        %get3A_847 = tpu.vector_load %arg5[%get3A_846] {strides = array<i32>} : memref<32768xf32, #tpu.memory_space<vmem>>, vector<16xf32>,
        %get3A_848 = vector.shape_cast %get3A_847 : vector<16xf32> to vector<16xf32>
        %add3A_849 = arith.addf %add3A_795, %get3A_848 : vector<16xf32>
        %add3A_850 = arith.constant 96 : i32
        %add3A_851 = arith.addi %add3A_813, %add3A_850 : i32
        %get3A_852 = arith.index_cast %add3A_851 : i32 to index
        %get3A_853 = tpu.vector_load %arg5[%get3A_852] {strides = array<i32>} : memref<32768xf32, #tpu.memory_space<vmem>>, vector<16xf32>,
        %get3A_854 = vector.shape_cast %get3A_853 : vector<16xf32> to vector<16xf32>
        %add3A_855 = arith.addf %add3A_801, %get3A_854 : vector<16xf32>
        %add3A_856 = arith.constant 112 : i32
        %add3A_857 = arith.addi %add3A_813, %add3A_856 : i32
        %get3A_858 = arith.index_cast %add3A_857 : i32 to index
        %get3A_859 = tpu.vector_load %arg5[%get3A_858] {strides = array<i32>} : memref<32768xf32, #tpu.memory_space<vmem>>, vector<16xf32>,
        %get3A_860 = vector.shape_cast %get3A_859 : vector<16xf32> to vector<16xf32>
        %add3A_861 = arith.addf %add3A_807, %get3A_860 : vector<16xf32>
        scf.yield %add3A_819, %add3A_825, %add3A_831, %add3A_837, %add3A_843, %add3A_849, %add3A_855, %add3A_861 : vector<16xf32>, vector<16xf32>, vector<16xf32>, vector<16xf32>, vector<16xf32>, vector<16xf32>, vector<16xf32>, vector<16xf32>
      }
      %scan3A_659 = arith.constant 32 : i32
      %swap3A_660 = arith.constant 768 : index
      %swap3A_661 = tpu.vector_load %arg7[%swap3A_660] {strides = array<i32>} : memref<1024xf32, #tpu.memory_space<vmem>>, vector<16xf32>,
      %swap3A_662 = vector.shape_cast %swap3A_661 : vector<16xf32> to vector<16xf32>
      %swap3A_663 = vector.shape_cast %scan3A_658#0 : vector<16xf32> to vector<16xf32>
      tpu.vector_store %arg7[%swap3A_660], %swap3A_663 {strides = array<i32>} : memref<1024xf32, #tpu.memory_space<vmem>>, vector<16xf32>,
      %swap3A_664 = arith.constant 784 : index
      %swap3A_665 = tpu.vector_load %arg7[%swap3A_664] {strides = array<i32>} : memref<1024xf32, #tpu.memory_space<vmem>>, vector<16xf32>,
      %swap3A_666 = vector.shape_cast %swap3A_665 : vector<16xf32> to vector<16xf32>
      %swap3A_667 = vector.shape_cast %scan3A_658#1 : vector<16xf32> to vector<16xf32>
      tpu.vector_store %arg7[%swap3A_664], %swap3A_667 {strides = array<i32>} : memref<1024xf32, #tpu.memory_space<vmem>>, vector<16xf32>,
      %swap3A_668 = arith.constant 800 : index
      %swap3A_669 = tpu.vector_load %arg7[%swap3A_668] {strides = array<i32>} : memref<1024xf32, #tpu.memory_space<vmem>>, vector<16xf32>,
      %swap3A_670 = vector.shape_cast %swap3A_669 : vector<16xf32> to vector<16xf32>
      %swap3A_671 = vector.shape_cast %scan3A_658#2 : vector<16xf32> to vector<16xf32>
      tpu.vector_store %arg7[%swap3A_668], %swap3A_671 {strides = array<i32>} : memref<1024xf32, #tpu.memory_space<vmem>>, vector<16xf32>,
      %swap3A_672 = arith.constant 816 : index
      %swap3A_673 = tpu.vector_load %arg7[%swap3A_672] {strides = array<i32>} : memref<1024xf32, #tpu.memory_space<vmem>>, vector<16xf32>,
      %swap3A_674 = vector.shape_cast %swap3A_673 : vector<16xf32> to vector<16xf32>
      %swap3A_675 = vector.shape_cast %scan3A_658#3 : vector<16xf32> to vector<16xf32>
      tpu.vector_store %arg7[%swap3A_672], %swap3A_675 {strides = array<i32>} : memref<1024xf32, #tpu.memory_space<vmem>>, vector<16xf32>,
      %swap3A_676 = arith.constant 832 : index
      %swap3A_677 = tpu.vector_load %arg7[%swap3A_676] {strides = array<i32>} : memref<1024xf32, #tpu.memory_space<vmem>>, vector<16xf32>,
      %swap3A_678 = vector.shape_cast %swap3A_677 : vector<16xf32> to vector<16xf32>
      %swap3A_679 = vector.shape_cast %scan3A_658#4 : vector<16xf32> to vector<16xf32>
      tpu.vector_store %arg7[%swap3A_676], %swap3A_679 {strides = array<i32>} : memref<1024xf32, #tpu.memory_space<vmem>>, vector<16xf32>,
      %swap3A_680 = arith.constant 848 : index
      %swap3A_681 = tpu.vector_load %arg7[%swap3A_680] {strides = array<i32>} : memref<1024xf32, #tpu.memory_space<vmem>>, vector<16xf32>,
      %swap3A_682 = vector.shape_cast %swap3A_681 : vector<16xf32> to vector<16xf32>
      %swap3A_683 = vector.shape_cast %scan3A_658#5 : vector<16xf32> to vector<16xf32>
      tpu.vector_store %arg7[%swap3A_680], %swap3A_683 {strides = array<i32>} : memref<1024xf32, #tpu.memory_space<vmem>>, vector<16xf32>,
      %swap3A_684 = arith.constant 864 : index
      %swap3A_685 = tpu.vector_load %arg7[%swap3A_684] {strides = array<i32>} : memref<1024xf32, #tpu.memory_space<vmem>>, vector<16xf32>,
      %swap3A_686 = vector.shape_cast %swap3A_685 : vector<16xf32> to vector<16xf32>
      %swap3A_687 = vector.shape_cast %scan3A_658#6 : vector<16xf32> to vector<16xf32>
      tpu.vector_store %arg7[%swap3A_684], %swap3A_687 {strides = array<i32>} : memref<1024xf32, #tpu.memory_space<vmem>>, vector<16xf32>,
      %swap3A_688 = arith.constant 880 : index
      %swap3A_689 = tpu.vector_load %arg7[%swap3A_688] {strides = array<i32>} : memref<1024xf32, #tpu.memory_space<vmem>>, vector<16xf32>,
      %swap3A_690 = vector.shape_cast %swap3A_689 : vector<16xf32> to vector<16xf32>
      %swap3A_691 = vector.shape_cast %scan3A_658#7 : vector<16xf32> to vector<16xf32>
      tpu.vector_store %arg7[%swap3A_688], %swap3A_691 {strides = array<i32>} : memref<1024xf32, #tpu.memory_space<vmem>>, vector<16xf32>,
      %broadcast_in_dim3A_692 = arith.constant 0.000000e+00 : f32
      %broadcast_in_dim3A_693 = vector.broadcast %broadcast_in_dim3A_692 : f32 to vector<16xf32>
      %scan3A_694 = arith.constant 0 : i32
      %scan3A_695 = arith.constant 32 : i32
      %scan3A_696 = arith.addi %scan3A_694, %scan3A_695 : i32
      %scan3A_697 = arith.constant 2 : i32
      %scan3A_698:8 = scf.for %scan3A_748 = %scan3A_694 to %scan3A_696 step %scan3A_697 iter_args(%scan3A_749 = %broadcast_in_dim3A_693, %scan3A_750 = %broadcast_in_dim3A_693, %scan3A_751 = %broadcast_in_dim3A_693, %scan3A_752 = %broadcast_in_dim3A_693, %scan3A_753 = %broadcast_in_dim3A_693, %scan3A_754 = %broadcast_in_dim3A_693, %scan3A_755 = %broadcast_in_dim3A_693, %scan3A_756 = %broadcast_in_dim3A_693) -> (vector<16xf32>, vector<16xf32>, vector<16xf32>, vector<16xf32>, vector<16xf32>, vector<16xf32>, vector<16xf32>, vector<16xf32>)  : i32 {
        %mul3A_757 = arith.constant 128 : i32
        %mul3A_758 = arith.muli %scan3A_748, %mul3A_757 : i32
        %add3A_759 = arith.constant 28672 : i32
        %add3A_760 = arith.addi %add3A_759, %mul3A_758 : i32
        %add3A_761 = arith.constant 0 : i32
        %add3A_762 = arith.addi %add3A_760, %add3A_761 : i32
        %get3A = arith.index_cast %add3A_762 : i32 to index
        %get3A_763 = tpu.vector_load %arg5[%get3A] {strides = array<i32>} : memref<32768xf32, #tpu.memory_space<vmem>>, vector<16xf32>,
        %get3A_764 = vector.shape_cast %get3A_763 : vector<16xf32> to vector<16xf32>
        %add3A_765 = arith.addf %scan3A_749, %get3A_764 : vector<16xf32>
        %add3A_766 = arith.constant 16 : i32
        %add3A_767 = arith.addi %add3A_760, %add3A_766 : i32
        %get3A_768 = arith.index_cast %add3A_767 : i32 to index
        %get3A_769 = tpu.vector_load %arg5[%get3A_768] {strides = array<i32>} : memref<32768xf32, #tpu.memory_space<vmem>>, vector<16xf32>,
        %get3A_770 = vector.shape_cast %get3A_769 : vector<16xf32> to vector<16xf32>
        %add3A_771 = arith.addf %scan3A_750, %get3A_770 : vector<16xf32>
        %add3A_772 = arith.constant 32 : i32
        %add3A_773 = arith.addi %add3A_760, %add3A_772 : i32
        %get3A_774 = arith.index_cast %add3A_773 : i32 to index
        %get3A_775 = tpu.vector_load %arg5[%get3A_774] {strides = array<i32>} : memref<32768xf32, #tpu.memory_space<vmem>>, vector<16xf32>,
        %get3A_776 = vector.shape_cast %get3A_775 : vector<16xf32> to vector<16xf32>
        %add3A_777 = arith.addf %scan3A_751, %get3A_776 : vector<16xf32>
        %add3A_778 = arith.constant 48 : i32
        %add3A_779 = arith.addi %add3A_760, %add3A_778 : i32
        %get3A_780 = arith.index_cast %add3A_779 : i32 to index
        %get3A_781 = tpu.vector_load %arg5[%get3A_780] {strides = array<i32>} : memref<32768xf32, #tpu.memory_space<vmem>>, vector<16xf32>,
        %get3A_782 = vector.shape_cast %get3A_781 : vector<16xf32> to vector<16xf32>
        %add3A_783 = arith.addf %scan3A_752, %get3A_782 : vector<16xf32>
        %add3A_784 = arith.constant 64 : i32
        %add3A_785 = arith.addi %add3A_760, %add3A_784 : i32
        %get3A_786 = arith.index_cast %add3A_785 : i32 to index
        %get3A_787 = tpu.vector_load %arg5[%get3A_786] {strides = array<i32>} : memref<32768xf32, #tpu.memory_space<vmem>>, vector<16xf32>,
        %get3A_788 = vector.shape_cast %get3A_787 : vector<16xf32> to vector<16xf32>
        %add3A_789 = arith.addf %scan3A_753, %get3A_788 : vector<16xf32>
        %add3A_790 = arith.constant 80 : i32
        %add3A_791 = arith.addi %add3A_760, %add3A_790 : i32
        %get3A_792 = arith.index_cast %add3A_791 : i32 to index
        %get3A_793 = tpu.vector_load %arg5[%get3A_792] {strides = array<i32>} : memref<32768xf32, #tpu.memory_space<vmem>>, vector<16xf32>,
        %get3A_794 = vector.shape_cast %get3A_793 : vector<16xf32> to vector<16xf32>
        %add3A_795 = arith.addf %scan3A_754, %get3A_794 : vector<16xf32>
        %add3A_796 = arith.constant 96 : i32
        %add3A_797 = arith.addi %add3A_760, %add3A_796 : i32
        %get3A_798 = arith.index_cast %add3A_797 : i32 to index
        %get3A_799 = tpu.vector_load %arg5[%get3A_798] {strides = array<i32>} : memref<32768xf32, #tpu.memory_space<vmem>>, vector<16xf32>,
        %get3A_800 = vector.shape_cast %get3A_799 : vector<16xf32> to vector<16xf32>
        %add3A_801 = arith.addf %scan3A_755, %get3A_800 : vector<16xf32>
        %add3A_802 = arith.constant 112 : i32
        %add3A_803 = arith.addi %add3A_760, %add3A_802 : i32
        %get3A_804 = arith.index_cast %add3A_803 : i32 to index
        %get3A_805 = tpu.vector_load %arg5[%get3A_804] {strides = array<i32>} : memref<32768xf32, #tpu.memory_space<vmem>>, vector<16xf32>,
        %get3A_806 = vector.shape_cast %get3A_805 : vector<16xf32> to vector<16xf32>
        %add3A_807 = arith.addf %scan3A_756, %get3A_806 : vector<16xf32>
        %scan3A_808 = arith.constant 1 : i32
        %scan3A_809 = arith.addi %scan3A_748, %scan3A_808 : i32
        %mul3A_810 = arith.constant 128 : i32
        %mul3A_811 = arith.muli %scan3A_809, %mul3A_810 : i32
        %add3A_812 = arith.constant 28672 : i32
        %add3A_813 = arith.addi %add3A_812, %mul3A_811 : i32
        %add3A_814 = arith.constant 0 : i32
        %add3A_815 = arith.addi %add3A_813, %add3A_814 : i32
        %get3A_816 = arith.index_cast %add3A_815 : i32 to index
        %get3A_817 = tpu.vector_load %arg5[%get3A_816] {strides = array<i32>} : memref<32768xf32, #tpu.memory_space<vmem>>, vector<16xf32>,
        %get3A_818 = vector.shape_cast %get3A_817 : vector<16xf32> to vector<16xf32>
        %add3A_819 = arith.addf %add3A_765, %get3A_818 : vector<16xf32>
        %add3A_820 = arith.constant 16 : i32
        %add3A_821 = arith.addi %add3A_813, %add3A_820 : i32
        %get3A_822 = arith.index_cast %add3A_821 : i32 to index
        %get3A_823 = tpu.vector_load %arg5[%get3A_822] {strides = array<i32>} : memref<32768xf32, #tpu.memory_space<vmem>>, vector<16xf32>,
        %get3A_824 = vector.shape_cast %get3A_823 : vector<16xf32> to vector<16xf32>
        %add3A_825 = arith.addf %add3A_771, %get3A_824 : vector<16xf32>
        %add3A_826 = arith.constant 32 : i32
        %add3A_827 = arith.addi %add3A_813, %add3A_826 : i32
        %get3A_828 = arith.index_cast %add3A_827 : i32 to index
        %get3A_829 = tpu.vector_load %arg5[%get3A_828] {strides = array<i32>} : memref<32768xf32, #tpu.memory_space<vmem>>, vector<16xf32>,
        %get3A_830 = vector.shape_cast %get3A_829 : vector<16xf32> to vector<16xf32>
        %add3A_831 = arith.addf %add3A_777, %get3A_830 : vector<16xf32>
        %add3A_832 = arith.constant 48 : i32
        %add3A_833 = arith.addi %add3A_813, %add3A_832 : i32
        %get3A_834 = arith.index_cast %add3A_833 : i32 to index
        %get3A_835 = tpu.vector_load %arg5[%get3A_834] {strides = array<i32>} : memref<32768xf32, #tpu.memory_space<vmem>>, vector<16xf32>,
        %get3A_836 = vector.shape_cast %get3A_835 : vector<16xf32> to vector<16xf32>
        %add3A_837 = arith.addf %add3A_783, %get3A_836 : vector<16xf32>
        %add3A_838 = arith.constant 64 : i32
        %add3A_839 = arith.addi %add3A_813, %add3A_838 : i32
        %get3A_840 = arith.index_cast %add3A_839 : i32 to index
        %get3A_841 = tpu.vector_load %arg5[%get3A_840] {strides = array<i32>} : memref<32768xf32, #tpu.memory_space<vmem>>, vector<16xf32>,
        %get3A_842 = vector.shape_cast %get3A_841 : vector<16xf32> to vector<16xf32>
        %add3A_843 = arith.addf %add3A_789, %get3A_842 : vector<16xf32>
        %add3A_844 = arith.constant 80 : i32
        %add3A_845 = arith.addi %add3A_813, %add3A_844 : i32
        %get3A_846 = arith.index_cast %add3A_845 : i32 to index
        %get3A_847 = tpu.vector_load %arg5[%get3A_846] {strides = array<i32>} : memref<32768xf32, #tpu.memory_space<vmem>>, vector<16xf32>,
        %get3A_848 = vector.shape_cast %get3A_847 : vector<16xf32> to vector<16xf32>
        %add3A_849 = arith.addf %add3A_795, %get3A_848 : vector<16xf32>
        %add3A_850 = arith.constant 96 : i32
        %add3A_851 = arith.addi %add3A_813, %add3A_850 : i32
        %get3A_852 = arith.index_cast %add3A_851 : i32 to index
        %get3A_853 = tpu.vector_load %arg5[%get3A_852] {strides = array<i32>} : memref<32768xf32, #tpu.memory_space<vmem>>, vector<16xf32>,
        %get3A_854 = vector.shape_cast %get3A_853 : vector<16xf32> to vector<16xf32>
        %add3A_855 = arith.addf %add3A_801, %get3A_854 : vector<16xf32>
        %add3A_856 = arith.constant 112 : i32
        %add3A_857 = arith.addi %add3A_813, %add3A_856 : i32
        %get3A_858 = arith.index_cast %add3A_857 : i32 to index
        %get3A_859 = tpu.vector_load %arg5[%get3A_858] {strides = array<i32>} : memref<32768xf32, #tpu.memory_space<vmem>>, vector<16xf32>,
        %get3A_860 = vector.shape_cast %get3A_859 : vector<16xf32> to vector<16xf32>
        %add3A_861 = arith.addf %add3A_807, %get3A_860 : vector<16xf32>
        scf.yield %add3A_819, %add3A_825, %add3A_831, %add3A_837, %add3A_843, %add3A_849, %add3A_855, %add3A_861 : vector<16xf32>, vector<16xf32>, vector<16xf32>, vector<16xf32>, vector<16xf32>, vector<16xf32>, vector<16xf32>, vector<16xf32>
      }
      %scan3A_699 = arith.constant 32 : i32
      %swap3A_700 = arith.constant 896 : index
      %swap3A_701 = tpu.vector_load %arg7[%swap3A_700] {strides = array<i32>} : memref<1024xf32, #tpu.memory_space<vmem>>, vector<16xf32>,
      %swap3A_702 = vector.shape_cast %swap3A_701 : vector<16xf32> to vector<16xf32>
      %swap3A_703 = vector.shape_cast %scan3A_698#0 : vector<16xf32> to vector<16xf32>
      tpu.vector_store %arg7[%swap3A_700], %swap3A_703 {strides = array<i32>} : memref<1024xf32, #tpu.memory_space<vmem>>, vector<16xf32>,
      %swap3A_704 = arith.constant 912 : index
      %swap3A_705 = tpu.vector_load %arg7[%swap3A_704] {strides = array<i32>} : memref<1024xf32, #tpu.memory_space<vmem>>, vector<16xf32>,
      %swap3A_706 = vector.shape_cast %swap3A_705 : vector<16xf32> to vector<16xf32>
      %swap3A_707 = vector.shape_cast %scan3A_698#1 : vector<16xf32> to vector<16xf32>
      tpu.vector_store %arg7[%swap3A_704], %swap3A_707 {strides = array<i32>} : memref<1024xf32, #tpu.memory_space<vmem>>, vector<16xf32>,
      %swap3A_708 = arith.constant 928 : index
      %swap3A_709 = tpu.vector_load %arg7[%swap3A_708] {strides = array<i32>} : memref<1024xf32, #tpu.memory_space<vmem>>, vector<16xf32>,
      %swap3A_710 = vector.shape_cast %swap3A_709 : vector<16xf32> to vector<16xf32>
      %swap3A_711 = vector.shape_cast %scan3A_698#2 : vector<16xf32> to vector<16xf32>
      tpu.vector_store %arg7[%swap3A_708], %swap3A_711 {strides = array<i32>} : memref<1024xf32, #tpu.memory_space<vmem>>, vector<16xf32>,
      %swap3A_712 = arith.constant 944 : index
      %swap3A_713 = tpu.vector_load %arg7[%swap3A_712] {strides = array<i32>} : memref<1024xf32, #tpu.memory_space<vmem>>, vector<16xf32>,
      %swap3A_714 = vector.shape_cast %swap3A_713 : vector<16xf32> to vector<16xf32>
      %swap3A_715 = vector.shape_cast %scan3A_698#3 : vector<16xf32> to vector<16xf32>
      tpu.vector_store %arg7[%swap3A_712], %swap3A_715 {strides = array<i32>} : memref<1024xf32, #tpu.memory_space<vmem>>, vector<16xf32>,
      %swap3A_716 = arith.constant 960 : index
      %swap3A_717 = tpu.vector_load %arg7[%swap3A_716] {strides = array<i32>} : memref<1024xf32, #tpu.memory_space<vmem>>, vector<16xf32>,
      %swap3A_718 = vector.shape_cast %swap3A_717 : vector<16xf32> to vector<16xf32>
      %swap3A_719 = vector.shape_cast %scan3A_698#4 : vector<16xf32> to vector<16xf32>
      tpu.vector_store %arg7[%swap3A_716], %swap3A_719 {strides = array<i32>} : memref<1024xf32, #tpu.memory_space<vmem>>, vector<16xf32>,
      %swap3A_720 = arith.constant 976 : index
      %swap3A_721 = tpu.vector_load %arg7[%swap3A_720] {strides = array<i32>} : memref<1024xf32, #tpu.memory_space<vmem>>, vector<16xf32>,
      %swap3A_722 = vector.shape_cast %swap3A_721 : vector<16xf32> to vector<16xf32>
      %swap3A_723 = vector.shape_cast %scan3A_698#5 : vector<16xf32> to vector<16xf32>
      tpu.vector_store %arg7[%swap3A_720], %swap3A_723 {strides = array<i32>} : memref<1024xf32, #tpu.memory_space<vmem>>, vector<16xf32>,
      %swap3A_724 = arith.constant 992 : index
      %swap3A_725 = tpu.vector_load %arg7[%swap3A_724] {strides = array<i32>} : memref<1024xf32, #tpu.memory_space<vmem>>, vector<16xf32>,
      %swap3A_726 = vector.shape_cast %swap3A_725 : vector<16xf32> to vector<16xf32>
      %swap3A_727 = vector.shape_cast %scan3A_698#6 : vector<16xf32> to vector<16xf32>
      tpu.vector_store %arg7[%swap3A_724], %swap3A_727 {strides = array<i32>} : memref<1024xf32, #tpu.memory_space<vmem>>, vector<16xf32>,
      %swap3A_728 = arith.constant 1008 : index
      %swap3A_729 = tpu.vector_load %arg7[%swap3A_728] {strides = array<i32>} : memref<1024xf32, #tpu.memory_space<vmem>>, vector<16xf32>,
      %swap3A_730 = vector.shape_cast %swap3A_729 : vector<16xf32> to vector<16xf32>
      %swap3A_731 = vector.shape_cast %scan3A_698#7 : vector<16xf32> to vector<16xf32>
      tpu.vector_store %arg7[%swap3A_728], %swap3A_731 {strides = array<i32>} : memref<1024xf32, #tpu.memory_space<vmem>>, vector<16xf32>,
      %mul3A_732 = arith.constant 8 : i32
      %mul3A_733 = arith.muli %add3A_395, %mul3A_732 : i32
      %add3A_734 = arith.addi %mul3A_2, %mul3A_733 : i32
      %min3A_735 = arith.constant 9992 : i32
      %min3A_736 = arith.minsi %add3A_734, %min3A_735 : i32
      %mul3A_737 = arith.constant 128 : i32
      %mul3A_738 = arith.muli %min3A_736, %mul3A_737 : i32
      %dma_start3A_739 = tpu.memref_slice %arg3[%mul3A_738] : memref<1280000xf32, #tpu.memory_space<hbm>> -> memref<1024xf32, #tpu.memory_space<hbm>>
      %dma_start3A_740 = tpu.memref_slice %arg3[%mul3A_738] : memref<1280000xf32, #tpu.memory_space<hbm>> -> memref<1024xf32, #tpu.memory_space<hbm>>
      tpu.enqueue_dma source(%arg7 : memref<1024xf32, #tpu.memory_space<vmem>>) target(%dma_start3A_740 : memref<1024xf32, #tpu.memory_space<hbm>>) target_semaphore(%arg11 : memref<!tpu.dma_semaphore, #tpu.memory_space<semaphore_mem>>)
      %add3A_741 = arith.constant 2 : i32
      %add3A_742 = arith.addi %add3A_395, %add3A_741 : i32
      %lt3A_743 = arith.constant 40 : i32
      %lt3A_744 = arith.cmpi slt, %add3A_742, %lt3A_743 : i32
      %convert_element_type3A_745 = arith.extui %lt3A_744 : i1 to i32
      %cond3A_746 = arith.constant 0 : i32
      %cond3A_747 = arith.cmpi ne, %convert_element_type3A_745, %cond3A_746 : i32
      scf.if %cond3A_747 {
        %add3A_748 = arith.constant 2 : i32
        %add3A_749 = arith.addi %add3A_395, %add3A_748 : i32
        %mul3A_750 = arith.constant 8 : i32
        %mul3A_751 = arith.muli %add3A_749, %mul3A_750 : i32
        %add3A_752 = arith.addi %mul3A_2, %mul3A_751 : i32
        %min3A_753 = arith.constant 9992 : i32
        %min3A_754 = arith.minsi %add3A_752, %min3A_753 : i32
        %mul3A_755 = arith.constant 32 : i32
        %mul3A_756 = arith.muli %min3A_754, %mul3A_755 : i32
        %mul3A_757 = arith.constant 128 : i32
        %mul3A_758 = arith.muli %mul3A_756, %mul3A_757 : i32
        %dma_start3A_759 = tpu.memref_slice %arg2[%mul3A_758] : memref<40960000xf32, #tpu.memory_space<hbm>> -> memref<32768xf32, #tpu.memory_space<hbm>>
        %dma_start3A_760 = tpu.memref_slice %arg2[%mul3A_758] : memref<40960000xf32, #tpu.memory_space<hbm>> -> memref<32768xf32, #tpu.memory_space<hbm>>
        tpu.enqueue_dma source(%dma_start3A_760 : memref<32768xf32, #tpu.memory_space<hbm>>) target(%arg5 : memref<32768xf32, #tpu.memory_space<vmem>>) target_semaphore(%arg9 : memref<!tpu.dma_semaphore, #tpu.memory_space<semaphore_mem>>)
      } else {
      }
    }
    %scan3A_25 = arith.constant 20 : i32
    %add3A_26 = arith.constant 304 : i32
    %add3A_27 = arith.addi %mul3A_2, %add3A_26 : i32
    %min3A_28 = arith.constant 9992 : i32
    %min3A_29 = arith.minsi %add3A_27, %min3A_28 : i32
    %mul3A_30 = arith.constant 128 : i32
    %mul3A_31 = arith.muli %min3A_29, %mul3A_30 : i32
    %dma_wait3A = tpu.memref_slice %arg3[%mul3A_31] : memref<1280000xf32, #tpu.memory_space<hbm>> -> memref<1024xf32, #tpu.memory_space<hbm>>
    %dma_wait3A_32 = tpu.memref_slice %arg3[%mul3A_31] : memref<1280000xf32, #tpu.memory_space<hbm>> -> memref<1024xf32, #tpu.memory_space<hbm>>
    tpu.wait_dma2 semaphore(%arg10 : memref<!tpu.dma_semaphore, #tpu.memory_space<semaphore_mem>>) src(%arg6 : memref<1024xf32, #tpu.memory_space<vmem>>) dst(%dma_wait3A_32 : memref<1024xf32, #tpu.memory_space<hbm>>)
    %add3A_33 = arith.constant 312 : i32
    %add3A_34 = arith.addi %mul3A_2, %add3A_33 : i32
    %min3A_35 = arith.constant 9992 : i32
    %min3A_36 = arith.minsi %add3A_34, %min3A_35 : i32
    %mul3A_37 = arith.constant 128 : i32
    %mul3A_38 = arith.muli %min3A_36, %mul3A_37 : i32
    %dma_wait3A_39 = tpu.memref_slice %arg3[%mul3A_38] : memref<1280000xf32, #tpu.memory_space<hbm>> -> memref<1024xf32, #tpu.memory_space<hbm>>
    %dma_wait3A_40 = tpu.memref_slice %arg3[%mul3A_38] : memref<1280000xf32, #tpu.memory_space<hbm>> -> memref<1024xf32, #tpu.memory_space<hbm>>
    tpu.wait_dma2 semaphore(%arg11 : memref<!tpu.dma_semaphore, #tpu.memory_space<semaphore_mem>>) src(%arg7 : memref<1024xf32, #tpu.memory_space<vmem>>) dst(%dma_wait3A_40 : memref<1024xf32, #tpu.memory_space<hbm>>)
    return
  }
}

module attributes {stable_mosaic.version = 14 : i64} {
  func.func @body(%arg0: i32, %arg1: memref<12800x128xf32, #tpu.memory_space<vmem>>, %arg2: memref<400x128xf32, #tpu.memory_space<vmem>>, %arg3: memref<400x128xf32, #tpu.memory_space<vmem>>, %arg4: memref<400x128xf32, #tpu.memory_space<vmem>>, %arg5: memref<128x128xf32, #tpu.memory_space<vmem>>, %arg6: memref<1x128xf32, #tpu.memory_space<vmem>>, %arg7: memref<256x128xf32, #tpu.memory_space<vmem>>, %arg8: memref<1x128xf32, #tpu.memory_space<vmem>>, %arg9: memref<400x128xf32, #tpu.memory_space<vmem>>, %arg10: memref<400x128xf32, #tpu.memory_space<vmem>>) attributes {dimension_semantics = [#tpu.dimension_semantics<arbitrary>], iteration_bounds = array<i64: 25>, scalar_prefetch = 0 : i64, scratch_operands = 0 : i64, tpu.core_type = #tpu.core_type<tc>, window_params = [{transform_indices = @transform_0, window_bounds = array<i64: 12800, 128>}, {transform_indices = @transform_1, window_bounds = array<i64: 400, 128>}, {transform_indices = @transform_2, window_bounds = array<i64: 400, 128>}, {transform_indices = @transform_3, window_bounds = array<i64: 400, 128>}, {pipeline_mode = #tpu.pipeline_mode<synchronous>, transform_indices = @transform_4, window_bounds = array<i64: 128, 128>}, {pipeline_mode = #tpu.pipeline_mode<synchronous>, transform_indices = @transform_5, window_bounds = array<i64: 1, 128>}, {pipeline_mode = #tpu.pipeline_mode<synchronous>, transform_indices = @transform_6, window_bounds = array<i64: 256, 128>}, {pipeline_mode = #tpu.pipeline_mode<synchronous>, transform_indices = @transform_7, window_bounds = array<i64: 1, 128>}, {transform_indices = @transform_8, window_bounds = array<i64: 400, 128>}, {transform_indices = @transform_9, window_bounds = array<i64: 400, 128>}]} {
    %get3A = arith.constant 0 : index
    %get3A_0 = arith.constant 0 : index
    %get3A_1 = vector.load %arg1[%get3A, %get3A_0] : memref<12800x128xf32, #tpu.memory_space<vmem>>, vector<12800x128xf32>
    %reshape3A = vector.shape_cast %get3A_1 : vector<12800x128xf32> to vector<400x32x128xf32>
    %reduce_sum3A = arith.constant dense<0.000000e+00> : vector<400x128xf32>
    %reduce_sum3A_2 = vector.multi_reduction <add>, %reshape3A, %reduce_sum3A [1] : vector<400x32x128xf32> to vector<400x128xf32>
    %get3A_3 = arith.constant 0 : index
    %get3A_4 = arith.constant 0 : index
    %get3A_5 = vector.load %arg5[%get3A_3, %get3A_4] : memref<128x128xf32, #tpu.memory_space<vmem>>, vector<128x128xf32>
    %dot_general3A = arith.constant dense<0.000000e+00> : vector<400x128xf32>
    %dot_general3A_6 = tpu.matmul %reduce_sum3A_2, %get3A_5, %dot_general3A {dimension_numbers = #tpu.dot_dimension_numbers<[1], [0], [0], [1], [0, 0, 1, 1], [], []>, transpose_lhs_hint = false} : vector<400x128xf32>, vector<128x128xf32>, vector<400x128xf32> -> vector<400x128xf32>
    %get3A_7 = arith.constant 0 : index
    %get3A_8 = arith.constant 0 : index
    %get3A_9 = vector.load %arg2[%get3A_7, %get3A_8] : memref<400x128xf32, #tpu.memory_space<vmem>>, vector<400x128xf32>
    %add3A = arith.addf %dot_general3A_6, %get3A_9 : vector<400x128xf32>
    %get3A_10 = arith.constant 0 : index
    %get3A_11 = arith.constant 0 : index
    %get3A_12 = vector.load %arg6[%get3A_10, %get3A_11] : memref<1x128xf32, #tpu.memory_space<vmem>>, vector<1x128xf32>
    %get3A_13 = vector.shape_cast %get3A_12 : vector<1x128xf32> to vector<128xf32>
    %broadcast_in_dim3A = vector.shape_cast %get3A_13 : vector<128xf32> to vector<1x128xf32>
    %mul3A = arith.constant 3.200000e+01 : f32
    %mul3A_14 = vector.broadcast %mul3A : f32 to vector<1x128xf32>
    %mul3A_15 = arith.mulf %mul3A_14, %broadcast_in_dim3A : vector<1x128xf32>
    %add3A_16 = vector.broadcast %mul3A_15 : vector<1x128xf32> to vector<400x128xf32>
    %add3A_17 = arith.addf %add3A, %add3A_16 : vector<400x128xf32>
    %swap3A = arith.constant 0 : index
    %swap3A_18 = arith.constant 0 : index
    %swap3A_19 = vector.load %arg9[%swap3A, %swap3A_18] : memref<400x128xf32, #tpu.memory_space<vmem>>, vector<400x128xf32>
    tpu.vector_store %arg9[%swap3A, %swap3A_18], %add3A_17 {strides = array<i32>} : memref<400x128xf32, #tpu.memory_space<vmem>>, vector<400x128xf32>,
    %get3A_20 = arith.constant 0 : index
    %get3A_21 = arith.constant 0 : index
    %get3A_22 = vector.load %arg3[%get3A_20, %get3A_21] : memref<400x128xf32, #tpu.memory_space<vmem>>, vector<400x128xf32>
    %get3A_23 = arith.constant 0 : index
    %get3A_24 = arith.constant 0 : index
    %get3A_25 = vector.load %arg7[%get3A_23, %get3A_24] : memref<256x128xf32, #tpu.memory_space<vmem>>, vector<128x128xf32>
    %dot_general3A_26 = arith.constant dense<0.000000e+00> : vector<400x128xf32>
    %dot_general3A_27 = tpu.matmul %get3A_22, %get3A_25, %dot_general3A_26 {dimension_numbers = #tpu.dot_dimension_numbers<[1], [0], [0], [1], [0, 0, 1, 1], [], []>, transpose_lhs_hint = false} : vector<400x128xf32>, vector<128x128xf32>, vector<400x128xf32> -> vector<400x128xf32>
    %get3A_28 = arith.constant 0 : index
    %get3A_29 = arith.constant 0 : index
    %get3A_30 = vector.load %arg4[%get3A_28, %get3A_29] : memref<400x128xf32, #tpu.memory_space<vmem>>, vector<400x128xf32>
    %get3A_31 = arith.constant 128 : index
    %get3A_32 = arith.constant 0 : index
    %get3A_33 = vector.load %arg7[%get3A_31, %get3A_32] : memref<256x128xf32, #tpu.memory_space<vmem>>, vector<128x128xf32>
    %dot_general3A_34 = arith.constant dense<0.000000e+00> : vector<400x128xf32>
    %dot_general3A_35 = tpu.matmul %get3A_30, %get3A_33, %dot_general3A_34 {dimension_numbers = #tpu.dot_dimension_numbers<[1], [0], [0], [1], [0, 0, 1, 1], [], []>, transpose_lhs_hint = false} : vector<400x128xf32>, vector<128x128xf32>, vector<400x128xf32> -> vector<400x128xf32>
    %add3A_36 = arith.addf %dot_general3A_27, %dot_general3A_35 : vector<400x128xf32>
    %get3A_37 = arith.constant 0 : index
    %get3A_38 = arith.constant 0 : index
    %get3A_39 = vector.load %arg8[%get3A_37, %get3A_38] : memref<1x128xf32, #tpu.memory_space<vmem>>, vector<1x128xf32>
    %get3A_40 = vector.shape_cast %get3A_39 : vector<1x128xf32> to vector<128xf32>
    %broadcast_in_dim3A_41 = vector.shape_cast %get3A_40 : vector<128xf32> to vector<1x128xf32>
    %add3A_42 = vector.broadcast %broadcast_in_dim3A_41 : vector<1x128xf32> to vector<400x128xf32>
    %add3A_43 = arith.addf %add3A_36, %add3A_42 : vector<400x128xf32>
    %swap3A_44 = arith.constant 0 : index
    %swap3A_45 = arith.constant 0 : index
    %swap3A_46 = vector.load %arg10[%swap3A_44, %swap3A_45] : memref<400x128xf32, #tpu.memory_space<vmem>>, vector<400x128xf32>
    tpu.vector_store %arg10[%swap3A_44, %swap3A_45], %add3A_43 {strides = array<i32>} : memref<400x128xf32, #tpu.memory_space<vmem>>, vector<400x128xf32>,
    return
  }
  func.func @transform_0(%arg0: i32) -> (i32, i32) {
    %c0_i32 = arith.constant 0 : i32
    %c0_i32_0 = arith.constant 0 : i32
    return %arg0, %c0_i32 : i32, i32
  }
  func.func @transform_1(%arg0: i32) -> (i32, i32) {
    %c0_i32 = arith.constant 0 : i32
    %c0_i32_0 = arith.constant 0 : i32
    return %arg0, %c0_i32 : i32, i32
  }
  func.func @transform_2(%arg0: i32) -> (i32, i32) {
    %c0_i32 = arith.constant 0 : i32
    %c0_i32_0 = arith.constant 0 : i32
    return %arg0, %c0_i32 : i32, i32
  }
  func.func @transform_3(%arg0: i32) -> (i32, i32) {
    %c0_i32 = arith.constant 0 : i32
    %c0_i32_0 = arith.constant 0 : i32
    return %arg0, %c0_i32 : i32, i32
  }
  func.func @transform_4(%arg0: i32) -> (i32, i32) {
    %c0_i32 = arith.constant 0 : i32
    %c0_i32_0 = arith.constant 0 : i32
    %c0_i32_1 = arith.constant 0 : i32
    return %c0_i32, %c0_i32_0 : i32, i32
  }
  func.func @transform_5(%arg0: i32) -> (i32, i32) {
    %c0_i32 = arith.constant 0 : i32
    %c0_i32_0 = arith.constant 0 : i32
    %c0_i32_1 = arith.constant 0 : i32
    return %c0_i32, %c0_i32_0 : i32, i32
  }
  func.func @transform_6(%arg0: i32) -> (i32, i32) {
    %c0_i32 = arith.constant 0 : i32
    %c0_i32_0 = arith.constant 0 : i32
    %c0_i32_1 = arith.constant 0 : i32
    return %c0_i32, %c0_i32_0 : i32, i32
  }
  func.func @transform_7(%arg0: i32) -> (i32, i32) {
    %c0_i32 = arith.constant 0 : i32
    %c0_i32_0 = arith.constant 0 : i32
    %c0_i32_1 = arith.constant 0 : i32
    return %c0_i32, %c0_i32_0 : i32, i32
  }
  func.func @transform_8(%arg0: i32) -> (i32, i32) {
    %c0_i32 = arith.constant 0 : i32
    %c0_i32_0 = arith.constant 0 : i32
    return %arg0, %c0_i32 : i32, i32
  }
  func.func @transform_9(%arg0: i32) -> (i32, i32) {
    %c0_i32 = arith.constant 0 : i32
    %c0_i32_0 = arith.constant 0 : i32
    return %arg0, %c0_i32 : i32, i32
  }
}

module attributes {stable_mosaic.version = 14 : i64} {
  func.func @body(%arg0: i32, %arg1: memref<2000x128xf32, #tpu.memory_space<vmem>>, %arg2: memref<2000x128xf32, #tpu.memory_space<vmem>>, %arg3: memref<2000x128xf32, #tpu.memory_space<vmem>>, %arg4: memref<128x128xf32, #tpu.memory_space<vmem>>, %arg5: memref<128x128xf32, #tpu.memory_space<vmem>>, %arg6: memref<2000x128xf32, #tpu.memory_space<vmem>>) attributes {dimension_semantics = [#tpu.dimension_semantics<arbitrary>], iteration_bounds = array<i64: 5>, scalar_prefetch = 0 : i64, scratch_operands = 0 : i64, tpu.core_type = #tpu.core_type<tc>, window_params = [{transform_indices = @transform_0, window_bounds = array<i64: 2000, 128>}, {transform_indices = @transform_1, window_bounds = array<i64: 2000, 128>}, {transform_indices = @transform_2, window_bounds = array<i64: 2000, 128>}, {pipeline_mode = #tpu.pipeline_mode<synchronous>, transform_indices = @transform_3, window_bounds = array<i64: 128, 128>}, {pipeline_mode = #tpu.pipeline_mode<synchronous>, transform_indices = @transform_4, window_bounds = array<i64: 128, 128>}, {transform_indices = @transform_5, window_bounds = array<i64: 2000, 128>}]} {
    %get3A = arith.constant 0 : index
    %get3A_0 = arith.constant 0 : index
    %get3A_1 = vector.load %arg1[%get3A, %get3A_0] : memref<2000x128xf32, #tpu.memory_space<vmem>>, vector<2000x128xf32>
    %get3A_2 = arith.constant 0 : index
    %get3A_3 = arith.constant 0 : index
    %get3A_4 = vector.load %arg4[%get3A_2, %get3A_3] : memref<128x128xf32, #tpu.memory_space<vmem>>, vector<128x128xf32>
    %dot_general3A = arith.constant dense<0.000000e+00> : vector<2000x128xf32>
    %dot_general3A_5 = tpu.matmul %get3A_1, %get3A_4, %dot_general3A {dimension_numbers = #tpu.dot_dimension_numbers<[1], [0], [0], [1], [0, 0, 1, 1], [], []>, transpose_lhs_hint = false} : vector<2000x128xf32>, vector<128x128xf32>, vector<2000x128xf32> -> vector<2000x128xf32>
    %get3A_6 = arith.constant 0 : index
    %get3A_7 = arith.constant 0 : index
    %get3A_8 = vector.load %arg2[%get3A_6, %get3A_7] : memref<2000x128xf32, #tpu.memory_space<vmem>>, vector<2000x128xf32>
    %add3A = arith.addf %dot_general3A_5, %get3A_8 : vector<2000x128xf32>
    %max3A = arith.constant 0.000000e+00 : f32
    %max3A_9 = vector.broadcast %max3A : f32 to vector<2000x128xf32>
    %max3A_10 = arith.maximumf %add3A, %max3A_9 : vector<2000x128xf32>
    %get3A_11 = arith.constant 0 : index
    %get3A_12 = arith.constant 0 : index
    %get3A_13 = vector.load %arg5[%get3A_11, %get3A_12] : memref<128x128xf32, #tpu.memory_space<vmem>>, vector<128x128xf32>
    %dot_general3A_14 = arith.constant dense<0.000000e+00> : vector<2000x128xf32>
    %dot_general3A_15 = tpu.matmul %max3A_10, %get3A_13, %dot_general3A_14 {dimension_numbers = #tpu.dot_dimension_numbers<[1], [0], [0], [1], [0, 0, 1, 1], [], []>, transpose_lhs_hint = false} : vector<2000x128xf32>, vector<128x128xf32>, vector<2000x128xf32> -> vector<2000x128xf32>
    %get3A_16 = arith.constant 0 : index
    %get3A_17 = arith.constant 0 : index
    %get3A_18 = vector.load %arg3[%get3A_16, %get3A_17] : memref<2000x128xf32, #tpu.memory_space<vmem>>, vector<2000x128xf32>
    %add3A_19 = arith.addf %dot_general3A_15, %get3A_18 : vector<2000x128xf32>
    %swap3A = arith.constant 0 : index
    %swap3A_20 = arith.constant 0 : index
    %swap3A_21 = vector.load %arg6[%swap3A, %swap3A_20] : memref<2000x128xf32, #tpu.memory_space<vmem>>, vector<2000x128xf32>
    tpu.vector_store %arg6[%swap3A, %swap3A_20], %add3A_19 {strides = array<i32>} : memref<2000x128xf32, #tpu.memory_space<vmem>>, vector<2000x128xf32>,
    return
  }
  func.func @transform_0(%arg0: i32) -> (i32, i32) {
    %c0_i32 = arith.constant 0 : i32
    %c0_i32_0 = arith.constant 0 : i32
    return %arg0, %c0_i32 : i32, i32
  }
  func.func @transform_1(%arg0: i32) -> (i32, i32) {
    %c0_i32 = arith.constant 0 : i32
    %c0_i32_0 = arith.constant 0 : i32
    return %arg0, %c0_i32 : i32, i32
  }
  func.func @transform_2(%arg0: i32) -> (i32, i32) {
    %c0_i32 = arith.constant 0 : i32
    %c0_i32_0 = arith.constant 0 : i32
    return %arg0, %c0_i32 : i32, i32
  }
  func.func @transform_3(%arg0: i32) -> (i32, i32) {
    %c0_i32 = arith.constant 0 : i32
    %c0_i32_0 = arith.constant 0 : i32
    %c0_i32_1 = arith.constant 0 : i32
    return %c0_i32, %c0_i32_0 : i32, i32
  }
  func.func @transform_4(%arg0: i32) -> (i32, i32) {
    %c0_i32 = arith.constant 0 : i32
    %c0_i32_0 = arith.constant 0 : i32
    %c0_i32_1 = arith.constant 0 : i32
    return %c0_i32, %c0_i32_0 : i32, i32
  }
  func.func @transform_5(%arg0: i32) -> (i32, i32) {
    %c0_i32 = arith.constant 0 : i32
    %c0_i32_0 = arith.constant 0 : i32
    return %arg0, %c0_i32 : i32, i32
  }
}

module attributes {stable_mosaic.version = 14 : i64} {
  func.func @body(%arg0: i32, %arg1: memref<16x16x10000xf32, #tpu.memory_space<vmem>>, %arg2: memref<16x128xf32, #tpu.memory_space<vmem>>, %arg3: memref<10000x128xf32, #tpu.memory_space<vmem>>) attributes {dimension_semantics = [#tpu.dimension_semantics<arbitrary>], iteration_bounds = array<i64: 2>, scalar_prefetch = 0 : i64, scratch_operands = 0 : i64, tpu.core_type = #tpu.core_type<tc>, window_params = [{transform_indices = @transform_0, window_bounds = array<i64: 16, 16, 10000>}, {pipeline_mode = #tpu.pipeline_mode<synchronous>, transform_indices = @transform_1, window_bounds = array<i64: 16, 128>}, {pipeline_mode = #tpu.pipeline_mode<synchronous>, transform_indices = @transform_2, window_bounds = array<i64: 10000, 128>}]} {
    %get3A = arith.constant 0 : index
    %get3A_0 = arith.constant 0 : index
    %get3A_1 = arith.constant 0 : index
    %get3A_2 = vector.load %arg1[%get3A, %get3A_0, %get3A_1] : memref<16x16x10000xf32, #tpu.memory_space<vmem>>, vector<16x16x10000xf32>
    %reduce_sum3A = arith.constant dense<0.000000e+00> : vector<16x10000xf32>
    %reduce_sum3A_3 = vector.multi_reduction <add>, %get3A_2, %reduce_sum3A [0] : vector<16x16x10000xf32> to vector<16x10000xf32>
    %get3A_4 = arith.constant 0 : index
    %get3A_5 = arith.constant 0 : index
    %get3A_6 = vector.load %arg2[%get3A_4, %get3A_5] : memref<16x128xf32, #tpu.memory_space<vmem>>, vector<16x128xf32>
    %dot_general3A = arith.constant dense<0.000000e+00> : vector<10000x128xf32>
    %dot_general3A_7 = tpu.matmul %reduce_sum3A_3, %get3A_6, %dot_general3A {dimension_numbers = #tpu.dot_dimension_numbers<[0], [0], [1], [1], [0, 1, 1, 1], [], []>, transpose_lhs_hint = false} : vector<16x10000xf32>, vector<16x128xf32>, vector<10000x128xf32> -> vector<10000x128xf32>
    %eq3A = arith.constant 0 : i32
    %eq3A_8 = arith.cmpi eq, %arg0, %eq3A : i32
    %convert_element_type3A = arith.extui %eq3A_8 : i1 to i32
    %cond3A = arith.constant 0 : i32
    %cond3A_9 = arith.cmpi ne, %convert_element_type3A, %cond3A : i32
    scf.if %cond3A_9 {
      %swap3A = arith.constant 0 : index
      %swap3A_14 = arith.constant 0 : index
      %swap3A_15 = vector.load %arg3[%swap3A, %swap3A_14] : memref<10000x128xf32, #tpu.memory_space<vmem>>, vector<10000x128xf32>
      tpu.vector_store %arg3[%swap3A, %swap3A_14], %dot_general3A_7 {strides = array<i32>} : memref<10000x128xf32, #tpu.memory_space<vmem>>, vector<10000x128xf32>,
    } else {
    }
    %gt3A = arith.constant 0 : i32
    %gt3A_10 = arith.cmpi sgt, %arg0, %gt3A : i32
    %convert_element_type3A_11 = arith.extui %gt3A_10 : i1 to i32
    %cond3A_12 = arith.constant 0 : i32
    %cond3A_13 = arith.cmpi ne, %convert_element_type3A_11, %cond3A_12 : i32
    scf.if %cond3A_13 {
      %get3A_14 = arith.constant 0 : index
      %get3A_15 = arith.constant 0 : index
      %get3A_16 = vector.load %arg3[%get3A_14, %get3A_15] : memref<10000x128xf32, #tpu.memory_space<vmem>>, vector<10000x128xf32>
      %add3A = arith.addf %get3A_16, %dot_general3A_7 : vector<10000x128xf32>
      %swap3A = arith.constant 0 : index
      %swap3A_17 = arith.constant 0 : index
      %swap3A_18 = vector.load %arg3[%swap3A, %swap3A_17] : memref<10000x128xf32, #tpu.memory_space<vmem>>, vector<10000x128xf32>
      tpu.vector_store %arg3[%swap3A, %swap3A_17], %add3A {strides = array<i32>} : memref<10000x128xf32, #tpu.memory_space<vmem>>, vector<10000x128xf32>,
    } else {
    }
    return
  }
  func.func @transform_0(%arg0: i32) -> (i32, i32, i32) {
    %c0_i32 = arith.constant 0 : i32
    %c0_i32_0 = arith.constant 0 : i32
    %c0_i32_1 = arith.constant 0 : i32
    return %arg0, %c0_i32, %c0_i32_0 : i32, i32, i32
  }
  func.func @transform_1(%arg0: i32) -> (i32, i32) {
    %c0_i32 = arith.constant 0 : i32
    %c0_i32_0 = arith.constant 0 : i32
    %c0_i32_1 = arith.constant 0 : i32
    return %c0_i32, %c0_i32_0 : i32, i32
  }
  func.func @transform_2(%arg0: i32) -> (i32, i32) {
    %c0_i32 = arith.constant 0 : i32
    %c0_i32_0 = arith.constant 0 : i32
    %c0_i32_1 = arith.constant 0 : i32
    return %c0_i32, %c0_i32_0 : i32, i32
  }
}

</mosaic_0001>

<sc_bundles>
// kernel: kernel.6.cloned.1.call-start
scs
__scs_entry_jumppad:
0x0: {  	(pc) =	sbr.rel $0x88, $3  }
0x1: {  	(tag) =	ssettag $0x0;
	lr =	simm.s32 $0x1  }
0x2: {  	[smem:$0x3F98] =	sst lr;
	_ =	strace $0xD0000000  }
0x3: {  	_ = 	snop  }
0x4: {  	_ = 	snop  }
0x5: {  	_ = 	snop  }
0x6: {  	_ = 	snop  }
0x7: {  	_ = 	snop  }
__scs_overlays_trampoline_lowered:
0x8: {  	[smem:$0x3FA7] =	sst s0  }
0x9: {  	[smem:$0x3FA8] =	sst s1  }
0xa: {  	[smem:$0x3FA9] =	sst s2  }
0xb: {  	[smem:$0x3FAA] =	sst s3  }
0xc: {  	[smem:$0x3FAB] =	sst s4  }
0xd: {  	[smem:$0x3FAC] =	sst s5  }
0xe: {  	[smem:$0x3FAD] =	sst s6  }
0xf: {  	[smem:$0x3FAE] =	sst s7  }
0x10: {  	[smem:$0x3FAF] =	sst s8  }
0x11: {  	[smem:$0x3FB0] =	sst s9;
	s0 =	simm.s32 @!p0 $0x0  }
0x12: {  	s1 =	sld [smem:$0x3F96];
	s0 =	simm.s32 @p0 $0x1  }
0x13: {  	[smem:$0x3FB1] =	sst s0;
	s0 =	simm.s32 @!p1 $0x0  }
0x14: {  	s2 =	sld [smem:$0x3F95];
	s0 =	simm.s32 @p1 $0x1  }
0x15: {  	[smem:$0x3FB2] =	sst s0;
	s0 =	simm.s32 @!p2 $0x0  }
0x16: {  	s3 =	sld [smem:$0x3FDB];
	s0 =	simm.s32 @p2 $0x1  }
0x17: {  	s4 =	simm.s32 $0x1BF5;
	[smem:$0x3FB4] =	sst s0  }
0x18: {  	s0 =	sld [smem:$0x3F97];
	_ =	swait.ge [sflag:s4], $0x0  }
0x19: {  	s7 =	sld [smem:$0x3F98]  }
0x1a: {  	s8 =	sadd.s32 $0xFFFFE003, lr  }
0x1b: {  	s9 =	sadd.s32 $0xFFFFFEF7, lr;
	s5 =	simm.s32 $0xFFFFFFFF;
	p2 =	slt.u32 s8, $0xFFFFF086  }
0x1c: {  	p1 =	slt.u32 s9, $0xF7A;
	s5 =	simm.s32 @!p2 $0x0  }
0x1d: {  	s5 =	simm.s32 @p1 $0x1;
	p0 =	seq.s32 s7, s2  }
0x1e: {  	s7 =	smul.u32 @!p0 $0xF7A, s2;
	p2 =	seq.s32 @!p0 s5, $0x0  }
0x1f: {  	s9 =	smul.u32 $0xF7A, s1;
	s8 =	simm.s32 @!p0 $0x1BF5;
	p2 =	por !p2, p0  }
0x20: {  	[sflag:s8] =	ssyncset.s32 @!p0 $0xFFFFF086;
	s6 =	sadd.s32 @!p0 s3, s7;
	s7 =	simm.s32 @!p0 $0x108  }
0x21: {  	s3 =	sadd.s32 s3, s9;
	s6 =	sadd.s32 @!p0 $0x88, s6;
	s7 =	simm.s32 @p2 $0x1082  }
0x22: {  	[simem:s7], [sflag:s8] =	dma.local @!p0 [hbm:s6], $0xF7A  }
0x23: {  	s9 =	sor.u32 $0xD0000000, s2;
	s6 =	simm.s32 $0x108;
	_ =	swait.ge @!p0 [sflag:s8], $0x0  }
0x24: {  	s3 =	sadd.s32 $0x88, s3;
	s6 =	simm.s32 @!p1 $0x1082;
	[sflag:s4] =	ssyncset.s32 $0xFFFFF086  }
0x25: {  	[simem:s6], [sflag:s4] =	dma.local [hbm:s3], $0xF7A  }
0x26: {  	[smem:$0x3F98] =	sst s1;
	(tag) =	ssettag s2;
	_ =	strace s9  }
0x27: {  	s1 =	sld [smem:$0x3FA8]  }
0x28: {  	s2 =	sld [smem:$0x3FA9]  }
0x29: {  	s4 =	sld [smem:$0x3FAB]  }
0x2a: {  	p0 =	seq.s32 s5, $0x0;
	s5 =	sld [smem:$0x3FAC]  }
0x2b: {  	s6 =	sld [smem:$0x3FAD]  }
0x2c: {  	s7 =	sld [smem:$0x3FAE]  }
0x2d: {  	s3 =	simm.s32 $0x108;
	s8 =	sld [smem:$0x3FAF]  }
0x2e: {  	s3 =	simm.s32 @!p0 $0x1082;
	s9 =	sld [smem:$0x3FB0]  }
0x2f: {  	lr =	sadd.s32 s0, s3;
	s0 =	sld [smem:$0x3FA7]  }
0x30: {  	s3 =	sld [smem:$0x3FAA]  }
0x31: {  	[smem:$0x3FB3] =	sst s10  }
0x32: {  	s10 =	sld [smem:$0x3FB1];
	_ =	sdelay $0x3  }
0x33: {  	p0 =	seq.s32 s10, $0x1;
	s10 =	sld [smem:$0x3FB3];
	_ =	sdelay $0x3  }
0x34: {  	[smem:$0x3FB3] =	sst s10  }
0x35: {  	s10 =	sld [smem:$0x3FB2];
	_ =	sdelay $0x3  }
0x36: {  	p1 =	seq.s32 s10, $0x1;
	s10 =	sld [smem:$0x3FB3];
	_ =	sdelay $0x3  }
0x37: {  	[smem:$0x3FB3] =	sst s10  }
0x38: {  	s10 =	sld [smem:$0x3FB4]  }
0x39: {  	_ = 	snop;
	(pc) =	sbr.ind lr, $3  }
0x3a: {  	_ = 	snop  }
0x3b: {  	_ = 	snop  }
0x3c: {  	p2 =	seq.s32 s10, $0x1;
	s10 =	sld [smem:$0x3FB3]  }
0x3d: {  	_ =	shalt  }
0x3e: {  	_ =	shalt  }
0x3f: {  	_ =	shalt  }
0x40: {  	_ =	shalt  }
0x41: {  	_ =	shalt  }
0x42: {  	_ =	shalt  }
0x43: {  	_ =	shalt  }
0x44: {  	_ =	shalt  }
0x45: {  	_ =	shalt  }
0x46: {  	_ =	shalt  }
0x47: {  	_ =	shalt  }
0x48: {  	_ =	shalt  }
0x49: {  	_ =	shalt  }
0x4a: {  	_ =	shalt  }
0x4b: {  	_ =	shalt  }
0x4c: {  	_ =	shalt  }
0x4d: {  	_ =	shalt  }
0x4e: {  	_ =	shalt  }
0x4f: {  	_ =	shalt  }
0x50: {  	_ =	shalt  }
0x51: {  	_ =	shalt  }
0x52: {  	_ =	shalt  }
0x53: {  	_ =	shalt  }
0x54: {  	_ =	shalt  }
0x55: {  	_ =	shalt  }
0x56: {  	_ =	shalt  }
0x57: {  	_ =	shalt  }
0x58: {  	_ =	shalt  }
0x59: {  	_ =	shalt  }
0x5a: {  	_ =	shalt  }
0x5b: {  	_ =	shalt  }
0x5c: {  	_ =	shalt  }
0x5d: {  	_ =	shalt  }
0x5e: {  	_ =	shalt  }
0x5f: {  	_ =	shalt  }
0x60: {  	_ =	shalt  }
0x61: {  	_ =	shalt  }
0x62: {  	_ =	shalt  }
0x63: {  	_ =	shalt  }
0x64: {  	_ =	shalt  }
0x65: {  	_ =	shalt  }
0x66: {  	_ =	shalt  }
0x67: {  	_ =	shalt  }
0x68: {  	_ =	shalt  }
0x69: {  	_ =	shalt  }
0x6a: {  	_ =	shalt  }
0x6b: {  	_ =	shalt  }
0x6c: {  	_ =	shalt  }
0x6d: {  	_ =	shalt  }
0x6e: {  	_ =	shalt  }
0x6f: {  	_ =	shalt  }
0x70: {  	_ =	shalt  }
0x71: {  	_ =	shalt  }
0x72: {  	_ =	shalt  }
0x73: {  	_ =	shalt  }
0x74: {  	_ =	shalt  }
0x75: {  	_ =	shalt  }
0x76: {  	_ =	shalt  }
0x77: {  	_ =	shalt  }
0x78: {  	_ =	shalt  }
0x79: {  	_ =	shalt  }
0x7a: {  	_ =	shalt  }
0x7b: {  	_ =	shalt  }
0x7c: {  	_ =	shalt  }
0x7d: {  	_ =	shalt  }
0x7e: {  	_ =	shalt  }
0x7f: {  	_ =	shalt  }
0x80: {  	_ =	shalt  }
0x81: {  	_ =	shalt  }
0x82: {  	_ =	shalt  }
0x83: {  	_ =	shalt  }
0x84: {  	_ =	shalt  }
0x85: {  	_ =	shalt  }
0x86: {  	_ =	shalt  }
0x87: {  	_ =	shalt  }
.Lfunc_end0:
.L_simem_size_0:
called_computation_lowered:
.L_overlay_start_0:
0x88: {  	s2 =	sld [smem:$0x3FD9]  }
0x89: {  	s3 =	sld [smem:$0x3FFE];
	_ =	sdelay $0x1  }
0x8a: {  	s1 =	srdreg.scid  }
0x8b: {  	s0 =	sand.u32 $0x1, s1  }
0x8c: {  	s18 =	sshll.u32 s0, $0xA;
	s2 =	sadd.s32 s3, s2  }
0x8d: {  	s2 =	sadd.s32 s2, s18  }
0x8e: {  	[smem:$0x3FBF] =	sst s2  }
0x8f: {  	_ = 	snop  }
0x90: {  	s2 =	sld [smem:$0x3FC7]  }
0x91: {  	s19 =	sld [smem:$0x3FD0];
	(tm) =	ssettm $0x1  }
0x92: {  	s4 =	sld [smem:$0x3FFB];
	_ =	sdelay $0x3  }
0x93: {  	_ =	strace s4  }
0x94: {  	s4 =	sld [smem:$0x3FFC];
	_ =	sdelay $0x3  }
0x95: {  	_ =	strace s4  }
0x96: {  	s4 =	sld [smem:$0x3FFD];
	_ =	sdelay $0x3  }
0x97: {  	_ =	strace s4  }
0x98: {  	_ =	strace $0x8FFFFFFF  }
0x99: {  	s20 =	sld [smem:$0x3FDB];
	_ =	sdelay $0x1  }
0x9a: {  	s5 =	simm.s32 $_scs_section_size  }
0x9b: {  	s6 =	simm.s32 $_size__tile_overlayer_lowered;
	s7 =	simm.s32 $_tile_overlayer_lowered  }
0x9c: {  	s23 =	simm.s32 $0x1BFF;
	s22 =	sshll.u32 s7, $0x1;
	s4 =	sadd.s32 s5, s20  }
0x9d: {  	s8 =	simm.s32 $0x0;
	s21 =	sshll.u32 s6, $0x1;
	s6 =	sadd.s32 s22, s4  }
0x9e: {  	[timem:s8], [sflag:s23] =	dma.local [hbm:s6], s21  }
0x9f: {  	_ =	swait.ge [sflag:s23], s21  }
0xa0: {  	s5 =	ssub.s32 $0x0, s21;
	[sflag:s23] =	ssyncset.done $0x0  }
0xa1: {  	[sflag:s23] =	ssyncadd.s32 s5;
	_ =	sdelay $0x1  }
0xa2: {  	s24 =	simm.s32 $0x1B8B  }
0xa3: {  	_ =	swait.ge [sflag:s24], $0x1  }
0xa4: {  	[sflag:s24] =	ssyncset.done $0x0  }
0xa5: {  	s25 =	simm.s32 $0x1B8E;
	[sflag:s24] =	ssyncadd.s32 $0xFFFFFFFF  }
0xa6: {  	s26 =	simm.s32 $execute0_lowered;
	[smem:$0x3FD2] =	sst s25  }
0xa7: {  	s5 =	sshll.u32 s26, $0x1;
	_ =	strace $0x80000046;
	[dreg:$0x1] =	wrdreg $0xFFFFFFFF  }
0xa8: {  	s28 =	simm.s32 $_size_execute0_lowered;
	s4 =	sadd.s32 s4, s5;
	[dreg:$0x0] =	wrdreg $0x0  }
0xa9: {  	s5 =	sshll.u32 s28, $0x1;
	[dreg:$0x2] =	wrdreg s4  }
0xaa: {  	[dreg:$0x3] =	wrdreg s5  }
0xab: {  	[dreg:$0x4] =	wrdreg $0xC0  }
0xac: {  	_ =	task [dreg:s8], $0x5FFFF  }
0xad: {  	[dreg:$0x1] =	wrdreg $0xFFFFFFFF  }
0xae: {  	[dreg:$0x0] =	wrdreg $0x60  }
0xaf: {  	[dreg:$0x2] =	wrdreg s2  }
0xb0: {  	[dreg:$0x3] =	wrdreg s19  }
0xb1: {  	[dreg:$0x4] =	wrdreg $0x9  }
0xb2: {  	_ =	task.clear_ibuf [dreg:s8], $0x5FFFF;
	_ =	strace $0x90000046  }
0xb3: {  	s29 =	simm.s32 $0x9;
	_ =	strace $0x80000048  }
0xb4: {  	_ =	swait.ge [sflag:s29], $0x1  }
0xb5: {  	[sflag:s29] =	ssyncadd.s32 $0xFFFFFFFF  }
0xb6: {  	_ =	strace $0x90000048  }
0xb7: {  	_ =	sfence  }
0xb8: {  	s30 =	sld [smem:$0x0];
	_ =	sdelay $0x2  }
0xb9: {  	s31 =	sshll.u32 s1, $0xD;
	s1 =	sshrl.u32 s1, $0x2  }
0xba: {  	s3 =	sand.u32 $0x4000, s31;
	s1 =	sadd.s32 s1, s30  }
0xbb: {  	s0 =	sor.u32 s3, s0;
	s1 =	sshll.u32 s1, $0x11  }
0xbc: {  	s0 =	sor.u32 s1, s0  }
0xbd: {  	s0 =	sadd.s32 $0x8F2B, s0  }
0xbe: {  	[sflag:s0] =	ssyncadd.remote.s32 $0x1  }
0xbf: {  	_ =	sfence.sel $0xFFFF  }
0xc0: {  	[dreg:$0x0] =	wrdreg $0xFFFFFFFF;
	(pc) =	sbr.abs _section_cstart, $3  }
0xc1: {  	[dreg:$0x1] =	wrdreg $0xFFFFFFFF  }
0xc2: {  	_ =	task.clear_ibuf [dreg:s8], $0x2FFFF;
	_ =	strace $0x9FFFFFFF  }
0xc3: {  	(tm) =	ssettm $0x7FFFFFFF  }
tec
execute0_lowered:
.L_overlay_start_1:
0x0: {  	(tag) =	ssettag $0x1  }
0x1: {  	s1 =	srdreg.scid;
	s2 =	rddreg [dreg:$0x0]  }
0x2: {  	s0 =	stileid.u32;
	s3 =	rddreg [dreg:$0x1];
	s4 =	simm.s32 $0x0  }
0x3: {  	s12 =	simm.s32 $0x8000;
	s13 =	simm.s32 $0x1;
	s14 =	simm.s32 $0x10000  }
0x4: {  	s15 =	simm.s32 $0x2;
	s6 =	sand.u32 $0x1, s1;
	s30 =	sshll.u32 s0, $0x1  }
0x5: {  	s16 =	simm.s32 $0x10400;
	s17 =	simm.s32 $0x3;
	s7 =	sor.u32 s6, s30  }
0x6: {  	s18 =	simm.s32 $0x4;
	s19 =	simm.s32 $0x0;
	s5 =	smul.u32 $0x140, s7  }
.Ltmp0:
0x7: {  	s1 =	rddreg [dreg:$0x2];
	s8 =	ssub.s32 $0x2, s6;
	(pc) =	sbr.rel .LBB2_1-.Ltmp0, $4  }
0x8: {  	[smem:$0x7FF] =	sst s4;
	s7 =	smul.u32 $0x28000, s7;
	s9 =	sshrl.u32 s8, $0x1  }
0x9: {  	_ =	strace $0x80000047;
	s11 =	ssub.s32 s8, s9;
	s6 =	sor.u32 $0x8, s5  }
0xa: {  	s7 =	sadd.s32 s2, s7;
	s9 =	sor.u32 $0x10, s5;
	s31 =	sshll.u32 s6, $0x9  }
0xb: {  	s10 =	sor.u32 $0x18, s5;
	s11 =	smax.u32 s11, $0x1;
	s8 =	sadd.s32 s2, s31  }
.LBB2_36:
0xc: {  	s19 =	sadd.s32 $0x1, s19  }
0xd: {  	_ =	swait.ge [sflag:s17], $0x400;
	p0 =	sne.s32 s19, s11  }
.Ltmp1:
0xe: {  	[sflag:s17] =	ssyncset.done $0x0;
	(pc) =	sbr.rel @!p0 .LBB2_37-.Ltmp1, $4  }
0xf: {  	[sflag:s17] =	ssyncadd.s32 $0xFFFFFC00  }
0x10: {  	_ =	swait.ge [sflag:s18], $0x400  }
0x11: {  	[sflag:s18] =	ssyncset.done $0x0  }
0x12: {  	[sflag:s18] =	ssyncadd.s32 $0xFFFFFC00  }
.LBB2_1:
0x13: {  	[tilespmem:s4], [sflag:$0x1] =	stream.linear.gather [hbm4b:s7+s4], $0x8000, $0x38;
	[tilespmem:$0x10800] =	vst v63  }
0x14: {  	s20 =	simm.s32 $0x0  }
0x15: {  	[tilespmem:s12], [sflag:$0x2] =	stream.linear.gather [hbm4b:s8+s4], $0x8000, $0x38;
	[tilespmem:$0x10800] =	vst v63  }
.LBB2_2:
0x16: {  	_ =	swait.ge [sflag:s13], $0x8000  }
0x17: {  	p0 =	seq.s32 s20, $0x0;
	[sflag:s13] =	ssyncset.done $0x0  }
0x18: {  	s21 =	simm.s32 @!p0 $0x3;
	[sflag:s13] =	ssyncadd.s32 $0xFFFF8000  }
0x19: {  	_ =	swait.ge @!p0 [sflag:s21], $0x400  }
0x1a: {  	[sflag:s21] =	ssyncset.done @!p0 $0x0  }
0x1b: {  	s24 =	simm.s32 $0x80;
	[sflag:s21] =	ssyncadd.s32 @!p0 $0xFFFFFC00  }
0x1c: {  	v5 =	vld [tilespmem:s24+$0x0]  }
0x1d: {  	v6 =	vld [tilespmem:s24+$0x10]  }
0x1e: {  	v2 =	vld [tilespmem:s24+$0x20]  }
0x1f: {  	v3 =	vld [tilespmem:s24+$0x30]  }
0x20: {  	v0 =	vld [tilespmem:s24+$0x40]  }
0x21: {  	v7 =	vld [tilespmem:s24+$0xFFFFFF80]  }
0x22: {  	v8 =	vld [tilespmem:s24+$0xFFFFFF90]  }
0x23: {  	v9 =	vld [tilespmem:s24+$0xFFFFFFA0]  }
0x24: {  	v13 =	vld [tilespmem:s24+$0xFFFFFFB0]  }
0x25: {  	v1 =	vld [tilespmem:s24+$0x50]  }
0x26: {  	v11 =	vld [tilespmem:s24+$0xFFFFFFC0]  }
0x27: {  	v4 =	vimm.f32 $0.0e+00;
	v12 =	vld [tilespmem:s24+$0xFFFFFFD0]  }
0x28: {  	v10 =	vld [tilespmem:s24+$0xFFFFFFE0];
	v7 =	vadd.f32 v7, v4  }
0x29: {  	s21 =	sshll.u32 s20, $0x4;
	v14 =	vld [tilespmem:s24+$0xFFFFFFF0];
	v8 =	vadd.f32 v8, v4;
	v17 =	vadd.f32 v9, v4  }
0x2a: {  	s22 =	sadd.s32 s5, s21;
	v15 =	vld [tilespmem:s24+$0x70];
	v16 =	vadd.f32 v13, v4;
	v9 =	vimm.f32 $0.0e+00;
	v7 =	vadd.f32 v5, v7  }
0x2b: {  	s23 =	simm.s32 $0x0;
	s22 =	smin.u32 s22, $0x2708;
	v13 =	vld [tilespmem:s24+$0x60];
	s24 =	simm.s32 $0x180;
	v5 =	vadd.f32 v6, v8;
	v8 =	vimm.f32 $0.0e+00;
	v6 =	vimm.f32 $0.0e+00  }
.LBB2_3:
0x2c: {  	v18 =	vld [tilespmem:s24+$0x0];
	v17 =	vadd.f32 v2, v17;
	v16 =	vadd.f32 v3, v16  }
0x2d: {  	v4 =	vadd.f32 v11, v4;
	v9 =	vadd.f32 v12, v9;
	v19 =	vld [tilespmem:s24+$0x10]  }
0x2e: {  	v8 =	vadd.f32 v10, v8;
	v2 =	vld [tilespmem:s24+$0x20];
	v6 =	vadd.f32 v14, v6  }
0x2f: {  	v4 =	vadd.f32 v0, v4;
	v9 =	vadd.f32 v1, v9;
	v3 =	vld [tilespmem:s24+$0x30]  }
0x30: {  	v8 =	vadd.f32 v13, v8;
	v0 =	vld [tilespmem:s24+$0x40];
	v6 =	vadd.f32 v15, v6  }
0x31: {  	v1 =	vld [tilespmem:s24+$0x50]  }
0x32: {  	v13 =	vld [tilespmem:s24+$0xFFFFFF80]  }
0x33: {  	v14 =	vld [tilespmem:s24+$0xFFFFFF90]  }
0x34: {  	v15 =	vld [tilespmem:s24+$0xFFFFFFA0]  }
0x35: {  	s23 =	sadd.s32 $0x2, s23;
	v20 =	vld [tilespmem:s24+$0xFFFFFFB0]  }
0x36: {  	p1 =	slt.u32 s23, $0x1E;
	v11 =	vld [tilespmem:s24+$0xFFFFFFC0]  }
.Ltmp2:
0x37: {  	v12 =	vld [tilespmem:s24+$0xFFFFFFD0];
	(pc) =	sbr.rel @p1 .LBB2_3-.Ltmp2, $4  }
0x38: {  	v10 =	vld [tilespmem:s24+$0xFFFFFFE0]  }
0x39: {  	v7 =	vadd.f32 v13, v7;
	v5 =	vadd.f32 v14, v5;
	v14 =	vld [tilespmem:s24+$0xFFFFFFF0]  }
0x3a: {  	v17 =	vadd.f32 v15, v17;
	v16 =	vadd.f32 v20, v16;
	v13 =	vld [tilespmem:s24+$0x60]  }
0x3b: {  	v7 =	vadd.f32 v18, v7;
	v5 =	vadd.f32 v19, v5;
	v15 =	vld [tilespmem:s24+$0x70];
	s24 =	sadd.s32 $0x100, s24  }
0x3c: {  	_ = 	snop  }
0x3d: {  	v2 =	vadd.f32 v2, v17;
	v4 =	vadd.f32 v11, v4;
	[tilespmem:$0x10000] =	vst v7  }
0x3e: {  	v3 =	vadd.f32 v3, v16;
	v7 =	vadd.f32 v12, v9;
	[tilespmem:$0x10010] =	vst v5  }
0x3f: {  	v5 =	vadd.f32 v10, v8;
	v0 =	vadd.f32 v0, v4;
	[tilespmem:$0x10020] =	vst v2  }
0x40: {  	v2 =	vadd.f32 v14, v6;
	[tilespmem:$0x10030] =	vst v3;
	v1 =	vadd.f32 v1, v7  }
0x41: {  	v3 =	vadd.f32 v13, v5;
	[tilespmem:$0x10040] =	vst v0  }
0x42: {  	v0 =	vadd.f32 v15, v2;
	[tilespmem:$0x10050] =	vst v1  }
0x43: {  	[tilespmem:$0x10060] =	vst v3  }
0x44: {  	s24 =	simm.s32 $0x10F0;
	[tilespmem:$0x10070] =	vst v0  }
0x45: {  	v5 =	vld [tilespmem:s24+$0xFFFFFF90]  }
0x46: {  	v6 =	vld [tilespmem:s24+$0xFFFFFFA0]  }
0x47: {  	v2 =	vld [tilespmem:s24+$0xFFFFFFB0]  }
0x48: {  	v3 =	vld [tilespmem:s24+$0xFFFFFFC0]  }
0x49: {  	v0 =	vld [tilespmem:s24+$0xFFFFFFD0]  }
0x4a: {  	v7 =	vld [tilespmem:s24+$0xFFFFFF10]  }
0x4b: {  	v8 =	vld [tilespmem:s24+$0xFFFFFF20]  }
0x4c: {  	v9 =	vld [tilespmem:s24+$0xFFFFFF30]  }
0x4d: {  	v11 =	vld [tilespmem:s24+$0xFFFFFF40]  }
0x4e: {  	v1 =	vld [tilespmem:s24+$0xFFFFFFE0]  }
0x4f: {  	v12 =	vld [tilespmem:s24+$0xFFFFFF50]  }
0x50: {  	v4 =	vimm.f32 $0.0e+00;
	v13 =	vld [tilespmem:s24+$0xFFFFFF60]  }
0x51: {  	v10 =	vld [tilespmem:s24+$0xFFFFFF70];
	v7 =	vadd.f32 v7, v4  }
0x52: {  	v14 =	vld [tilespmem:s24+$0xFFFFFF80];
	v15 =	vadd.f32 v8, v4;
	v17 =	vadd.f32 v9, v4  }
0x53: {  	v16 =	vadd.f32 v11, v4;
	v11 =	vld [tilespmem:s24+$0xFFFFFFF0];
	v9 =	vimm.f32 $0.0e+00;
	v8 =	vadd.f32 v5, v7  }
0x54: {  	s23 =	simm.s32 $0x0;
	v6 =	vadd.f32 v6, v15;
	v15 =	vld [tilespmem:s24+$0x0];
	s24 =	simm.s32 $0x11F0;
	v7 =	vimm.f32 $0.0e+00;
	v5 =	vimm.f32 $0.0e+00  }
.LBB2_5:
0x55: {  	v18 =	vld [tilespmem:s24+$0xFFFFFF90];
	v17 =	vadd.f32 v2, v17;
	v16 =	vadd.f32 v3, v16  }
0x56: {  	v4 =	vadd.f32 v12, v4;
	v9 =	vadd.f32 v13, v9;
	v19 =	vld [tilespmem:s24+$0xFFFFFFA0]  }
0x57: {  	v7 =	vadd.f32 v10, v7;
	v2 =	vld [tilespmem:s24+$0xFFFFFFB0];
	v5 =	vadd.f32 v14, v5  }
0x58: {  	v4 =	vadd.f32 v0, v4;
	v9 =	vadd.f32 v1, v9;
	v3 =	vld [tilespmem:s24+$0xFFFFFFC0]  }
0x59: {  	v7 =	vadd.f32 v11, v7;
	v0 =	vld [tilespmem:s24+$0xFFFFFFD0];
	v5 =	vadd.f32 v15, v5  }
0x5a: {  	v1 =	vld [tilespmem:s24+$0xFFFFFFE0]  }
0x5b: {  	v11 =	vld [tilespmem:s24+$0xFFFFFF10]  }
0x5c: {  	v14 =	vld [tilespmem:s24+$0xFFFFFF20]  }
0x5d: {  	v15 =	vld [tilespmem:s24+$0xFFFFFF30]  }
0x5e: {  	s23 =	sadd.s32 $0x2, s23;
	v20 =	vld [tilespmem:s24+$0xFFFFFF40]  }
0x5f: {  	p1 =	slt.u32 s23, $0x1E;
	v12 =	vld [tilespmem:s24+$0xFFFFFF50]  }
.Ltmp3:
0x60: {  	v13 =	vld [tilespmem:s24+$0xFFFFFF60];
	(pc) =	sbr.rel @p1 .LBB2_5-.Ltmp3, $4  }
0x61: {  	v10 =	vld [tilespmem:s24+$0xFFFFFF70]  }
0x62: {  	v8 =	vadd.f32 v11, v8;
	v6 =	vadd.f32 v14, v6;
	v14 =	vld [tilespmem:s24+$0xFFFFFF80]  }
0x63: {  	v17 =	vadd.f32 v15, v17;
	v16 =	vadd.f32 v20, v16;
	v11 =	vld [tilespmem:s24+$0xFFFFFFF0]  }
0x64: {  	v8 =	vadd.f32 v18, v8;
	v6 =	vadd.f32 v19, v6;
	v15 =	vld [tilespmem:s24+$0x0];
	s24 =	sadd.s32 $0x100, s24  }
0x65: {  	_ = 	snop  }
0x66: {  	v2 =	vadd.f32 v2, v17;
	v4 =	vadd.f32 v12, v4;
	[tilespmem:$0x10080] =	vst v8  }
0x67: {  	v3 =	vadd.f32 v3, v16;
	v8 =	vadd.f32 v13, v9;
	[tilespmem:$0x10090] =	vst v6  }
0x68: {  	v6 =	vadd.f32 v10, v7;
	v0 =	vadd.f32 v0, v4;
	[tilespmem:$0x100A0] =	vst v2  }
0x69: {  	v2 =	vadd.f32 v14, v5;
	[tilespmem:$0x100B0] =	vst v3;
	v1 =	vadd.f32 v1, v8  }
0x6a: {  	v3 =	vadd.f32 v11, v6;
	[tilespmem:$0x100C0] =	vst v0  }
0x6b: {  	v0 =	vadd.f32 v15, v2;
	[tilespmem:$0x100D0] =	vst v1  }
0x6c: {  	[tilespmem:$0x100E0] =	vst v3  }
0x6d: {  	s24 =	simm.s32 $0x20F0;
	[tilespmem:$0x100F0] =	vst v0  }
0x6e: {  	v5 =	vld [tilespmem:s24+$0xFFFFFF90]  }
0x6f: {  	v6 =	vld [tilespmem:s24+$0xFFFFFFA0]  }
0x70: {  	v2 =	vld [tilespmem:s24+$0xFFFFFFB0]  }
0x71: {  	v3 =	vld [tilespmem:s24+$0xFFFFFFC0]  }
0x72: {  	v0 =	vld [tilespmem:s24+$0xFFFFFFD0]  }
0x73: {  	v7 =	vld [tilespmem:s24+$0xFFFFFF10]  }
0x74: {  	v8 =	vld [tilespmem:s24+$0xFFFFFF20]  }
0x75: {  	v9 =	vld [tilespmem:s24+$0xFFFFFF30]  }
0x76: {  	v11 =	vld [tilespmem:s24+$0xFFFFFF40]  }
0x77: {  	v1 =	vld [tilespmem:s24+$0xFFFFFFE0]  }
0x78: {  	v12 =	vld [tilespmem:s24+$0xFFFFFF50]  }
0x79: {  	v4 =	vimm.f32 $0.0e+00;
	v13 =	vld [tilespmem:s24+$0xFFFFFF60]  }
0x7a: {  	v10 =	vld [tilespmem:s24+$0xFFFFFF70];
	v7 =	vadd.f32 v7, v4  }
0x7b: {  	v14 =	vld [tilespmem:s24+$0xFFFFFF80];
	v15 =	vadd.f32 v8, v4;
	v17 =	vadd.f32 v9, v4  }
0x7c: {  	v16 =	vadd.f32 v11, v4;
	v11 =	vld [tilespmem:s24+$0xFFFFFFF0];
	v9 =	vimm.f32 $0.0e+00;
	v8 =	vadd.f32 v5, v7  }
0x7d: {  	s23 =	simm.s32 $0x0;
	v6 =	vadd.f32 v6, v15;
	v15 =	vld [tilespmem:s24+$0x0];
	s24 =	simm.s32 $0x21F0;
	v7 =	vimm.f32 $0.0e+00;
	v5 =	vimm.f32 $0.0e+00  }
.LBB2_7:
0x7e: {  	v18 =	vld [tilespmem:s24+$0xFFFFFF90];
	v17 =	vadd.f32 v2, v17;
	v16 =	vadd.f32 v3, v16  }
0x7f: {  	v4 =	vadd.f32 v12, v4;
	v9 =	vadd.f32 v13, v9;
	v19 =	vld [tilespmem:s24+$0xFFFFFFA0]  }
0x80: {  	v7 =	vadd.f32 v10, v7;
	v2 =	vld [tilespmem:s24+$0xFFFFFFB0];
	v5 =	vadd.f32 v14, v5  }
0x81: {  	v4 =	vadd.f32 v0, v4;
	v9 =	vadd.f32 v1, v9;
	v3 =	vld [tilespmem:s24+$0xFFFFFFC0]  }
0x82: {  	v7 =	vadd.f32 v11, v7;
	v0 =	vld [tilespmem:s24+$0xFFFFFFD0];
	v5 =	vadd.f32 v15, v5  }
0x83: {  	v1 =	vld [tilespmem:s24+$0xFFFFFFE0]  }
0x84: {  	v11 =	vld [tilespmem:s24+$0xFFFFFF10]  }
0x85: {  	v14 =	vld [tilespmem:s24+$0xFFFFFF20]  }
0x86: {  	v15 =	vld [tilespmem:s24+$0xFFFFFF30]  }
0x87: {  	s23 =	sadd.s32 $0x2, s23;
	v20 =	vld [tilespmem:s24+$0xFFFFFF40]  }
0x88: {  	p1 =	slt.u32 s23, $0x1E;
	v12 =	vld [tilespmem:s24+$0xFFFFFF50]  }
.Ltmp4:
0x89: {  	v13 =	vld [tilespmem:s24+$0xFFFFFF60];
	(pc) =	sbr.rel @p1 .LBB2_7-.Ltmp4, $4  }
0x8a: {  	v10 =	vld [tilespmem:s24+$0xFFFFFF70]  }
0x8b: {  	v8 =	vadd.f32 v11, v8;
	v6 =	vadd.f32 v14, v6;
	v14 =	vld [tilespmem:s24+$0xFFFFFF80]  }
0x8c: {  	v17 =	vadd.f32 v15, v17;
	v16 =	vadd.f32 v20, v16;
	v11 =	vld [tilespmem:s24+$0xFFFFFFF0]  }
0x8d: {  	v8 =	vadd.f32 v18, v8;
	v6 =	vadd.f32 v19, v6;
	v15 =	vld [tilespmem:s24+$0x0];
	s24 =	sadd.s32 $0x100, s24  }
0x8e: {  	_ = 	snop  }
0x8f: {  	v2 =	vadd.f32 v2, v17;
	v4 =	vadd.f32 v12, v4;
	[tilespmem:$0x10100] =	vst v8  }
0x90: {  	v3 =	vadd.f32 v3, v16;
	v8 =	vadd.f32 v13, v9;
	[tilespmem:$0x10110] =	vst v6  }
0x91: {  	v6 =	vadd.f32 v10, v7;
	v0 =	vadd.f32 v0, v4;
	[tilespmem:$0x10120] =	vst v2  }
0x92: {  	v2 =	vadd.f32 v14, v5;
	[tilespmem:$0x10130] =	vst v3;
	v1 =	vadd.f32 v1, v8  }
0x93: {  	v3 =	vadd.f32 v11, v6;
	[tilespmem:$0x10140] =	vst v0  }
0x94: {  	v0 =	vadd.f32 v15, v2;
	[tilespmem:$0x10150] =	vst v1  }
0x95: {  	[tilespmem:$0x10160] =	vst v3  }
0x96: {  	s24 =	simm.s32 $0x30F0;
	[tilespmem:$0x10170] =	vst v0  }
0x97: {  	v5 =	vld [tilespmem:s24+$0xFFFFFF90]  }
0x98: {  	v6 =	vld [tilespmem:s24+$0xFFFFFFA0]  }
0x99: {  	v2 =	vld [tilespmem:s24+$0xFFFFFFB0]  }
0x9a: {  	v3 =	vld [tilespmem:s24+$0xFFFFFFC0]  }
0x9b: {  	v0 =	vld [tilespmem:s24+$0xFFFFFFD0]  }
0x9c: {  	v7 =	vld [tilespmem:s24+$0xFFFFFF10]  }
0x9d: {  	v8 =	vld [tilespmem:s24+$0xFFFFFF20]  }
0x9e: {  	v9 =	vld [tilespmem:s24+$0xFFFFFF30]  }
0x9f: {  	v11 =	vld [tilespmem:s24+$0xFFFFFF40]  }
0xa0: {  	v1 =	vld [tilespmem:s24+$0xFFFFFFE0]  }
0xa1: {  	v12 =	vld [tilespmem:s24+$0xFFFFFF50]  }
0xa2: {  	v4 =	vimm.f32 $0.0e+00;
	v13 =	vld [tilespmem:s24+$0xFFFFFF60]  }
0xa3: {  	v10 =	vld [tilespmem:s24+$0xFFFFFF70];
	v7 =	vadd.f32 v7, v4  }
0xa4: {  	v14 =	vld [tilespmem:s24+$0xFFFFFF80];
	v15 =	vadd.f32 v8, v4;
	v17 =	vadd.f32 v9, v4  }
0xa5: {  	v16 =	vadd.f32 v11, v4;
	v11 =	vld [tilespmem:s24+$0xFFFFFFF0];
	v9 =	vimm.f32 $0.0e+00;
	v8 =	vadd.f32 v5, v7  }
0xa6: {  	s23 =	simm.s32 $0x0;
	v6 =	vadd.f32 v6, v15;
	v15 =	vld [tilespmem:s24+$0x0];
	s24 =	simm.s32 $0x31F0;
	v7 =	vimm.f32 $0.0e+00;
	v5 =	vimm.f32 $0.0e+00  }
.LBB2_9:
0xa7: {  	v18 =	vld [tilespmem:s24+$0xFFFFFF90];
	v17 =	vadd.f32 v2, v17;
	v16 =	vadd.f32 v3, v16  }
0xa8: {  	v4 =	vadd.f32 v12, v4;
	v9 =	vadd.f32 v13, v9;
	v19 =	vld [tilespmem:s24+$0xFFFFFFA0]  }
0xa9: {  	v7 =	vadd.f32 v10, v7;
	v2 =	vld [tilespmem:s24+$0xFFFFFFB0];
	v5 =	vadd.f32 v14, v5  }
0xaa: {  	v4 =	vadd.f32 v0, v4;
	v9 =	vadd.f32 v1, v9;
	v3 =	vld [tilespmem:s24+$0xFFFFFFC0]  }
0xab: {  	v7 =	vadd.f32 v11, v7;
	v0 =	vld [tilespmem:s24+$0xFFFFFFD0];
	v5 =	vadd.f32 v15, v5  }
0xac: {  	v1 =	vld [tilespmem:s24+$0xFFFFFFE0]  }
0xad: {  	v11 =	vld [tilespmem:s24+$0xFFFFFF10]  }
0xae: {  	v14 =	vld [tilespmem:s24+$0xFFFFFF20]  }
0xaf: {  	v15 =	vld [tilespmem:s24+$0xFFFFFF30]  }
0xb0: {  	s23 =	sadd.s32 $0x2, s23;
	v20 =	vld [tilespmem:s24+$0xFFFFFF40]  }
0xb1: {  	p1 =	slt.u32 s23, $0x1E;
	v12 =	vld [tilespmem:s24+$0xFFFFFF50]  }
.Ltmp5:
0xb2: {  	v13 =	vld [tilespmem:s24+$0xFFFFFF60];
	(pc) =	sbr.rel @p1 .LBB2_9-.Ltmp5, $4  }
0xb3: {  	v10 =	vld [tilespmem:s24+$0xFFFFFF70]  }
0xb4: {  	v8 =	vadd.f32 v11, v8;
	v6 =	vadd.f32 v14, v6;
	v14 =	vld [tilespmem:s24+$0xFFFFFF80]  }
0xb5: {  	v17 =	vadd.f32 v15, v17;
	v16 =	vadd.f32 v20, v16;
	v11 =	vld [tilespmem:s24+$0xFFFFFFF0]  }
0xb6: {  	v8 =	vadd.f32 v18, v8;
	v6 =	vadd.f32 v19, v6;
	v15 =	vld [tilespmem:s24+$0x0];
	s24 =	sadd.s32 $0x100, s24  }
0xb7: {  	_ = 	snop  }
0xb8: {  	v2 =	vadd.f32 v2, v17;
	v4 =	vadd.f32 v12, v4;
	[tilespmem:$0x10180] =	vst v8  }
0xb9: {  	v3 =	vadd.f32 v3, v16;
	v8 =	vadd.f32 v13, v9;
	[tilespmem:$0x10190] =	vst v6  }
0xba: {  	v6 =	vadd.f32 v10, v7;
	v0 =	vadd.f32 v0, v4;
	[tilespmem:$0x101A0] =	vst v2  }
0xbb: {  	v2 =	vadd.f32 v14, v5;
	[tilespmem:$0x101B0] =	vst v3;
	v1 =	vadd.f32 v1, v8  }
0xbc: {  	v3 =	vadd.f32 v11, v6;
	[tilespmem:$0x101C0] =	vst v0  }
0xbd: {  	v0 =	vadd.f32 v15, v2;
	[tilespmem:$0x101D0] =	vst v1  }
0xbe: {  	[tilespmem:$0x101E0] =	vst v3  }
0xbf: {  	s24 =	simm.s32 $0x4000;
	[tilespmem:$0x101F0] =	vst v0  }
0xc0: {  	v5 =	vld [tilespmem:s24+$0x80]  }
0xc1: {  	v6 =	vld [tilespmem:s24+$0x90]  }
0xc2: {  	v2 =	vld [tilespmem:s24+$0xA0]  }
0xc3: {  	v3 =	vld [tilespmem:s24+$0xB0]  }
0xc4: {  	v0 =	vld [tilespmem:s24+$0xC0]  }
0xc5: {  	v7 =	vld [tilespmem:s24+$0x0]  }
0xc6: {  	v8 =	vld [tilespmem:s24+$0x10]  }
0xc7: {  	v9 =	vld [tilespmem:s24+$0x20]  }
0xc8: {  	v11 =	vld [tilespmem:s24+$0x30]  }
0xc9: {  	v1 =	vld [tilespmem:s24+$0xD0]  }
0xca: {  	v12 =	vld [tilespmem:s24+$0x40]  }
0xcb: {  	v4 =	vimm.f32 $0.0e+00;
	v13 =	vld [tilespmem:s24+$0x50]  }
0xcc: {  	v10 =	vld [tilespmem:s24+$0x60];
	v7 =	vadd.f32 v7, v4  }
0xcd: {  	v14 =	vld [tilespmem:s24+$0x70];
	v15 =	vadd.f32 v8, v4;
	v17 =	vadd.f32 v9, v4  }
0xce: {  	v16 =	vadd.f32 v11, v4;
	v11 =	vld [tilespmem:s24+$0xE0];
	v9 =	vimm.f32 $0.0e+00;
	v8 =	vadd.f32 v5, v7  }
0xcf: {  	s23 =	simm.s32 $0x0;
	v6 =	vadd.f32 v6, v15;
	v15 =	vld [tilespmem:s24+$0xF0];
	s24 =	simm.s32 $0x4100;
	v7 =	vimm.f32 $0.0e+00;
	v5 =	vimm.f32 $0.0e+00  }
.LBB2_11:
0xd0: {  	v18 =	vld [tilespmem:s24+$0x80];
	v17 =	vadd.f32 v2, v17;
	v16 =	vadd.f32 v3, v16  }
0xd1: {  	v4 =	vadd.f32 v12, v4;
	v9 =	vadd.f32 v13, v9;
	v19 =	vld [tilespmem:s24+$0x90]  }
0xd2: {  	v7 =	vadd.f32 v10, v7;
	v2 =	vld [tilespmem:s24+$0xA0];
	v5 =	vadd.f32 v14, v5  }
0xd3: {  	v4 =	vadd.f32 v0, v4;
	v9 =	vadd.f32 v1, v9;
	v3 =	vld [tilespmem:s24+$0xB0]  }
0xd4: {  	v7 =	vadd.f32 v11, v7;
	v0 =	vld [tilespmem:s24+$0xC0];
	v5 =	vadd.f32 v15, v5  }
0xd5: {  	v1 =	vld [tilespmem:s24+$0xD0]  }
0xd6: {  	v11 =	vld [tilespmem:s24+$0x0]  }
0xd7: {  	v14 =	vld [tilespmem:s24+$0x10]  }
0xd8: {  	v15 =	vld [tilespmem:s24+$0x20]  }
0xd9: {  	s23 =	sadd.s32 $0x2, s23;
	v20 =	vld [tilespmem:s24+$0x30]  }
0xda: {  	p1 =	slt.u32 s23, $0x1E;
	v12 =	vld [tilespmem:s24+$0x40]  }
.Ltmp6:
0xdb: {  	v13 =	vld [tilespmem:s24+$0x50];
	(pc) =	sbr.rel @p1 .LBB2_11-.Ltmp6, $4  }
0xdc: {  	v10 =	vld [tilespmem:s24+$0x60]  }
0xdd: {  	v8 =	vadd.f32 v11, v8;
	v6 =	vadd.f32 v14, v6;
	v14 =	vld [tilespmem:s24+$0x70]  }
0xde: {  	v17 =	vadd.f32 v15, v17;
	v16 =	vadd.f32 v20, v16;
	v11 =	vld [tilespmem:s24+$0xE0]  }
0xdf: {  	v8 =	vadd.f32 v18, v8;
	v6 =	vadd.f32 v19, v6;
	v15 =	vld [tilespmem:s24+$0xF0];
	s24 =	sadd.s32 $0x100, s24  }
0xe0: {  	_ = 	snop  }
0xe1: {  	v2 =	vadd.f32 v2, v17;
	v4 =	vadd.f32 v12, v4;
	[tilespmem:$0x10200] =	vst v8  }
0xe2: {  	v3 =	vadd.f32 v3, v16;
	v8 =	vadd.f32 v13, v9;
	[tilespmem:$0x10210] =	vst v6  }
0xe3: {  	v6 =	vadd.f32 v10, v7;
	v0 =	vadd.f32 v0, v4;
	[tilespmem:$0x10220] =	vst v2  }
0xe4: {  	v2 =	vadd.f32 v14, v5;
	[tilespmem:$0x10230] =	vst v3;
	v1 =	vadd.f32 v1, v8  }
0xe5: {  	v3 =	vadd.f32 v11, v6;
	[tilespmem:$0x10240] =	vst v0  }
0xe6: {  	v0 =	vadd.f32 v15, v2;
	[tilespmem:$0x10250] =	vst v1  }
0xe7: {  	[tilespmem:$0x10260] =	vst v3  }
0xe8: {  	s24 =	simm.s32 $0x5000;
	[tilespmem:$0x10270] =	vst v0  }
0xe9: {  	v5 =	vld [tilespmem:s24+$0x80]  }
0xea: {  	v6 =	vld [tilespmem:s24+$0x90]  }
0xeb: {  	v2 =	vld [tilespmem:s24+$0xA0]  }
0xec: {  	v3 =	vld [tilespmem:s24+$0xB0]  }
0xed: {  	v0 =	vld [tilespmem:s24+$0xC0]  }
0xee: {  	v7 =	vld [tilespmem:s24+$0x0]  }
0xef: {  	v8 =	vld [tilespmem:s24+$0x10]  }
0xf0: {  	v9 =	vld [tilespmem:s24+$0x20]  }
0xf1: {  	v11 =	vld [tilespmem:s24+$0x30]  }
0xf2: {  	v1 =	vld [tilespmem:s24+$0xD0]  }
0xf3: {  	v12 =	vld [tilespmem:s24+$0x40]  }
0xf4: {  	v4 =	vimm.f32 $0.0e+00;
	v13 =	vld [tilespmem:s24+$0x50]  }
0xf5: {  	v10 =	vld [tilespmem:s24+$0x60];
	v7 =	vadd.f32 v7, v4  }
0xf6: {  	v14 =	vld [tilespmem:s24+$0x70];
	v15 =	vadd.f32 v8, v4;
	v17 =	vadd.f32 v9, v4  }
0xf7: {  	v16 =	vadd.f32 v11, v4;
	v11 =	vld [tilespmem:s24+$0xE0];
	v9 =	vimm.f32 $0.0e+00;
	v8 =	vadd.f32 v5, v7  }
0xf8: {  	s23 =	simm.s32 $0x0;
	v6 =	vadd.f32 v6, v15;
	v15 =	vld [tilespmem:s24+$0xF0];
	s24 =	simm.s32 $0x5100;
	v7 =	vimm.f32 $0.0e+00;
	v5 =	vimm.f32 $0.0e+00  }
.LBB2_13:
0xf9: {  	v18 =	vld [tilespmem:s24+$0x80];
	v17 =	vadd.f32 v2, v17;
	v16 =	vadd.f32 v3, v16  }
0xfa: {  	v4 =	vadd.f32 v12, v4;
	v9 =	vadd.f32 v13, v9;
	v19 =	vld [tilespmem:s24+$0x90]  }
0xfb: {  	v7 =	vadd.f32 v10, v7;
	v2 =	vld [tilespmem:s24+$0xA0];
	v5 =	vadd.f32 v14, v5  }
0xfc: {  	v4 =	vadd.f32 v0, v4;
	v9 =	vadd.f32 v1, v9;
	v3 =	vld [tilespmem:s24+$0xB0]  }
0xfd: {  	v7 =	vadd.f32 v11, v7;
	v0 =	vld [tilespmem:s24+$0xC0];
	v5 =	vadd.f32 v15, v5  }
0xfe: {  	v1 =	vld [tilespmem:s24+$0xD0]  }
0xff: {  	v11 =	vld [tilespmem:s24+$0x0]  }
0x100: {  	v14 =	vld [tilespmem:s24+$0x10]  }
0x101: {  	v15 =	vld [tilespmem:s24+$0x20]  }
0x102: {  	s23 =	sadd.s32 $0x2, s23;
	v20 =	vld [tilespmem:s24+$0x30]  }
0x103: {  	p1 =	slt.u32 s23, $0x1E;
	v12 =	vld [tilespmem:s24+$0x40]  }
.Ltmp7:
0x104: {  	v13 =	vld [tilespmem:s24+$0x50];
	(pc) =	sbr.rel @p1 .LBB2_13-.Ltmp7, $4  }
0x105: {  	v10 =	vld [tilespmem:s24+$0x60]  }
0x106: {  	v8 =	vadd.f32 v11, v8;
	v6 =	vadd.f32 v14, v6;
	v14 =	vld [tilespmem:s24+$0x70]  }
0x107: {  	v17 =	vadd.f32 v15, v17;
	v16 =	vadd.f32 v20, v16;
	v11 =	vld [tilespmem:s24+$0xE0]  }
0x108: {  	v8 =	vadd.f32 v18, v8;
	v6 =	vadd.f32 v19, v6;
	v15 =	vld [tilespmem:s24+$0xF0];
	s24 =	sadd.s32 $0x100, s24  }
0x109: {  	_ = 	snop  }
0x10a: {  	v2 =	vadd.f32 v2, v17;
	v4 =	vadd.f32 v12, v4;
	[tilespmem:$0x10280] =	vst v8  }
0x10b: {  	v3 =	vadd.f32 v3, v16;
	v8 =	vadd.f32 v13, v9;
	[tilespmem:$0x10290] =	vst v6  }
0x10c: {  	v6 =	vadd.f32 v10, v7;
	v0 =	vadd.f32 v0, v4;
	[tilespmem:$0x102A0] =	vst v2  }
0x10d: {  	v2 =	vadd.f32 v14, v5;
	[tilespmem:$0x102B0] =	vst v3;
	v1 =	vadd.f32 v1, v8  }
0x10e: {  	v3 =	vadd.f32 v11, v6;
	[tilespmem:$0x102C0] =	vst v0  }
0x10f: {  	v0 =	vadd.f32 v15, v2;
	[tilespmem:$0x102D0] =	vst v1  }
0x110: {  	[tilespmem:$0x102E0] =	vst v3  }
0x111: {  	s24 =	simm.s32 $0x6000;
	[tilespmem:$0x102F0] =	vst v0  }
0x112: {  	v5 =	vld [tilespmem:s24+$0x80]  }
0x113: {  	v6 =	vld [tilespmem:s24+$0x90]  }
0x114: {  	v2 =	vld [tilespmem:s24+$0xA0]  }
0x115: {  	v3 =	vld [tilespmem:s24+$0xB0]  }
0x116: {  	v0 =	vld [tilespmem:s24+$0xC0]  }
0x117: {  	v7 =	vld [tilespmem:s24+$0x0]  }
0x118: {  	v8 =	vld [tilespmem:s24+$0x10]  }
0x119: {  	v9 =	vld [tilespmem:s24+$0x20]  }
0x11a: {  	v11 =	vld [tilespmem:s24+$0x30]  }
0x11b: {  	v1 =	vld [tilespmem:s24+$0xD0]  }
0x11c: {  	v12 =	vld [tilespmem:s24+$0x40]  }
0x11d: {  	v4 =	vimm.f32 $0.0e+00;
	v13 =	vld [tilespmem:s24+$0x50]  }
0x11e: {  	v10 =	vld [tilespmem:s24+$0x60];
	v7 =	vadd.f32 v7, v4  }
0x11f: {  	v14 =	vld [tilespmem:s24+$0x70];
	v15 =	vadd.f32 v8, v4;
	v17 =	vadd.f32 v9, v4  }
0x120: {  	v16 =	vadd.f32 v11, v4;
	v11 =	vld [tilespmem:s24+$0xE0];
	v9 =	vimm.f32 $0.0e+00;
	v8 =	vadd.f32 v5, v7  }
0x121: {  	s23 =	simm.s32 $0x0;
	v6 =	vadd.f32 v6, v15;
	v15 =	vld [tilespmem:s24+$0xF0];
	s24 =	simm.s32 $0x6100;
	v7 =	vimm.f32 $0.0e+00;
	v5 =	vimm.f32 $0.0e+00  }
.LBB2_15:
0x122: {  	v18 =	vld [tilespmem:s24+$0x80];
	v17 =	vadd.f32 v2, v17;
	v16 =	vadd.f32 v3, v16  }
0x123: {  	v4 =	vadd.f32 v12, v4;
	v9 =	vadd.f32 v13, v9;
	v19 =	vld [tilespmem:s24+$0x90]  }
0x124: {  	v7 =	vadd.f32 v10, v7;
	v2 =	vld [tilespmem:s24+$0xA0];
	v5 =	vadd.f32 v14, v5  }
0x125: {  	v4 =	vadd.f32 v0, v4;
	v9 =	vadd.f32 v1, v9;
	v3 =	vld [tilespmem:s24+$0xB0]  }
0x126: {  	v7 =	vadd.f32 v11, v7;
	v0 =	vld [tilespmem:s24+$0xC0];
	v5 =	vadd.f32 v15, v5  }
0x127: {  	v1 =	vld [tilespmem:s24+$0xD0]  }
0x128: {  	v11 =	vld [tilespmem:s24+$0x0]  }
0x129: {  	v14 =	vld [tilespmem:s24+$0x10]  }
0x12a: {  	v15 =	vld [tilespmem:s24+$0x20]  }
0x12b: {  	s23 =	sadd.s32 $0x2, s23;
	v20 =	vld [tilespmem:s24+$0x30]  }
0x12c: {  	p1 =	slt.u32 s23, $0x1E;
	v12 =	vld [tilespmem:s24+$0x40]  }
.Ltmp8:
0x12d: {  	v13 =	vld [tilespmem:s24+$0x50];
	(pc) =	sbr.rel @p1 .LBB2_15-.Ltmp8, $4  }
0x12e: {  	v10 =	vld [tilespmem:s24+$0x60]  }
0x12f: {  	v8 =	vadd.f32 v11, v8;
	v6 =	vadd.f32 v14, v6;
	v14 =	vld [tilespmem:s24+$0x70]  }
0x130: {  	v17 =	vadd.f32 v15, v17;
	v16 =	vadd.f32 v20, v16;
	v11 =	vld [tilespmem:s24+$0xE0]  }
0x131: {  	v8 =	vadd.f32 v18, v8;
	v6 =	vadd.f32 v19, v6;
	v15 =	vld [tilespmem:s24+$0xF0];
	s24 =	sadd.s32 $0x100, s24  }
0x132: {  	_ = 	snop  }
0x133: {  	v2 =	vadd.f32 v2, v17;
	v4 =	vadd.f32 v12, v4;
	[tilespmem:$0x10300] =	vst v8  }
0x134: {  	v3 =	vadd.f32 v3, v16;
	v8 =	vadd.f32 v13, v9;
	[tilespmem:$0x10310] =	vst v6  }
0x135: {  	v6 =	vadd.f32 v10, v7;
	v0 =	vadd.f32 v0, v4;
	[tilespmem:$0x10320] =	vst v2  }
0x136: {  	v2 =	vadd.f32 v14, v5;
	[tilespmem:$0x10330] =	vst v3;
	v1 =	vadd.f32 v1, v8  }
0x137: {  	v3 =	vadd.f32 v11, v6;
	[tilespmem:$0x10340] =	vst v0  }
0x138: {  	v0 =	vadd.f32 v15, v2;
	[tilespmem:$0x10350] =	vst v1  }
0x139: {  	[tilespmem:$0x10360] =	vst v3  }
0x13a: {  	s24 =	simm.s32 $0x7000;
	[tilespmem:$0x10370] =	vst v0  }
0x13b: {  	v5 =	vld [tilespmem:s24+$0x80]  }
0x13c: {  	v6 =	vld [tilespmem:s24+$0x90]  }
0x13d: {  	v2 =	vld [tilespmem:s24+$0xA0]  }
0x13e: {  	v3 =	vld [tilespmem:s24+$0xB0]  }
0x13f: {  	v0 =	vld [tilespmem:s24+$0xC0]  }
0x140: {  	v7 =	vld [tilespmem:s24+$0x0]  }
0x141: {  	v8 =	vld [tilespmem:s24+$0x10]  }
0x142: {  	v9 =	vld [tilespmem:s24+$0x20]  }
0x143: {  	v11 =	vld [tilespmem:s24+$0x30]  }
0x144: {  	v1 =	vld [tilespmem:s24+$0xD0]  }
0x145: {  	v12 =	vld [tilespmem:s24+$0x40]  }
0x146: {  	v4 =	vimm.f32 $0.0e+00;
	v13 =	vld [tilespmem:s24+$0x50]  }
0x147: {  	v10 =	vld [tilespmem:s24+$0x60];
	v7 =	vadd.f32 v7, v4  }
0x148: {  	v14 =	vld [tilespmem:s24+$0x70];
	v15 =	vadd.f32 v8, v4;
	v17 =	vadd.f32 v9, v4  }
0x149: {  	v16 =	vadd.f32 v11, v4;
	v11 =	vld [tilespmem:s24+$0xE0];
	v9 =	vimm.f32 $0.0e+00;
	v8 =	vadd.f32 v5, v7  }
0x14a: {  	s23 =	simm.s32 $0x0;
	v6 =	vadd.f32 v6, v15;
	v15 =	vld [tilespmem:s24+$0xF0];
	s24 =	simm.s32 $0x7100;
	v7 =	vimm.f32 $0.0e+00;
	v5 =	vimm.f32 $0.0e+00  }
.LBB2_17:
0x14b: {  	v18 =	vld [tilespmem:s24+$0x80];
	v17 =	vadd.f32 v2, v17;
	v16 =	vadd.f32 v3, v16  }
0x14c: {  	v4 =	vadd.f32 v12, v4;
	v9 =	vadd.f32 v13, v9;
	v19 =	vld [tilespmem:s24+$0x90]  }
0x14d: {  	v7 =	vadd.f32 v10, v7;
	v2 =	vld [tilespmem:s24+$0xA0];
	v5 =	vadd.f32 v14, v5  }
0x14e: {  	v4 =	vadd.f32 v0, v4;
	v9 =	vadd.f32 v1, v9;
	v3 =	vld [tilespmem:s24+$0xB0]  }
0x14f: {  	v7 =	vadd.f32 v11, v7;
	v0 =	vld [tilespmem:s24+$0xC0];
	v5 =	vadd.f32 v15, v5  }
0x150: {  	v1 =	vld [tilespmem:s24+$0xD0]  }
0x151: {  	v11 =	vld [tilespmem:s24+$0x0]  }
0x152: {  	v14 =	vld [tilespmem:s24+$0x10]  }
0x153: {  	v15 =	vld [tilespmem:s24+$0x20]  }
0x154: {  	s23 =	sadd.s32 $0x2, s23;
	v20 =	vld [tilespmem:s24+$0x30]  }
0x155: {  	p1 =	slt.u32 s23, $0x1E;
	v12 =	vld [tilespmem:s24+$0x40]  }
.Ltmp9:
0x156: {  	v13 =	vld [tilespmem:s24+$0x50];
	(pc) =	sbr.rel @p1 .LBB2_17-.Ltmp9, $4  }
0x157: {  	v10 =	vld [tilespmem:s24+$0x60]  }
0x158: {  	v8 =	vadd.f32 v11, v8;
	v6 =	vadd.f32 v14, v6;
	v14 =	vld [tilespmem:s24+$0x70]  }
0x159: {  	v17 =	vadd.f32 v15, v17;
	v16 =	vadd.f32 v20, v16;
	v11 =	vld [tilespmem:s24+$0xE0]  }
0x15a: {  	v8 =	vadd.f32 v18, v8;
	v6 =	vadd.f32 v19, v6;
	v15 =	vld [tilespmem:s24+$0xF0];
	s24 =	sadd.s32 $0x100, s24  }
0x15b: {  	_ = 	snop  }
0x15c: {  	v2 =	vadd.f32 v2, v17;
	v4 =	vadd.f32 v12, v4;
	[tilespmem:$0x10380] =	vst v8  }
0x15d: {  	v3 =	vadd.f32 v3, v16;
	v8 =	vadd.f32 v13, v9;
	[tilespmem:$0x10390] =	vst v6  }
0x15e: {  	v6 =	vadd.f32 v10, v7;
	v0 =	vadd.f32 v0, v4;
	[tilespmem:$0x103A0] =	vst v2  }
0x15f: {  	v2 =	vadd.f32 v14, v5;
	[tilespmem:$0x103B0] =	vst v3;
	v1 =	vadd.f32 v1, v8  }
0x160: {  	v3 =	vadd.f32 v11, v6;
	[tilespmem:$0x103C0] =	vst v0  }
0x161: {  	v0 =	vadd.f32 v15, v2;
	[tilespmem:$0x103D0] =	vst v1  }
0x162: {  	s22 =	sshll.u32 s22, $0x4;
	[tilespmem:$0x103E0] =	vst v3  }
0x163: {  	p1 =	seq.s32 s20, $0x13;
	s22 =	sadd.s32 s3, s22;
	[tilespmem:$0x103F0] =	vst v0  }
0x164: {  	[hbm4b:s22+s4] =	stream.linear.scatter [tilespmem:s14], [sflag:$0x3], $0x400, $0x38;
	[tilespmem:$0x10800] =	vst v63  }
0x165: {  	s22 =	sadd.s32 @!p1 s21, s9  }
0x166: {  	s22 =	smin.u32 @!p1 s22, $0x2708  }
0x167: {  	s22 =	sshll.u32 @!p1 s22, $0x9  }
0x168: {  	s23 =	simm.s32 @!p1 $0x0;
	s22 =	sadd.s32 @!p1 s2, s22  }
0x169: {  	[tilespmem:s23], [sflag:$0x1] =	stream.linear.gather @!p1 [hbm4b:s22+s23], $0x8000, $0x38;
	[tilespmem:$0x10800] =	vst v63  }
0x16a: {  	_ =	swait.ge [sflag:s15], $0x8000  }
0x16b: {  	[sflag:s15] =	ssyncset.done $0x0  }
0x16c: {  	s22 =	simm.s32 @!p0 $0x4;
	[sflag:s15] =	ssyncadd.s32 $0xFFFF8000  }
0x16d: {  	_ =	swait.ge @!p0 [sflag:s22], $0x400  }
0x16e: {  	[sflag:s22] =	ssyncset.done @!p0 $0x0  }
0x16f: {  	s24 =	simm.s32 $0x8080;
	[sflag:s22] =	ssyncadd.s32 @!p0 $0xFFFFFC00  }
0x170: {  	v5 =	vld [tilespmem:s24+$0x0]  }
0x171: {  	v6 =	vld [tilespmem:s24+$0x10]  }
0x172: {  	v2 =	vld [tilespmem:s24+$0x20]  }
0x173: {  	v3 =	vld [tilespmem:s24+$0x30]  }
0x174: {  	v0 =	vld [tilespmem:s24+$0x40]  }
0x175: {  	v7 =	vld [tilespmem:s24+$0xFFFFFF80]  }
0x176: {  	v8 =	vld [tilespmem:s24+$0xFFFFFF90]  }
0x177: {  	v9 =	vld [tilespmem:s24+$0xFFFFFFA0]  }
0x178: {  	v13 =	vld [tilespmem:s24+$0xFFFFFFB0]  }
0x179: {  	v1 =	vld [tilespmem:s24+$0x50]  }
0x17a: {  	v11 =	vld [tilespmem:s24+$0xFFFFFFC0]  }
0x17b: {  	v4 =	vimm.f32 $0.0e+00;
	v12 =	vld [tilespmem:s24+$0xFFFFFFD0]  }
0x17c: {  	v10 =	vld [tilespmem:s24+$0xFFFFFFE0];
	v7 =	vadd.f32 v7, v4  }
0x17d: {  	v14 =	vld [tilespmem:s24+$0xFFFFFFF0];
	v8 =	vadd.f32 v8, v4;
	v17 =	vadd.f32 v9, v4  }
0x17e: {  	s31 =	sadd.s32 s21, s6;
	v15 =	vld [tilespmem:s24+$0x70];
	v16 =	vadd.f32 v13, v4;
	v9 =	vimm.f32 $0.0e+00;
	v7 =	vadd.f32 v5, v7  }
0x17f: {  	s23 =	simm.s32 $0x0;
	s22 =	smin.u32 s31, $0x2708;
	v13 =	vld [tilespmem:s24+$0x60];
	s24 =	simm.s32 $0x8180;
	v5 =	vadd.f32 v6, v8;
	v8 =	vimm.f32 $0.0e+00;
	v6 =	vimm.f32 $0.0e+00  }
.LBB2_19:
0x180: {  	v18 =	vld [tilespmem:s24+$0x0];
	v17 =	vadd.f32 v2, v17;
	v16 =	vadd.f32 v3, v16  }
0x181: {  	v4 =	vadd.f32 v11, v4;
	v9 =	vadd.f32 v12, v9;
	v19 =	vld [tilespmem:s24+$0x10]  }
0x182: {  	v8 =	vadd.f32 v10, v8;
	v2 =	vld [tilespmem:s24+$0x20];
	v6 =	vadd.f32 v14, v6  }
0x183: {  	v4 =	vadd.f32 v0, v4;
	v9 =	vadd.f32 v1, v9;
	v3 =	vld [tilespmem:s24+$0x30]  }
0x184: {  	v8 =	vadd.f32 v13, v8;
	v0 =	vld [tilespmem:s24+$0x40];
	v6 =	vadd.f32 v15, v6  }
0x185: {  	v1 =	vld [tilespmem:s24+$0x50]  }
0x186: {  	v13 =	vld [tilespmem:s24+$0xFFFFFF80]  }
0x187: {  	v14 =	vld [tilespmem:s24+$0xFFFFFF90]  }
0x188: {  	v15 =	vld [tilespmem:s24+$0xFFFFFFA0]  }
0x189: {  	s23 =	sadd.s32 $0x2, s23;
	v20 =	vld [tilespmem:s24+$0xFFFFFFB0]  }
0x18a: {  	p0 =	slt.u32 s23, $0x1E;
	v11 =	vld [tilespmem:s24+$0xFFFFFFC0]  }
.Ltmp10:
0x18b: {  	v12 =	vld [tilespmem:s24+$0xFFFFFFD0];
	(pc) =	sbr.rel @p0 .LBB2_19-.Ltmp10, $4  }
0x18c: {  	v10 =	vld [tilespmem:s24+$0xFFFFFFE0]  }
0x18d: {  	v7 =	vadd.f32 v13, v7;
	v5 =	vadd.f32 v14, v5;
	v14 =	vld [tilespmem:s24+$0xFFFFFFF0]  }
0x18e: {  	v17 =	vadd.f32 v15, v17;
	v16 =	vadd.f32 v20, v16;
	v13 =	vld [tilespmem:s24+$0x60]  }
0x18f: {  	v7 =	vadd.f32 v18, v7;
	v5 =	vadd.f32 v19, v5;
	v15 =	vld [tilespmem:s24+$0x70];
	s24 =	sadd.s32 $0x100, s24  }
0x190: {  	_ = 	snop  }
0x191: {  	v2 =	vadd.f32 v2, v17;
	v4 =	vadd.f32 v11, v4;
	[tilespmem:$0x10400] =	vst v7  }
0x192: {  	v3 =	vadd.f32 v3, v16;
	v7 =	vadd.f32 v12, v9;
	[tilespmem:$0x10410] =	vst v5  }
0x193: {  	v5 =	vadd.f32 v10, v8;
	v0 =	vadd.f32 v0, v4;
	[tilespmem:$0x10420] =	vst v2  }
0x194: {  	v2 =	vadd.f32 v14, v6;
	[tilespmem:$0x10430] =	vst v3;
	v1 =	vadd.f32 v1, v7  }
0x195: {  	v3 =	vadd.f32 v13, v5;
	[tilespmem:$0x10440] =	vst v0  }
0x196: {  	v0 =	vadd.f32 v15, v2;
	[tilespmem:$0x10450] =	vst v1  }
0x197: {  	[tilespmem:$0x10460] =	vst v3  }
0x198: {  	s24 =	simm.s32 $0x90F0;
	[tilespmem:$0x10470] =	vst v0  }
0x199: {  	v5 =	vld [tilespmem:s24+$0xFFFFFF90]  }
0x19a: {  	v6 =	vld [tilespmem:s24+$0xFFFFFFA0]  }
0x19b: {  	v2 =	vld [tilespmem:s24+$0xFFFFFFB0]  }
0x19c: {  	v3 =	vld [tilespmem:s24+$0xFFFFFFC0]  }
0x19d: {  	v0 =	vld [tilespmem:s24+$0xFFFFFFD0]  }
0x19e: {  	v7 =	vld [tilespmem:s24+$0xFFFFFF10]  }
0x19f: {  	v8 =	vld [tilespmem:s24+$0xFFFFFF20]  }
0x1a0: {  	v9 =	vld [tilespmem:s24+$0xFFFFFF30]  }
0x1a1: {  	v11 =	vld [tilespmem:s24+$0xFFFFFF40]  }
0x1a2: {  	v1 =	vld [tilespmem:s24+$0xFFFFFFE0]  }
0x1a3: {  	v12 =	vld [tilespmem:s24+$0xFFFFFF50]  }
0x1a4: {  	v4 =	vimm.f32 $0.0e+00;
	v13 =	vld [tilespmem:s24+$0xFFFFFF60]  }
0x1a5: {  	v10 =	vld [tilespmem:s24+$0xFFFFFF70];
	v7 =	vadd.f32 v7, v4  }
0x1a6: {  	v14 =	vld [tilespmem:s24+$0xFFFFFF80];
	v15 =	vadd.f32 v8, v4;
	v17 =	vadd.f32 v9, v4  }
0x1a7: {  	v16 =	vadd.f32 v11, v4;
	v11 =	vld [tilespmem:s24+$0xFFFFFFF0];
	v9 =	vimm.f32 $0.0e+00;
	v8 =	vadd.f32 v5, v7  }
0x1a8: {  	s23 =	simm.s32 $0x0;
	v6 =	vadd.f32 v6, v15;
	v15 =	vld [tilespmem:s24+$0x0];
	s24 =	simm.s32 $0x91F0;
	v7 =	vimm.f32 $0.0e+00;
	v5 =	vimm.f32 $0.0e+00  }
.LBB2_21:
0x1a9: {  	v18 =	vld [tilespmem:s24+$0xFFFFFF90];
	v17 =	vadd.f32 v2, v17;
	v16 =	vadd.f32 v3, v16  }
0x1aa: {  	v4 =	vadd.f32 v12, v4;
	v9 =	vadd.f32 v13, v9;
	v19 =	vld [tilespmem:s24+$0xFFFFFFA0]  }
0x1ab: {  	v7 =	vadd.f32 v10, v7;
	v2 =	vld [tilespmem:s24+$0xFFFFFFB0];
	v5 =	vadd.f32 v14, v5  }
0x1ac: {  	v4 =	vadd.f32 v0, v4;
	v9 =	vadd.f32 v1, v9;
	v3 =	vld [tilespmem:s24+$0xFFFFFFC0]  }
0x1ad: {  	v7 =	vadd.f32 v11, v7;
	v0 =	vld [tilespmem:s24+$0xFFFFFFD0];
	v5 =	vadd.f32 v15, v5  }
0x1ae: {  	v1 =	vld [tilespmem:s24+$0xFFFFFFE0]  }
0x1af: {  	v11 =	vld [tilespmem:s24+$0xFFFFFF10]  }
0x1b0: {  	v14 =	vld [tilespmem:s24+$0xFFFFFF20]  }
0x1b1: {  	v15 =	vld [tilespmem:s24+$0xFFFFFF30]  }
0x1b2: {  	s23 =	sadd.s32 $0x2, s23;
	v20 =	vld [tilespmem:s24+$0xFFFFFF40]  }
0x1b3: {  	p0 =	slt.u32 s23, $0x1E;
	v12 =	vld [tilespmem:s24+$0xFFFFFF50]  }
.Ltmp11:
0x1b4: {  	v13 =	vld [tilespmem:s24+$0xFFFFFF60];
	(pc) =	sbr.rel @p0 .LBB2_21-.Ltmp11, $4  }
0x1b5: {  	v10 =	vld [tilespmem:s24+$0xFFFFFF70]  }
0x1b6: {  	v8 =	vadd.f32 v11, v8;
	v6 =	vadd.f32 v14, v6;
	v14 =	vld [tilespmem:s24+$0xFFFFFF80]  }
0x1b7: {  	v17 =	vadd.f32 v15, v17;
	v16 =	vadd.f32 v20, v16;
	v11 =	vld [tilespmem:s24+$0xFFFFFFF0]  }
0x1b8: {  	v8 =	vadd.f32 v18, v8;
	v6 =	vadd.f32 v19, v6;
	v15 =	vld [tilespmem:s24+$0x0];
	s24 =	sadd.s32 $0x100, s24  }
0x1b9: {  	_ = 	snop  }
0x1ba: {  	v2 =	vadd.f32 v2, v17;
	v4 =	vadd.f32 v12, v4;
	[tilespmem:$0x10480] =	vst v8  }
0x1bb: {  	v3 =	vadd.f32 v3, v16;
	v8 =	vadd.f32 v13, v9;
	[tilespmem:$0x10490] =	vst v6  }
0x1bc: {  	v6 =	vadd.f32 v10, v7;
	v0 =	vadd.f32 v0, v4;
	[tilespmem:$0x104A0] =	vst v2  }
0x1bd: {  	v2 =	vadd.f32 v14, v5;
	[tilespmem:$0x104B0] =	vst v3;
	v1 =	vadd.f32 v1, v8  }
0x1be: {  	v3 =	vadd.f32 v11, v6;
	[tilespmem:$0x104C0] =	vst v0  }
0x1bf: {  	v0 =	vadd.f32 v15, v2;
	[tilespmem:$0x104D0] =	vst v1  }
0x1c0: {  	[tilespmem:$0x104E0] =	vst v3  }
0x1c1: {  	s24 =	simm.s32 $0xA0F0;
	[tilespmem:$0x104F0] =	vst v0  }
0x1c2: {  	v5 =	vld [tilespmem:s24+$0xFFFFFF90]  }
0x1c3: {  	v6 =	vld [tilespmem:s24+$0xFFFFFFA0]  }
0x1c4: {  	v2 =	vld [tilespmem:s24+$0xFFFFFFB0]  }
0x1c5: {  	v3 =	vld [tilespmem:s24+$0xFFFFFFC0]  }
0x1c6: {  	v0 =	vld [tilespmem:s24+$0xFFFFFFD0]  }
0x1c7: {  	v7 =	vld [tilespmem:s24+$0xFFFFFF10]  }
0x1c8: {  	v8 =	vld [tilespmem:s24+$0xFFFFFF20]  }
0x1c9: {  	v9 =	vld [tilespmem:s24+$0xFFFFFF30]  }
0x1ca: {  	v11 =	vld [tilespmem:s24+$0xFFFFFF40]  }
0x1cb: {  	v1 =	vld [tilespmem:s24+$0xFFFFFFE0]  }
0x1cc: {  	v12 =	vld [tilespmem:s24+$0xFFFFFF50]  }
0x1cd: {  	v4 =	vimm.f32 $0.0e+00;
	v13 =	vld [tilespmem:s24+$0xFFFFFF60]  }
0x1ce: {  	v10 =	vld [tilespmem:s24+$0xFFFFFF70];
	v7 =	vadd.f32 v7, v4  }
0x1cf: {  	v14 =	vld [tilespmem:s24+$0xFFFFFF80];
	v15 =	vadd.f32 v8, v4;
	v17 =	vadd.f32 v9, v4  }
0x1d0: {  	v16 =	vadd.f32 v11, v4;
	v11 =	vld [tilespmem:s24+$0xFFFFFFF0];
	v9 =	vimm.f32 $0.0e+00;
	v8 =	vadd.f32 v5, v7  }
0x1d1: {  	s23 =	simm.s32 $0x0;
	v6 =	vadd.f32 v6, v15;
	v15 =	vld [tilespmem:s24+$0x0];
	s24 =	simm.s32 $0xA1F0;
	v7 =	vimm.f32 $0.0e+00;
	v5 =	vimm.f32 $0.0e+00  }
.LBB2_23:
0x1d2: {  	v18 =	vld [tilespmem:s24+$0xFFFFFF90];
	v17 =	vadd.f32 v2, v17;
	v16 =	vadd.f32 v3, v16  }
0x1d3: {  	v4 =	vadd.f32 v12, v4;
	v9 =	vadd.f32 v13, v9;
	v19 =	vld [tilespmem:s24+$0xFFFFFFA0]  }
0x1d4: {  	v7 =	vadd.f32 v10, v7;
	v2 =	vld [tilespmem:s24+$0xFFFFFFB0];
	v5 =	vadd.f32 v14, v5  }
0x1d5: {  	v4 =	vadd.f32 v0, v4;
	v9 =	vadd.f32 v1, v9;
	v3 =	vld [tilespmem:s24+$0xFFFFFFC0]  }
0x1d6: {  	v7 =	vadd.f32 v11, v7;
	v0 =	vld [tilespmem:s24+$0xFFFFFFD0];
	v5 =	vadd.f32 v15, v5  }
0x1d7: {  	v1 =	vld [tilespmem:s24+$0xFFFFFFE0]  }
0x1d8: {  	v11 =	vld [tilespmem:s24+$0xFFFFFF10]  }
0x1d9: {  	v14 =	vld [tilespmem:s24+$0xFFFFFF20]  }
0x1da: {  	v15 =	vld [tilespmem:s24+$0xFFFFFF30]  }
0x1db: {  	s23 =	sadd.s32 $0x2, s23;
	v20 =	vld [tilespmem:s24+$0xFFFFFF40]  }
0x1dc: {  	p0 =	slt.u32 s23, $0x1E;
	v12 =	vld [tilespmem:s24+$0xFFFFFF50]  }
.Ltmp12:
0x1dd: {  	v13 =	vld [tilespmem:s24+$0xFFFFFF60];
	(pc) =	sbr.rel @p0 .LBB2_23-.Ltmp12, $4  }
0x1de: {  	v10 =	vld [tilespmem:s24+$0xFFFFFF70]  }
0x1df: {  	v8 =	vadd.f32 v11, v8;
	v6 =	vadd.f32 v14, v6;
	v14 =	vld [tilespmem:s24+$0xFFFFFF80]  }
0x1e0: {  	v17 =	vadd.f32 v15, v17;
	v16 =	vadd.f32 v20, v16;
	v11 =	vld [tilespmem:s24+$0xFFFFFFF0]  }
0x1e1: {  	v8 =	vadd.f32 v18, v8;
	v6 =	vadd.f32 v19, v6;
	v15 =	vld [tilespmem:s24+$0x0];
	s24 =	sadd.s32 $0x100, s24  }
0x1e2: {  	_ = 	snop  }
0x1e3: {  	v2 =	vadd.f32 v2, v17;
	v4 =	vadd.f32 v12, v4;
	[tilespmem:$0x10500] =	vst v8  }
0x1e4: {  	v3 =	vadd.f32 v3, v16;
	v8 =	vadd.f32 v13, v9;
	[tilespmem:$0x10510] =	vst v6  }
0x1e5: {  	v6 =	vadd.f32 v10, v7;
	v0 =	vadd.f32 v0, v4;
	[tilespmem:$0x10520] =	vst v2  }
0x1e6: {  	v2 =	vadd.f32 v14, v5;
	[tilespmem:$0x10530] =	vst v3;
	v1 =	vadd.f32 v1, v8  }
0x1e7: {  	v3 =	vadd.f32 v11, v6;
	[tilespmem:$0x10540] =	vst v0  }
0x1e8: {  	v0 =	vadd.f32 v15, v2;
	[tilespmem:$0x10550] =	vst v1  }
0x1e9: {  	[tilespmem:$0x10560] =	vst v3  }
0x1ea: {  	s24 =	simm.s32 $0xB0F0;
	[tilespmem:$0x10570] =	vst v0  }
0x1eb: {  	v5 =	vld [tilespmem:s24+$0xFFFFFF90]  }
0x1ec: {  	v6 =	vld [tilespmem:s24+$0xFFFFFFA0]  }
0x1ed: {  	v2 =	vld [tilespmem:s24+$0xFFFFFFB0]  }
0x1ee: {  	v3 =	vld [tilespmem:s24+$0xFFFFFFC0]  }
0x1ef: {  	v0 =	vld [tilespmem:s24+$0xFFFFFFD0]  }
0x1f0: {  	v7 =	vld [tilespmem:s24+$0xFFFFFF10]  }
0x1f1: {  	v8 =	vld [tilespmem:s24+$0xFFFFFF20]  }
0x1f2: {  	v9 =	vld [tilespmem:s24+$0xFFFFFF30]  }
0x1f3: {  	v11 =	vld [tilespmem:s24+$0xFFFFFF40]  }
0x1f4: {  	v1 =	vld [tilespmem:s24+$0xFFFFFFE0]  }
0x1f5: {  	v12 =	vld [tilespmem:s24+$0xFFFFFF50]  }
0x1f6: {  	v4 =	vimm.f32 $0.0e+00;
	v13 =	vld [tilespmem:s24+$0xFFFFFF60]  }
0x1f7: {  	v10 =	vld [tilespmem:s24+$0xFFFFFF70];
	v7 =	vadd.f32 v7, v4  }
0x1f8: {  	v14 =	vld [tilespmem:s24+$0xFFFFFF80];
	v15 =	vadd.f32 v8, v4;
	v17 =	vadd.f32 v9, v4  }
0x1f9: {  	v16 =	vadd.f32 v11, v4;
	v11 =	vld [tilespmem:s24+$0xFFFFFFF0];
	v9 =	vimm.f32 $0.0e+00;
	v8 =	vadd.f32 v5, v7  }
0x1fa: {  	s23 =	simm.s32 $0x0;
	v6 =	vadd.f32 v6, v15;
	v15 =	vld [tilespmem:s24+$0x0];
	s24 =	simm.s32 $0xB1F0;
	v7 =	vimm.f32 $0.0e+00;
	v5 =	vimm.f32 $0.0e+00  }
.LBB2_25:
0x1fb: {  	v18 =	vld [tilespmem:s24+$0xFFFFFF90];
	v17 =	vadd.f32 v2, v17;
	v16 =	vadd.f32 v3, v16  }
0x1fc: {  	v4 =	vadd.f32 v12, v4;
	v9 =	vadd.f32 v13, v9;
	v19 =	vld [tilespmem:s24+$0xFFFFFFA0]  }
0x1fd: {  	v7 =	vadd.f32 v10, v7;
	v2 =	vld [tilespmem:s24+$0xFFFFFFB0];
	v5 =	vadd.f32 v14, v5  }
0x1fe: {  	v4 =	vadd.f32 v0, v4;
	v9 =	vadd.f32 v1, v9;
	v3 =	vld [tilespmem:s24+$0xFFFFFFC0]  }
0x1ff: {  	v7 =	vadd.f32 v11, v7;
	v0 =	vld [tilespmem:s24+$0xFFFFFFD0];
	v5 =	vadd.f32 v15, v5  }
0x200: {  	v1 =	vld [tilespmem:s24+$0xFFFFFFE0]  }
0x201: {  	v11 =	vld [tilespmem:s24+$0xFFFFFF10]  }
0x202: {  	v14 =	vld [tilespmem:s24+$0xFFFFFF20]  }
0x203: {  	v15 =	vld [tilespmem:s24+$0xFFFFFF30]  }
0x204: {  	s23 =	sadd.s32 $0x2, s23;
	v20 =	vld [tilespmem:s24+$0xFFFFFF40]  }
0x205: {  	p0 =	slt.u32 s23, $0x1E;
	v12 =	vld [tilespmem:s24+$0xFFFFFF50]  }
.Ltmp13:
0x206: {  	v13 =	vld [tilespmem:s24+$0xFFFFFF60];
	(pc) =	sbr.rel @p0 .LBB2_25-.Ltmp13, $4  }
0x207: {  	v10 =	vld [tilespmem:s24+$0xFFFFFF70]  }
0x208: {  	v8 =	vadd.f32 v11, v8;
	v6 =	vadd.f32 v14, v6;
	v14 =	vld [tilespmem:s24+$0xFFFFFF80]  }
0x209: {  	v17 =	vadd.f32 v15, v17;
	v16 =	vadd.f32 v20, v16;
	v11 =	vld [tilespmem:s24+$0xFFFFFFF0]  }
0x20a: {  	v8 =	vadd.f32 v18, v8;
	v6 =	vadd.f32 v19, v6;
	v15 =	vld [tilespmem:s24+$0x0];
	s24 =	sadd.s32 $0x100, s24  }
0x20b: {  	_ = 	snop  }
0x20c: {  	v2 =	vadd.f32 v2, v17;
	v4 =	vadd.f32 v12, v4;
	[tilespmem:$0x10580] =	vst v8  }
0x20d: {  	v3 =	vadd.f32 v3, v16;
	v8 =	vadd.f32 v13, v9;
	[tilespmem:$0x10590] =	vst v6  }
0x20e: {  	v6 =	vadd.f32 v10, v7;
	v0 =	vadd.f32 v0, v4;
	[tilespmem:$0x105A0] =	vst v2  }
0x20f: {  	v2 =	vadd.f32 v14, v5;
	[tilespmem:$0x105B0] =	vst v3;
	v1 =	vadd.f32 v1, v8  }
0x210: {  	v3 =	vadd.f32 v11, v6;
	[tilespmem:$0x105C0] =	vst v0  }
0x211: {  	v0 =	vadd.f32 v15, v2;
	[tilespmem:$0x105D0] =	vst v1  }
0x212: {  	[tilespmem:$0x105E0] =	vst v3  }
0x213: {  	s24 =	simm.s32 $0xC000;
	[tilespmem:$0x105F0] =	vst v0  }
0x214: {  	v5 =	vld [tilespmem:s24+$0x80]  }
0x215: {  	v6 =	vld [tilespmem:s24+$0x90]  }
0x216: {  	v2 =	vld [tilespmem:s24+$0xA0]  }
0x217: {  	v3 =	vld [tilespmem:s24+$0xB0]  }
0x218: {  	v0 =	vld [tilespmem:s24+$0xC0]  }
0x219: {  	v7 =	vld [tilespmem:s24+$0x0]  }
0x21a: {  	v8 =	vld [tilespmem:s24+$0x10]  }
0x21b: {  	v9 =	vld [tilespmem:s24+$0x20]  }
0x21c: {  	v11 =	vld [tilespmem:s24+$0x30]  }
0x21d: {  	v1 =	vld [tilespmem:s24+$0xD0]  }
0x21e: {  	v12 =	vld [tilespmem:s24+$0x40]  }
0x21f: {  	v4 =	vimm.f32 $0.0e+00;
	v13 =	vld [tilespmem:s24+$0x50]  }
0x220: {  	v10 =	vld [tilespmem:s24+$0x60];
	v7 =	vadd.f32 v7, v4  }
0x221: {  	v14 =	vld [tilespmem:s24+$0x70];
	v15 =	vadd.f32 v8, v4;
	v17 =	vadd.f32 v9, v4  }
0x222: {  	v16 =	vadd.f32 v11, v4;
	v11 =	vld [tilespmem:s24+$0xE0];
	v9 =	vimm.f32 $0.0e+00;
	v8 =	vadd.f32 v5, v7  }
0x223: {  	s23 =	simm.s32 $0x0;
	v6 =	vadd.f32 v6, v15;
	v15 =	vld [tilespmem:s24+$0xF0];
	s24 =	simm.s32 $0xC100;
	v7 =	vimm.f32 $0.0e+00;
	v5 =	vimm.f32 $0.0e+00  }
.LBB2_27:
0x224: {  	v18 =	vld [tilespmem:s24+$0x80];
	v17 =	vadd.f32 v2, v17;
	v16 =	vadd.f32 v3, v16  }
0x225: {  	v4 =	vadd.f32 v12, v4;
	v9 =	vadd.f32 v13, v9;
	v19 =	vld [tilespmem:s24+$0x90]  }
0x226: {  	v7 =	vadd.f32 v10, v7;
	v2 =	vld [tilespmem:s24+$0xA0];
	v5 =	vadd.f32 v14, v5  }
0x227: {  	v4 =	vadd.f32 v0, v4;
	v9 =	vadd.f32 v1, v9;
	v3 =	vld [tilespmem:s24+$0xB0]  }
0x228: {  	v7 =	vadd.f32 v11, v7;
	v0 =	vld [tilespmem:s24+$0xC0];
	v5 =	vadd.f32 v15, v5  }
0x229: {  	v1 =	vld [tilespmem:s24+$0xD0]  }
0x22a: {  	v11 =	vld [tilespmem:s24+$0x0]  }
0x22b: {  	v14 =	vld [tilespmem:s24+$0x10]  }
0x22c: {  	v15 =	vld [tilespmem:s24+$0x20]  }
0x22d: {  	s23 =	sadd.s32 $0x2, s23;
	v20 =	vld [tilespmem:s24+$0x30]  }
0x22e: {  	p0 =	slt.u32 s23, $0x1E;
	v12 =	vld [tilespmem:s24+$0x40]  }
.Ltmp14:
0x22f: {  	v13 =	vld [tilespmem:s24+$0x50];
	(pc) =	sbr.rel @p0 .LBB2_27-.Ltmp14, $4  }
0x230: {  	v10 =	vld [tilespmem:s24+$0x60]  }
0x231: {  	v8 =	vadd.f32 v11, v8;
	v6 =	vadd.f32 v14, v6;
	v14 =	vld [tilespmem:s24+$0x70]  }
0x232: {  	v17 =	vadd.f32 v15, v17;
	v16 =	vadd.f32 v20, v16;
	v11 =	vld [tilespmem:s24+$0xE0]  }
0x233: {  	v8 =	vadd.f32 v18, v8;
	v6 =	vadd.f32 v19, v6;
	v15 =	vld [tilespmem:s24+$0xF0];
	s24 =	sadd.s32 $0x100, s24  }
0x234: {  	_ = 	snop  }
0x235: {  	v2 =	vadd.f32 v2, v17;
	v4 =	vadd.f32 v12, v4;
	[tilespmem:$0x10600] =	vst v8  }
0x236: {  	v3 =	vadd.f32 v3, v16;
	v8 =	vadd.f32 v13, v9;
	[tilespmem:$0x10610] =	vst v6  }
0x237: {  	v6 =	vadd.f32 v10, v7;
	v0 =	vadd.f32 v0, v4;
	[tilespmem:$0x10620] =	vst v2  }
0x238: {  	v2 =	vadd.f32 v14, v5;
	[tilespmem:$0x10630] =	vst v3;
	v1 =	vadd.f32 v1, v8  }
0x239: {  	v3 =	vadd.f32 v11, v6;
	[tilespmem:$0x10640] =	vst v0  }
0x23a: {  	v0 =	vadd.f32 v15, v2;
	[tilespmem:$0x10650] =	vst v1  }
0x23b: {  	[tilespmem:$0x10660] =	vst v3  }
0x23c: {  	s24 =	simm.s32 $0xD000;
	[tilespmem:$0x10670] =	vst v0  }
0x23d: {  	v5 =	vld [tilespmem:s24+$0x80]  }
0x23e: {  	v6 =	vld [tilespmem:s24+$0x90]  }
0x23f: {  	v2 =	vld [tilespmem:s24+$0xA0]  }
0x240: {  	v3 =	vld [tilespmem:s24+$0xB0]  }
0x241: {  	v0 =	vld [tilespmem:s24+$0xC0]  }
0x242: {  	v7 =	vld [tilespmem:s24+$0x0]  }
0x243: {  	v8 =	vld [tilespmem:s24+$0x10]  }
0x244: {  	v9 =	vld [tilespmem:s24+$0x20]  }
0x245: {  	v11 =	vld [tilespmem:s24+$0x30]  }
0x246: {  	v1 =	vld [tilespmem:s24+$0xD0]  }
0x247: {  	v12 =	vld [tilespmem:s24+$0x40]  }
0x248: {  	v4 =	vimm.f32 $0.0e+00;
	v13 =	vld [tilespmem:s24+$0x50]  }
0x249: {  	v10 =	vld [tilespmem:s24+$0x60];
	v7 =	vadd.f32 v7, v4  }
0x24a: {  	v14 =	vld [tilespmem:s24+$0x70];
	v15 =	vadd.f32 v8, v4;
	v17 =	vadd.f32 v9, v4  }
0x24b: {  	v16 =	vadd.f32 v11, v4;
	v11 =	vld [tilespmem:s24+$0xE0];
	v9 =	vimm.f32 $0.0e+00;
	v8 =	vadd.f32 v5, v7  }
0x24c: {  	s23 =	simm.s32 $0x0;
	v6 =	vadd.f32 v6, v15;
	v15 =	vld [tilespmem:s24+$0xF0];
	s24 =	simm.s32 $0xD100;
	v7 =	vimm.f32 $0.0e+00;
	v5 =	vimm.f32 $0.0e+00  }
.LBB2_29:
0x24d: {  	v18 =	vld [tilespmem:s24+$0x80];
	v17 =	vadd.f32 v2, v17;
	v16 =	vadd.f32 v3, v16  }
0x24e: {  	v4 =	vadd.f32 v12, v4;
	v9 =	vadd.f32 v13, v9;
	v19 =	vld [tilespmem:s24+$0x90]  }
0x24f: {  	v7 =	vadd.f32 v10, v7;
	v2 =	vld [tilespmem:s24+$0xA0];
	v5 =	vadd.f32 v14, v5  }
0x250: {  	v4 =	vadd.f32 v0, v4;
	v9 =	vadd.f32 v1, v9;
	v3 =	vld [tilespmem:s24+$0xB0]  }
0x251: {  	v7 =	vadd.f32 v11, v7;
	v0 =	vld [tilespmem:s24+$0xC0];
	v5 =	vadd.f32 v15, v5  }
0x252: {  	v1 =	vld [tilespmem:s24+$0xD0]  }
0x253: {  	v11 =	vld [tilespmem:s24+$0x0]  }
0x254: {  	v14 =	vld [tilespmem:s24+$0x10]  }
0x255: {  	v15 =	vld [tilespmem:s24+$0x20]  }
0x256: {  	s23 =	sadd.s32 $0x2, s23;
	v20 =	vld [tilespmem:s24+$0x30]  }
0x257: {  	p0 =	slt.u32 s23, $0x1E;
	v12 =	vld [tilespmem:s24+$0x40]  }
.Ltmp15:
0x258: {  	v13 =	vld [tilespmem:s24+$0x50];
	(pc) =	sbr.rel @p0 .LBB2_29-.Ltmp15, $4  }
0x259: {  	v10 =	vld [tilespmem:s24+$0x60]  }
0x25a: {  	v8 =	vadd.f32 v11, v8;
	v6 =	vadd.f32 v14, v6;
	v14 =	vld [tilespmem:s24+$0x70]  }
0x25b: {  	v17 =	vadd.f32 v15, v17;
	v16 =	vadd.f32 v20, v16;
	v11 =	vld [tilespmem:s24+$0xE0]  }
0x25c: {  	v8 =	vadd.f32 v18, v8;
	v6 =	vadd.f32 v19, v6;
	v15 =	vld [tilespmem:s24+$0xF0];
	s24 =	sadd.s32 $0x100, s24  }
0x25d: {  	_ = 	snop  }
0x25e: {  	v2 =	vadd.f32 v2, v17;
	v4 =	vadd.f32 v12, v4;
	[tilespmem:$0x10680] =	vst v8  }
0x25f: {  	v3 =	vadd.f32 v3, v16;
	v8 =	vadd.f32 v13, v9;
	[tilespmem:$0x10690] =	vst v6  }
0x260: {  	v6 =	vadd.f32 v10, v7;
	v0 =	vadd.f32 v0, v4;
	[tilespmem:$0x106A0] =	vst v2  }
0x261: {  	v2 =	vadd.f32 v14, v5;
	[tilespmem:$0x106B0] =	vst v3;
	v1 =	vadd.f32 v1, v8  }
0x262: {  	v3 =	vadd.f32 v11, v6;
	[tilespmem:$0x106C0] =	vst v0  }
0x263: {  	v0 =	vadd.f32 v15, v2;
	[tilespmem:$0x106D0] =	vst v1  }
0x264: {  	[tilespmem:$0x106E0] =	vst v3  }
0x265: {  	s24 =	simm.s32 $0xE000;
	[tilespmem:$0x106F0] =	vst v0  }
0x266: {  	v5 =	vld [tilespmem:s24+$0x80]  }
0x267: {  	v6 =	vld [tilespmem:s24+$0x90]  }
0x268: {  	v2 =	vld [tilespmem:s24+$0xA0]  }
0x269: {  	v3 =	vld [tilespmem:s24+$0xB0]  }
0x26a: {  	v0 =	vld [tilespmem:s24+$0xC0]  }
0x26b: {  	v7 =	vld [tilespmem:s24+$0x0]  }
0x26c: {  	v8 =	vld [tilespmem:s24+$0x10]  }
0x26d: {  	v9 =	vld [tilespmem:s24+$0x20]  }
0x26e: {  	v11 =	vld [tilespmem:s24+$0x30]  }
0x26f: {  	v1 =	vld [tilespmem:s24+$0xD0]  }
0x270: {  	v12 =	vld [tilespmem:s24+$0x40]  }
0x271: {  	v4 =	vimm.f32 $0.0e+00;
	v13 =	vld [tilespmem:s24+$0x50]  }
0x272: {  	v10 =	vld [tilespmem:s24+$0x60];
	v7 =	vadd.f32 v7, v4  }
0x273: {  	v14 =	vld [tilespmem:s24+$0x70];
	v15 =	vadd.f32 v8, v4;
	v17 =	vadd.f32 v9, v4  }
0x274: {  	v16 =	vadd.f32 v11, v4;
	v11 =	vld [tilespmem:s24+$0xE0];
	v9 =	vimm.f32 $0.0e+00;
	v8 =	vadd.f32 v5, v7  }
0x275: {  	s23 =	simm.s32 $0x0;
	v6 =	vadd.f32 v6, v15;
	v15 =	vld [tilespmem:s24+$0xF0];
	s24 =	simm.s32 $0xE100;
	v7 =	vimm.f32 $0.0e+00;
	v5 =	vimm.f32 $0.0e+00  }
.LBB2_31:
0x276: {  	v18 =	vld [tilespmem:s24+$0x80];
	v17 =	vadd.f32 v2, v17;
	v16 =	vadd.f32 v3, v16  }
0x277: {  	v4 =	vadd.f32 v12, v4;
	v9 =	vadd.f32 v13, v9;
	v19 =	vld [tilespmem:s24+$0x90]  }
0x278: {  	v7 =	vadd.f32 v10, v7;
	v2 =	vld [tilespmem:s24+$0xA0];
	v5 =	vadd.f32 v14, v5  }
0x279: {  	v4 =	vadd.f32 v0, v4;
	v9 =	vadd.f32 v1, v9;
	v3 =	vld [tilespmem:s24+$0xB0]  }
0x27a: {  	v7 =	vadd.f32 v11, v7;
	v0 =	vld [tilespmem:s24+$0xC0];
	v5 =	vadd.f32 v15, v5  }
0x27b: {  	v1 =	vld [tilespmem:s24+$0xD0]  }
0x27c: {  	v11 =	vld [tilespmem:s24+$0x0]  }
0x27d: {  	v14 =	vld [tilespmem:s24+$0x10]  }
0x27e: {  	v15 =	vld [tilespmem:s24+$0x20]  }
0x27f: {  	s23 =	sadd.s32 $0x2, s23;
	v20 =	vld [tilespmem:s24+$0x30]  }
0x280: {  	p0 =	slt.u32 s23, $0x1E;
	v12 =	vld [tilespmem:s24+$0x40]  }
.Ltmp16:
0x281: {  	v13 =	vld [tilespmem:s24+$0x50];
	(pc) =	sbr.rel @p0 .LBB2_31-.Ltmp16, $4  }
0x282: {  	v10 =	vld [tilespmem:s24+$0x60]  }
0x283: {  	v8 =	vadd.f32 v11, v8;
	v6 =	vadd.f32 v14, v6;
	v14 =	vld [tilespmem:s24+$0x70]  }
0x284: {  	v17 =	vadd.f32 v15, v17;
	v16 =	vadd.f32 v20, v16;
	v11 =	vld [tilespmem:s24+$0xE0]  }
0x285: {  	v8 =	vadd.f32 v18, v8;
	v6 =	vadd.f32 v19, v6;
	v15 =	vld [tilespmem:s24+$0xF0];
	s24 =	sadd.s32 $0x100, s24  }
0x286: {  	_ = 	snop  }
0x287: {  	v2 =	vadd.f32 v2, v17;
	v4 =	vadd.f32 v12, v4;
	[tilespmem:$0x10700] =	vst v8  }
0x288: {  	v3 =	vadd.f32 v3, v16;
	v8 =	vadd.f32 v13, v9;
	[tilespmem:$0x10710] =	vst v6  }
0x289: {  	v6 =	vadd.f32 v10, v7;
	v0 =	vadd.f32 v0, v4;
	[tilespmem:$0x10720] =	vst v2  }
0x28a: {  	v2 =	vadd.f32 v14, v5;
	[tilespmem:$0x10730] =	vst v3;
	v1 =	vadd.f32 v1, v8  }
0x28b: {  	v3 =	vadd.f32 v11, v6;
	[tilespmem:$0x10740] =	vst v0  }
0x28c: {  	v0 =	vadd.f32 v15, v2;
	[tilespmem:$0x10750] =	vst v1  }
0x28d: {  	[tilespmem:$0x10760] =	vst v3  }
0x28e: {  	s24 =	simm.s32 $0xF000;
	[tilespmem:$0x10770] =	vst v0  }
0x28f: {  	v5 =	vld [tilespmem:s24+$0x80]  }
0x290: {  	v6 =	vld [tilespmem:s24+$0x90]  }
0x291: {  	v2 =	vld [tilespmem:s24+$0xA0]  }
0x292: {  	v3 =	vld [tilespmem:s24+$0xB0]  }
0x293: {  	v0 =	vld [tilespmem:s24+$0xC0]  }
0x294: {  	v7 =	vld [tilespmem:s24+$0x0]  }
0x295: {  	v8 =	vld [tilespmem:s24+$0x10]  }
0x296: {  	v9 =	vld [tilespmem:s24+$0x20]  }
0x297: {  	v11 =	vld [tilespmem:s24+$0x30]  }
0x298: {  	v1 =	vld [tilespmem:s24+$0xD0]  }
0x299: {  	v12 =	vld [tilespmem:s24+$0x40]  }
0x29a: {  	v4 =	vimm.f32 $0.0e+00;
	v13 =	vld [tilespmem:s24+$0x50]  }
0x29b: {  	v10 =	vld [tilespmem:s24+$0x60];
	v7 =	vadd.f32 v7, v4  }
0x29c: {  	v14 =	vld [tilespmem:s24+$0x70];
	v15 =	vadd.f32 v8, v4;
	v17 =	vadd.f32 v9, v4  }
0x29d: {  	v16 =	vadd.f32 v11, v4;
	v11 =	vld [tilespmem:s24+$0xE0];
	v9 =	vimm.f32 $0.0e+00;
	v8 =	vadd.f32 v5, v7  }
0x29e: {  	s23 =	simm.s32 $0x0;
	v6 =	vadd.f32 v6, v15;
	v15 =	vld [tilespmem:s24+$0xF0];
	s24 =	simm.s32 $0xF100;
	v7 =	vimm.f32 $0.0e+00;
	v5 =	vimm.f32 $0.0e+00  }
.LBB2_33:
0x29f: {  	v18 =	vld [tilespmem:s24+$0x80];
	v17 =	vadd.f32 v2, v17;
	v16 =	vadd.f32 v3, v16  }
0x2a0: {  	v4 =	vadd.f32 v12, v4;
	v9 =	vadd.f32 v13, v9;
	v19 =	vld [tilespmem:s24+$0x90]  }
0x2a1: {  	v7 =	vadd.f32 v10, v7;
	v2 =	vld [tilespmem:s24+$0xA0];
	v5 =	vadd.f32 v14, v5  }
0x2a2: {  	v4 =	vadd.f32 v0, v4;
	v9 =	vadd.f32 v1, v9;
	v3 =	vld [tilespmem:s24+$0xB0]  }
0x2a3: {  	v7 =	vadd.f32 v11, v7;
	v0 =	vld [tilespmem:s24+$0xC0];
	v5 =	vadd.f32 v15, v5  }
0x2a4: {  	v1 =	vld [tilespmem:s24+$0xD0]  }
0x2a5: {  	v11 =	vld [tilespmem:s24+$0x0]  }
0x2a6: {  	v14 =	vld [tilespmem:s24+$0x10]  }
0x2a7: {  	v15 =	vld [tilespmem:s24+$0x20]  }
0x2a8: {  	s23 =	sadd.s32 $0x2, s23;
	v20 =	vld [tilespmem:s24+$0x30]  }
0x2a9: {  	p0 =	slt.u32 s23, $0x1E;
	v12 =	vld [tilespmem:s24+$0x40]  }
.Ltmp17:
0x2aa: {  	v13 =	vld [tilespmem:s24+$0x50];
	(pc) =	sbr.rel @p0 .LBB2_33-.Ltmp17, $4  }
0x2ab: {  	v10 =	vld [tilespmem:s24+$0x60]  }
0x2ac: {  	v8 =	vadd.f32 v11, v8;
	v6 =	vadd.f32 v14, v6;
	v14 =	vld [tilespmem:s24+$0x70]  }
0x2ad: {  	v17 =	vadd.f32 v15, v17;
	v16 =	vadd.f32 v20, v16;
	v11 =	vld [tilespmem:s24+$0xE0]  }
0x2ae: {  	v8 =	vadd.f32 v18, v8;
	v6 =	vadd.f32 v19, v6;
	v15 =	vld [tilespmem:s24+$0xF0];
	s24 =	sadd.s32 $0x100, s24  }
0x2af: {  	_ = 	snop  }
0x2b0: {  	v2 =	vadd.f32 v2, v17;
	v4 =	vadd.f32 v12, v4;
	[tilespmem:$0x10780] =	vst v8  }
0x2b1: {  	v3 =	vadd.f32 v3, v16;
	v59 =	vadd.f32 v13, v9;
	[tilespmem:$0x10790] =	vst v6  }
0x2b2: {  	v60 =	vadd.f32 v10, v7;
	v0 =	vadd.f32 v0, v4;
	[tilespmem:$0x107A0] =	vst v2  }
0x2b3: {  	v61 =	vadd.f32 v14, v5;
	v1 =	vadd.f32 v1, v59;
	[tilespmem:$0x107B0] =	vst v3  }
.Ltmp18:
0x2b4: {  	v62 =	vadd.f32 v11, v60;
	[tilespmem:$0x107C0] =	vst v0;
	(pc) =	sbr.rel @p1 .LBB2_36-.Ltmp18, $4  }
0x2b5: {  	v63 =	vadd.f32 v15, v61;
	[tilespmem:$0x107D0] =	vst v1  }
0x2b6: {  	s22 =	sshll.u32 s22, $0x4;
	[tilespmem:$0x107E0] =	vst v62  }
0x2b7: {  	s22 =	sadd.s32 s3, s22;
	[tilespmem:$0x107F0] =	vst v63  }
0x2b8: {  	[hbm4b:s22+s4] =	stream.linear.scatter [tilespmem:s16], [sflag:$0x4], $0x400, $0x38;
	[tilespmem:$0x10800] =	vst v63  }
.Ltmp19:
0x2b9: {  	s21 =	sadd.s32 s21, s10;
	(pc) =	sbr.rel .LBB2_2-.Ltmp19, $4  }
0x2ba: {  	s21 =	smin.u32 s21, $0x2708  }
0x2bb: {  	s21 =	sshll.u32 s21, $0x9  }
0x2bc: {  	s20 =	sadd.s32 $0x1, s20;
	s21 =	sadd.s32 s2, s21  }
0x2bd: {  	[tilespmem:s12], [sflag:$0x2] =	stream.linear.gather [hbm4b:s21+s4], $0x8000, $0x38;
	[tilespmem:$0x10800] =	vst v63  }
.LBB2_37:
0x2be: {  	_ =	sfence.sel $0x180000  }
0x2bf: {  	[bflag:$0x0] =	sbarrier.arrive $0xFFFF  }
0x2c0: {  	p0 =	sne.s32 s0, $0x0;
	_ =	strace $0x90000047  }
0x2c1: {  	s0 =	sadd.s32 @!p0 $0x100000, s1;
	[bflag:$0x2] =	sbarrier.arrive $0xFFFF  }
0x2c2: {  	[sflag:s0] =	ssyncadd.tile.s32 @!p0 $0x1;
	_ =	shalt  }
.Lfunc_end2:
_tile_overlayer_lowered:
.L_overlay_start_2:
0x2c3: {  	(tag) =	ssettag $0x2  }
0x2c4: {  	s0 =	rddreg [dreg:$0x0];
	s2 =	stileid.u32  }
0x2c5: {  	s1 =	rddreg [dreg:$0x1];
	p0 =	sne.s32 s2, $0x0  }
0x2c6: {  	s3 =	rddreg [dreg:$0x2];
	[bflag:$0x3] =	sbarrier.arrive $0xFFFF;
	s2 =	simm.s32 @!p0 $0x1C05  }
0x2c7: {  	[timem:s3], [sflag:s2] =	dma.local @!p0 [hbm:s0], s1  }
0x2c8: {  	s0 =	simm.s32 @!p0 $0x5  }
0x2c9: {  	_ =	swait.ge @!p0 [sflag:s0], s1  }
0x2ca: {  	s1 =	ssub.s32 @!p0 $0x0, s1;
	[sflag:s0] =	ssyncset.done @!p0 $0x0  }
0x2cb: {  	[sflag:s0] =	ssyncadd.s32 @!p0 s1  }
0x2cc: {  	[bflag:$0x3] =	sbarrier.arrive $0xFFFF  }
0x2cd: {  	_ =	shalt  }

</sc_bundles>
